<compile_context>
chip_gen: v7x
topology: tpu7x:2x2x1
jax: 0.10.2.dev20260603
libtpu: 0.0.44.dev20260713+nightly
codegen_flags: <defaults>
</compile_context>

<pallas_src>
import functools

import jax
import jax.numpy as jnp
from jax import lax
from jax.experimental import pallas as pl
from jax.experimental.pallas import tpu as pltpu
from jax.experimental.pallas import tpu_sc as plsc

N_NODES = 10000
N_EDGES = 320000
F_NODE = 128
HID = 16
N_TGT = 128

NC = 2
NS = 16
NW = NC * NS
CH = 512
CHUNKS = 20
EPT = CH * CHUNKS
IDXW = 128
NIR = CH // IDXW
IPT = EPT // IDXW
NIDX = N_EDGES // IDXW
ACC_ROWS = 10112
ACC_PT = ACC_ROWS // NS
G_ROWS = 10240
G_PT = G_ROWS // NS

ATB = 32000
NBLK_A = N_EDGES // ATB

BN = 2000


def _g_body(x_ref, w_ref, b_ref, o_ref):
    g = (
        jnp.dot(x_ref[...], w_ref[...], preferred_element_type=jnp.float32)
        + b_ref[...]
    )
    o_ref[...] = jnp.concatenate(
        [g, jnp.zeros((G_ROWS - N_NODES, HID), jnp.float32)])


def _at_body(w_ref, eat_ref, o_ref):
    o_ref[...] = jnp.dot(
        w_ref[...], eat_ref[...], preferred_element_type=jnp.float32
    )


def _node_body(x_ref, sg_ref, w2_ref, b2_ref, w3a_ref, w3b_ref, b3_ref,
               w4_ref, b4_ref, o_ref):
    sg = sg_ref[...]
    acc = sg[0] + sg[1]
    seg_sum = acc[:, :HID]
    cnt = acc[:, HID:HID + 1]
    mean_r = seg_sum / jnp.maximum(cnt, 1.0)
    m = (
        jnp.dot(mean_r, w2_ref[...], preferred_element_type=jnp.float32)
        + b2_ref[...]
    )
    m = jnp.where(cnt > 0.0, m, 0.0)
    h = (
        jnp.dot(x_ref[...], w3a_ref[...], preferred_element_type=jnp.float32)
        + jnp.dot(m, w3b_ref[...], preferred_element_type=jnp.float32)
        + b3_ref[...]
    )
    h = jnp.maximum(h, 0.0)
    o_ref[...] = (
        jnp.dot(h, w4_ref[...], preferred_element_type=jnp.float32)
        + b4_ref[...]
    )


def _sc_edge_body(g_hbm, at_hbm, ei_hbm, out_hbm,
                  colv, rowv, avt, gv, r32, g_sp, acc_sp,
                  sem_in, sem_g, sem_s):
    c = lax.axis_index("c")
    s = lax.axis_index("s")
    wid = s * NC + c

    zeros16 = jnp.zeros((16,), jnp.float32)
    ones16 = jnp.full((16,), 1.0, jnp.float32)
    lanes = jnp.arange(16, dtype=jnp.int32)

    def fire_loads(t, b):
        ir = wid * IPT + t * NIR
        ebase = wid * EPT + t * CH
        pltpu.async_copy(ei_hbm.at[pl.ds(NIDX + ir, NIR)], colv.at[b],
                         sem_in)
        pltpu.async_copy(ei_hbm.at[pl.ds(ir, NIR)], rowv.at[b], sem_in)
        pltpu.async_copy(at_hbm.at[:, pl.ds(ebase, CH)], avt.at[b], sem_in)

    def drain_loads(t, b):
        ir = wid * IPT + t * NIR
        ebase = wid * EPT + t * CH
        pltpu.make_async_copy(ei_hbm.at[pl.ds(NIDX + ir, NIR)], colv.at[b],
                              sem_in).wait()
        pltpu.make_async_copy(ei_hbm.at[pl.ds(ir, NIR)], rowv.at[b],
                              sem_in).wait()
        pltpu.make_async_copy(at_hbm.at[:, pl.ds(ebase, CH)], avt.at[b],
                              sem_in).wait()

    def fire_gathers(b):
        for j in range(NIR):
            pltpu.async_copy(g_sp.at[colv.at[b, j]],
                             gv.at[b, pl.ds(j * IDXW, IDXW)], sem_g)

    def drain_gathers(b):
        for j in range(NIR):
            pltpu.make_async_copy(g_sp.at[colv.at[b, j]],
                                  gv.at[b, pl.ds(j * IDXW, IDXW)],
                                  sem_g).wait()

    def fire_scatters(b):
        for j in range(NIR):
            pltpu.async_copy(r32.at[b, pl.ds(j * IDXW, IDXW)],
                             acc_sp.at[rowv.at[b, j]], sem_s, add=True)

    def drain_scatters(b):
        for j in range(NIR):
            pltpu.make_async_copy(r32.at[b, pl.ds(j * IDXW, IDXW)],
                                  acc_sp.at[rowv.at[b, j]], sem_s).wait()

    def compute(b):
        @plsc.parallel_loop(0, CH, unroll=8)
        def _edge(i):
            a = plsc.load_gather(avt.at[b],
                                 [lanes, jnp.full((16,), i, jnp.int32)])
            r32[b, i, pl.ds(0, 16)] = jnp.maximum(gv[b, i] + a, 0.0)

    @plsc.parallel_loop(0, CH, unroll=8)
    def _zero(i):
        r32[0, i, pl.ds(0, 16)] = zeros16
        r32[0, i, pl.ds(16, 16)] = zeros16
        r32[1, i, pl.ds(0, 16)] = zeros16
        r32[1, i, pl.ds(16, 16)] = zeros16

    fire_loads(0, 0)
    pltpu.sync_copy(r32.at[0, pl.ds(0, ACC_PT)],
                    acc_sp.at[pl.ds(s * ACC_PT, ACC_PT)])
    pltpu.sync_copy(g_hbm.at[pl.ds(s * G_PT, G_PT)],
                    g_sp.at[pl.ds(s * G_PT, G_PT)])

    @plsc.parallel_loop(0, CH, unroll=8)
    def _ones(i):
        r32[0, i, pl.ds(16, 16)] = ones16
        r32[1, i, pl.ds(16, 16)] = ones16

    plsc.subcore_barrier()
    drain_loads(0, 0)
    fire_gathers(0)

    @pl.loop(0, CHUNKS // 2)
    def _pair(tt):
        for sub in range(2):
            b = sub
            t = tt * 2 + sub
            ebase = wid * EPT + t * CH
            vt = ebase < N_EDGES
            vprev = (wid * EPT + (t - 1) * CH) < N_EDGES
            vnext = (wid * EPT + (t + 1) * CH) < N_EDGES

            @pl.when(jnp.logical_and(t >= 1, vprev))
            def _ds():
                drain_scatters(1 - b)

            @pl.when(jnp.logical_and(t + 1 < CHUNKS, vnext))
            def _fl():
                fire_loads(t + 1, 1 - b)

            @pl.when(vt)
            def _main():
                drain_gathers(b)
                compute(b)

            @pl.when(jnp.logical_and(t + 1 < CHUNKS, vnext))
            def _fg():
                drain_loads(t + 1, 1 - b)
                fire_gathers(1 - b)

            @pl.when(vt)
            def _fs():
                fire_scatters(b)

    @pl.when((wid * EPT + (CHUNKS - 1) * CH) < N_EDGES)
    def _final_drain():
        drain_scatters((CHUNKS - 1) % 2)

    plsc.subcore_barrier()
    pltpu.sync_copy(acc_sp.at[pl.ds(s * ACC_PT, ACC_PT)],
                    out_hbm.at[c, pl.ds(s * ACC_PT, ACC_PT)])


@functools.cache
def _make_sc_edge():
    return pl.kernel(
        _sc_edge_body,
        out_type=jax.ShapeDtypeStruct((NC, ACC_ROWS, 32), jnp.float32),
        mesh=plsc.VectorSubcoreMesh(core_axis_name="c", subcore_axis_name="s",
                                    num_cores=NC, num_subcores=NS),
        scratch_types=[
            pltpu.VMEM((2, NIR, IDXW), jnp.int32),
            pltpu.VMEM((2, NIR, IDXW), jnp.int32),
            pltpu.VMEM((2, HID, CH), jnp.float32),
            pltpu.VMEM((2, CH, HID), jnp.float32),
            pltpu.VMEM((2, CH, 32), jnp.float32),
            pltpu.VMEM_SHARED((G_ROWS, HID), jnp.float32),
            pltpu.VMEM_SHARED((ACC_ROWS, 32), jnp.float32),
            pltpu.SemaphoreType.DMA,
            pltpu.SemaphoreType.DMA,
            pltpu.SemaphoreType.DMA,
        ],
        compiler_params=pltpu.CompilerParams(use_tc_tiling_on_sc=False,
                                             needs_layout_passes=False),
    )


def kernel(x, edge_index, edge_attr, u, batch, W1, b1, W2, b2, W3, b3, W4, b4):
    del u, batch
    W1a, W1b = W1[:F_NODE], W1[F_NODE:]
    W3a, W3b = W3[:F_NODE], W3[F_NODE:]
    ei = edge_index.reshape(2 * NIDX, IDXW)

    G = pl.pallas_call(
        _g_body,
        out_shape=jax.ShapeDtypeStruct((G_ROWS, HID), jnp.float32),
    )(x, W1a, b1.reshape(1, HID))

    A_t = pl.pallas_call(
        _at_body,
        grid=(NBLK_A,),
        in_specs=[
            pl.BlockSpec((HID, HID), lambda i: (0, 0)),
            pl.BlockSpec((HID, ATB), lambda i: (0, i)),
        ],
        out_specs=pl.BlockSpec((HID, ATB), lambda i: (0, i)),
        out_shape=jax.ShapeDtypeStruct((HID, N_EDGES), jnp.float32),
    )(W1b.T, edge_attr.T)

    SG = _make_sc_edge()(G, A_t, ei)

    out = pl.pallas_call(
        _node_body,
        grid=(N_NODES // BN,),
        in_specs=[
            pl.BlockSpec((BN, F_NODE), lambda i: (i, 0)),
            pl.BlockSpec((NC, BN, 32), lambda i: (0, i, 0)),
            pl.BlockSpec((HID, HID), lambda i: (0, 0)),
            pl.BlockSpec((1, HID), lambda i: (0, 0)),
            pl.BlockSpec((F_NODE, HID), lambda i: (0, 0)),
            pl.BlockSpec((HID, HID), lambda i: (0, 0)),
            pl.BlockSpec((1, HID), lambda i: (0, 0)),
            pl.BlockSpec((HID, N_TGT), lambda i: (0, 0)),
            pl.BlockSpec((1, N_TGT), lambda i: (0, 0)),
        ],
        out_specs=pl.BlockSpec((BN, N_TGT), lambda i: (i, 0)),
        out_shape=jax.ShapeDtypeStruct((N_NODES, N_TGT), jnp.float32),
    )(x, SG, W2, b2.reshape(1, HID), W3a, W3b, b3.reshape(1, HID),
      W4, b4.reshape(1, N_TGT))
    return out

# --- scband reference (transcript-rebuilt; emitter-appended) ---
"""Pipeline reference for scband-node-model-43757126811843 (READ-ONLY COPY).

The authoritative reference and input builder live on the scoring server;
editing this copy changes nothing except your own understanding.
"""

import jax, jax.numpy as jnp
import numpy as np

N_NODES = 10000
N_EDGES = 320000
F_NODE = 128
HID = 16
N_TGT = 128


def setup_inputs(seed: int = 0) -> dict:
    key = jax.random.key(seed)
    ks = jax.random.split(key, 16)
    x = jax.random.normal(ks[0], (N_NODES, F_NODE), dtype=jnp.float32)
    edge_index = jax.random.randint(ks[1], (2, N_EDGES), 0, N_NODES)
    edge_attr = jax.random.normal(ks[2], (N_EDGES, HID), dtype=jnp.float32)
    u = jax.random.normal(ks[3], (1, HID), dtype=jnp.float32)
    batch = jnp.zeros((N_NODES,), dtype=jnp.int32)
    # node_mlp_1: Linear(F+H, H) -> ReLU -> Linear(H, H)
    W1 = jax.random.normal(ks[4], (F_NODE + HID, HID), dtype=jnp.float32) * (1.0 / np.sqrt(F_NODE + HID))
    b1 = jnp.zeros((HID,), dtype=jnp.float32)
    W2 = jax.random.normal(ks[5], (HID, HID), dtype=jnp.float32) * (1.0 / np.sqrt(HID))
    b2 = jnp.zeros((HID,), dtype=jnp.float32)
    # node_mlp_2: Linear(F+H, H) -> ReLU -> Linear(H, T)
    W3 = jax.random.normal(ks[6], (F_NODE + HID, HID), dtype=jnp.float32) * (1.0 / np.sqrt(F_NODE + HID))
    b3 = jnp.zeros((HID,), dtype=jnp.float32)
    W4 = jax.random.normal(ks[7], (HID, N_TGT), dtype=jnp.float32) * (1.0 / np.sqrt(HID))
    b4 = jnp.zeros((N_TGT,), dtype=jnp.float32)
    return {"x": x, "edge_index": edge_index, "edge_attr": edge_attr, "u": u, "batch": batch,
            "W1": W1, "b1": b1, "W2": W2, "b2": b2, "W3": W3, "b3": b3, "W4": W4, "b4": b4}


def reference(x, edge_index, edge_attr, u, batch, W1, b1, W2, b2, W3, b3, W4, b4):
    row = edge_index[0]
    col = edge_index[1]
    out = jnp.concatenate([x[col], edge_attr], axis=1)
    out = jnp.maximum(out @ W1 + b1, 0.0)
    out = out @ W2 + b2
    sums = jax.ops.segment_sum(out, row, num_segments=x.shape[0])
    cnt = jax.ops.segment_sum(jnp.ones((row.shape[0],), dtype=out.dtype), row, num_segments=x.shape[0])
    mean = sums / jnp.clip(cnt, 1.0, None)[:, None]
    out = jnp.concatenate([x, mean], axis=1)
    out = jnp.maximum(out @ W3 + b3, 0.0)
    out = out @ W4 + b4
    return out

if __name__ == "__main__":
    import jax
    _d = setup_inputs()
    print(jax.jit(kernel)(*tuple(_d.values())))

</pallas_src>

<mosaic_0001>
#map = affine_map<(d0, d1) -> (0, 0)>
#map1 = affine_map<(d0, d1) -> (0, 0, 0)>
module attributes {stable_mosaic.version = 14 : i64} {
  func.func @_sc_edge_body(%arg0: i32, %arg1: i32, %arg2: memref<10240x16xf32, #tpu.memory_space<hbm>>, %arg3: memref<16x320000xf32, #tpu.memory_space<hbm>>, %arg4: memref<5000x128xi32, #tpu.memory_space<hbm>>, %arg5: memref<2x10112x32xf32, #tpu.memory_space<hbm>>, %arg6: memref<2x4x128xi32, #tpu.memory_space<vmem>>, %arg7: memref<2x4x128xi32, #tpu.memory_space<vmem>>, %arg8: memref<2x16x512xf32, #tpu.memory_space<vmem>>, %arg9: memref<2x512x16xf32, #tpu.memory_space<vmem>>, %arg10: memref<2x512x32xf32, #tpu.memory_space<vmem>>, %arg11: memref<10240x16xf32, #tpu.memory_space<vmem_shared>>, %arg12: memref<10112x32xf32, #tpu.memory_space<vmem_shared>>, %arg13: memref<!tpu.dma_semaphore, #tpu.memory_space<semaphore_mem>>, %arg14: memref<!tpu.dma_semaphore, #tpu.memory_space<semaphore_mem>>, %arg15: memref<!tpu.dma_semaphore, #tpu.memory_space<semaphore_mem>>) attributes {dimension_semantics = [#tpu.dimension_semantics<core_parallel>, #tpu.dimension_semantics<subcore_parallel>], iteration_bounds = array<i64: 2, 16>, scalar_prefetch = 0 : i64, scratch_operands = 10 : i64, tpu.core_type = #tpu.core_type<sc_vector_subcore>, window_params = [{transform_indices = #map}, {transform_indices = #map}, {transform_indices = #map}, {transform_indices = #map1}]} {
    %mul3A = arith.constant 2 : i32
    %mul3A_0 = arith.muli %arg1, %mul3A : i32
    %add3A = arith.addi %mul3A_0, %arg0 : i32
    %broadcast_in_dim3A = arith.constant 0.000000e+00 : f32
    %broadcast_in_dim3A_1 = vector.broadcast %broadcast_in_dim3A : f32 to vector<16xf32>
    %broadcast_in_dim3A_2 = arith.constant 1.000000e+00 : f32
    %broadcast_in_dim3A_3 = vector.broadcast %broadcast_in_dim3A_2 : f32 to vector<16xf32>
    %iota3A = tpu.iota {dimensions = array<i32: 0>} : vector<16xi32>
    %parallel_loop3A = arith.constant 0 : i32
    %parallel_loop3A_4 = arith.constant 512 : i32
    %parallel_loop3A_5 = arith.constant 1 : i32
    scf.for %parallel_loop3A_178 = %parallel_loop3A to %parallel_loop3A_4 step %parallel_loop3A_5  : i32 {
      %parallel_loop3A_179 = arith.constant 0 : i32
      %parallel_loop3A_180 = arith.index_cast %parallel_loop3A_179 : i32 to index
      %parallel_loop3A_181 = arith.index_cast %parallel_loop3A_178 : i32 to index
      %parallel_loop3A_182 = arith.constant 0 : index
      %parallel_loop3A_183 = tpu.vector_load %arg10[%parallel_loop3A_180, %parallel_loop3A_181, %parallel_loop3A_182] {strides = array<i32>} : memref<2x512x32xf32, #tpu.memory_space<vmem>>, vector<16xf32>,
      tpu.vector_store %arg10[%parallel_loop3A_180, %parallel_loop3A_181, %parallel_loop3A_182], %broadcast_in_dim3A_1 {strides = array<i32>} : memref<2x512x32xf32, #tpu.memory_space<vmem>>, vector<16xf32>,
      %parallel_loop3A_184 = arith.constant 0 : i32
      %parallel_loop3A_185 = arith.index_cast %parallel_loop3A_184 : i32 to index
      %parallel_loop3A_186 = arith.index_cast %parallel_loop3A_178 : i32 to index
      %parallel_loop3A_187 = arith.constant 16 : index
      %parallel_loop3A_188 = tpu.vector_load %arg10[%parallel_loop3A_185, %parallel_loop3A_186, %parallel_loop3A_187] {strides = array<i32>} : memref<2x512x32xf32, #tpu.memory_space<vmem>>, vector<16xf32>,
      tpu.vector_store %arg10[%parallel_loop3A_185, %parallel_loop3A_186, %parallel_loop3A_187], %broadcast_in_dim3A_1 {strides = array<i32>} : memref<2x512x32xf32, #tpu.memory_space<vmem>>, vector<16xf32>,
      %parallel_loop3A_189 = arith.constant 1 : i32
      %parallel_loop3A_190 = arith.index_cast %parallel_loop3A_189 : i32 to index
      %parallel_loop3A_191 = arith.index_cast %parallel_loop3A_178 : i32 to index
      %parallel_loop3A_192 = arith.constant 0 : index
      %parallel_loop3A_193 = tpu.vector_load %arg10[%parallel_loop3A_190, %parallel_loop3A_191, %parallel_loop3A_192] {strides = array<i32>} : memref<2x512x32xf32, #tpu.memory_space<vmem>>, vector<16xf32>,
      tpu.vector_store %arg10[%parallel_loop3A_190, %parallel_loop3A_191, %parallel_loop3A_192], %broadcast_in_dim3A_1 {strides = array<i32>} : memref<2x512x32xf32, #tpu.memory_space<vmem>>, vector<16xf32>,
      %parallel_loop3A_194 = arith.constant 1 : i32
      %parallel_loop3A_195 = arith.index_cast %parallel_loop3A_194 : i32 to index
      %parallel_loop3A_196 = arith.index_cast %parallel_loop3A_178 : i32 to index
      %parallel_loop3A_197 = arith.constant 16 : index
      %parallel_loop3A_198 = tpu.vector_load %arg10[%parallel_loop3A_195, %parallel_loop3A_196, %parallel_loop3A_197] {strides = array<i32>} : memref<2x512x32xf32, #tpu.memory_space<vmem>>, vector<16xf32>,
      tpu.vector_store %arg10[%parallel_loop3A_195, %parallel_loop3A_196, %parallel_loop3A_197], %broadcast_in_dim3A_1 {strides = array<i32>} : memref<2x512x32xf32, #tpu.memory_space<vmem>>, vector<16xf32>,
    } {sc.loop_unroll_factor = 8 : i64, sc.parallel_access}
    %mul3A_6 = arith.constant 80 : i32
    %mul3A_7 = arith.muli %add3A, %mul3A_6 : i32
    %add3A_8 = arith.constant 0 : i32
    %add3A_9 = arith.addi %mul3A_7, %add3A_8 : i32
    %mul3A_10 = arith.constant 10240 : i32
    %mul3A_11 = arith.muli %add3A, %mul3A_10 : i32
    %add3A_12 = arith.constant 0 : i32
    %add3A_13 = arith.addi %mul3A_11, %add3A_12 : i32
    %add3A_14 = arith.constant 2500 : i32
    %add3A_15 = arith.addi %add3A_14, %add3A_9 : i32
    %dma_start3A = arith.constant 0 : i32
    %dma_start3A_16 = arith.constant 0 : i32
    %dma_start3A_17 = arith.constant 0 : i32
    %dma_start3A_18 = tpu.memref_slice %arg6[%dma_start3A, %dma_start3A_16, %dma_start3A_17] : memref<2x4x128xi32, #tpu.memory_space<vmem>> -> memref<1x4x128xi32, #tpu.memory_space<vmem>>
    %dma_start3A_19 = tpu.memref_squeeze %dma_start3A_18 : memref<1x4x128xi32, #tpu.memory_space<vmem>> -> memref<4x128xi32, #tpu.memory_space<vmem>>
    %dma_start3A_20 = arith.constant 0 : i32
    %dma_start3A_21 = tpu.memref_slice %arg4[%add3A_15, %dma_start3A_20] : memref<5000x128xi32, #tpu.memory_space<hbm>> -> memref<4x128xi32, #tpu.memory_space<hbm>>
    %dma_start3A_22 = arith.constant 0 : i32
    %dma_start3A_23 = arith.constant 0 : i32
    %dma_start3A_24 = tpu.memref_slice %arg6[%dma_start3A, %dma_start3A_22, %dma_start3A_23] : memref<2x4x128xi32, #tpu.memory_space<vmem>> -> memref<1x4x128xi32, #tpu.memory_space<vmem>>
    %dma_start3A_25 = tpu.memref_squeeze %dma_start3A_24 : memref<1x4x128xi32, #tpu.memory_space<vmem>> -> memref<4x128xi32, #tpu.memory_space<vmem>>
    %dma_start3A_26 = arith.constant 0 : i32
    %dma_start3A_27 = tpu.memref_slice %arg4[%add3A_15, %dma_start3A_26] : memref<5000x128xi32, #tpu.memory_space<hbm>> -> memref<4x128xi32, #tpu.memory_space<hbm>>
    tpu.enqueue_dma source(%dma_start3A_27 : memref<4x128xi32, #tpu.memory_space<hbm>>) target(%dma_start3A_25 : memref<4x128xi32, #tpu.memory_space<vmem>>) target_semaphore(%arg13 : memref<!tpu.dma_semaphore, #tpu.memory_space<semaphore_mem>>)
    %dma_start3A_28 = arith.constant 0 : i32
    %dma_start3A_29 = arith.constant 0 : i32
    %dma_start3A_30 = arith.constant 0 : i32
    %dma_start3A_31 = tpu.memref_slice %arg7[%dma_start3A_28, %dma_start3A_29, %dma_start3A_30] : memref<2x4x128xi32, #tpu.memory_space<vmem>> -> memref<1x4x128xi32, #tpu.memory_space<vmem>>
    %dma_start3A_32 = tpu.memref_squeeze %dma_start3A_31 : memref<1x4x128xi32, #tpu.memory_space<vmem>> -> memref<4x128xi32, #tpu.memory_space<vmem>>
    %dma_start3A_33 = arith.constant 0 : i32
    %dma_start3A_34 = tpu.memref_slice %arg4[%add3A_9, %dma_start3A_33] : memref<5000x128xi32, #tpu.memory_space<hbm>> -> memref<4x128xi32, #tpu.memory_space<hbm>>
    %dma_start3A_35 = arith.constant 0 : i32
    %dma_start3A_36 = arith.constant 0 : i32
    %dma_start3A_37 = tpu.memref_slice %arg7[%dma_start3A_28, %dma_start3A_35, %dma_start3A_36] : memref<2x4x128xi32, #tpu.memory_space<vmem>> -> memref<1x4x128xi32, #tpu.memory_space<vmem>>
    %dma_start3A_38 = tpu.memref_squeeze %dma_start3A_37 : memref<1x4x128xi32, #tpu.memory_space<vmem>> -> memref<4x128xi32, #tpu.memory_space<vmem>>
    %dma_start3A_39 = arith.constant 0 : i32
    %dma_start3A_40 = tpu.memref_slice %arg4[%add3A_9, %dma_start3A_39] : memref<5000x128xi32, #tpu.memory_space<hbm>> -> memref<4x128xi32, #tpu.memory_space<hbm>>
    tpu.enqueue_dma source(%dma_start3A_40 : memref<4x128xi32, #tpu.memory_space<hbm>>) target(%dma_start3A_38 : memref<4x128xi32, #tpu.memory_space<vmem>>) target_semaphore(%arg13 : memref<!tpu.dma_semaphore, #tpu.memory_space<semaphore_mem>>)
    %dma_start3A_41 = arith.constant 0 : i32
    %dma_start3A_42 = arith.constant 0 : i32
    %dma_start3A_43 = arith.constant 0 : i32
    %dma_start3A_44 = tpu.memref_slice %arg8[%dma_start3A_41, %dma_start3A_42, %dma_start3A_43] : memref<2x16x512xf32, #tpu.memory_space<vmem>> -> memref<1x16x512xf32, #tpu.memory_space<vmem>>
    %dma_start3A_45 = tpu.memref_squeeze %dma_start3A_44 : memref<1x16x512xf32, #tpu.memory_space<vmem>> -> memref<16x512xf32, #tpu.memory_space<vmem>>
    %dma_start3A_46 = arith.constant 0 : i32
    %dma_start3A_47 = tpu.memref_slice %arg3[%dma_start3A_46, %add3A_13] : memref<16x320000xf32, #tpu.memory_space<hbm>> -> memref<16x512xf32, #tpu.memory_space<hbm>>
    %dma_start3A_48 = arith.constant 0 : i32
    %dma_start3A_49 = arith.constant 0 : i32
    %dma_start3A_50 = tpu.memref_slice %arg8[%dma_start3A_41, %dma_start3A_48, %dma_start3A_49] : memref<2x16x512xf32, #tpu.memory_space<vmem>> -> memref<1x16x512xf32, #tpu.memory_space<vmem>>
    %dma_start3A_51 = tpu.memref_squeeze %dma_start3A_50 : memref<1x16x512xf32, #tpu.memory_space<vmem>> -> memref<16x512xf32, #tpu.memory_space<vmem>>
    %dma_start3A_52 = arith.constant 0 : i32
    %dma_start3A_53 = tpu.memref_slice %arg3[%dma_start3A_52, %add3A_13] : memref<16x320000xf32, #tpu.memory_space<hbm>> -> memref<16x512xf32, #tpu.memory_space<hbm>>
    tpu.enqueue_dma source(%dma_start3A_53 : memref<16x512xf32, #tpu.memory_space<hbm>>) target(%dma_start3A_51 : memref<16x512xf32, #tpu.memory_space<vmem>>) target_semaphore(%arg13 : memref<!tpu.dma_semaphore, #tpu.memory_space<semaphore_mem>>)
    %mul3A_54 = arith.constant 632 : i32
    %mul3A_55 = arith.muli %arg1, %mul3A_54 : i32
    %run_scoped3A = arith.constant 0 : i32
    "tpu.region"() ({
      %run_scoped3A_178 = tpu.sem_alloc : memref<!tpu.dma_semaphore, #tpu.memory_space<semaphore_mem>>
      %dma_start3A_179 = arith.constant 0 : i32
      %dma_start3A_180 = arith.constant 0 : i32
      %dma_start3A_181 = tpu.memref_slice %arg10[%run_scoped3A, %dma_start3A_179, %dma_start3A_180] : memref<2x512x32xf32, #tpu.memory_space<vmem>> -> memref<1x632x32xf32, #tpu.memory_space<vmem>>
      %dma_start3A_182 = tpu.memref_squeeze %dma_start3A_181 : memref<1x632x32xf32, #tpu.memory_space<vmem>> -> memref<632x32xf32, #tpu.memory_space<vmem>>
      %dma_start3A_183 = arith.constant 0 : i32
      %dma_start3A_184 = tpu.memref_slice %arg12[%mul3A_55, %dma_start3A_183] : memref<10112x32xf32, #tpu.memory_space<vmem_shared>> -> memref<632x32xf32, #tpu.memory_space<vmem_shared>>
      %dma_start3A_185 = arith.constant 0 : i32
      %dma_start3A_186 = tpu.memref_slice %arg12[%mul3A_55, %dma_start3A_185] : memref<10112x32xf32, #tpu.memory_space<vmem_shared>> -> memref<632x32xf32, #tpu.memory_space<vmem_shared>>
      %dma_start3A_187 = arith.constant 0 : i32
      %dma_start3A_188 = arith.constant 0 : i32
      %dma_start3A_189 = tpu.memref_slice %arg10[%run_scoped3A, %dma_start3A_187, %dma_start3A_188] : memref<2x512x32xf32, #tpu.memory_space<vmem>> -> memref<1x632x32xf32, #tpu.memory_space<vmem>>
      %dma_start3A_190 = tpu.memref_squeeze %dma_start3A_189 : memref<1x632x32xf32, #tpu.memory_space<vmem>> -> memref<632x32xf32, #tpu.memory_space<vmem>>
      tpu.enqueue_dma source(%dma_start3A_190 : memref<632x32xf32, #tpu.memory_space<vmem>>) target(%dma_start3A_186 : memref<632x32xf32, #tpu.memory_space<vmem_shared>>) target_semaphore(%run_scoped3A_178 : memref<!tpu.dma_semaphore, #tpu.memory_space<semaphore_mem>>)
      %dma_wait3A_191 = arith.constant 0 : i32
      %dma_wait3A_192 = arith.constant 0 : i32
      %dma_wait3A_193 = tpu.memref_slice %arg10[%run_scoped3A, %dma_wait3A_191, %dma_wait3A_192] : memref<2x512x32xf32, #tpu.memory_space<vmem>> -> memref<1x632x32xf32, #tpu.memory_space<vmem>>
      %dma_wait3A_194 = tpu.memref_squeeze %dma_wait3A_193 : memref<1x632x32xf32, #tpu.memory_space<vmem>> -> memref<632x32xf32, #tpu.memory_space<vmem>>
      %dma_wait3A_195 = arith.constant 0 : i32
      %dma_wait3A_196 = tpu.memref_slice %arg12[%mul3A_55, %dma_wait3A_195] : memref<10112x32xf32, #tpu.memory_space<vmem_shared>> -> memref<632x32xf32, #tpu.memory_space<vmem_shared>>
      %dma_wait3A_197 = arith.constant 0 : i32
      %dma_wait3A_198 = tpu.memref_slice %arg12[%mul3A_55, %dma_wait3A_197] : memref<10112x32xf32, #tpu.memory_space<vmem_shared>> -> memref<632x32xf32, #tpu.memory_space<vmem_shared>>
      %dma_wait3A_199 = arith.constant 0 : i32
      %dma_wait3A_200 = arith.constant 0 : i32
      %dma_wait3A_201 = tpu.memref_slice %arg10[%run_scoped3A, %dma_wait3A_199, %dma_wait3A_200] : memref<2x512x32xf32, #tpu.memory_space<vmem>> -> memref<1x632x32xf32, #tpu.memory_space<vmem>>
      %dma_wait3A_202 = tpu.memref_squeeze %dma_wait3A_201 : memref<1x632x32xf32, #tpu.memory_space<vmem>> -> memref<632x32xf32, #tpu.memory_space<vmem>>
      tpu.wait_dma2 semaphore(%run_scoped3A_178 : memref<!tpu.dma_semaphore, #tpu.memory_space<semaphore_mem>>) src(%dma_wait3A_202 : memref<632x32xf32, #tpu.memory_space<vmem>>) dst(%dma_wait3A_198 : memref<632x32xf32, #tpu.memory_space<vmem_shared>>)
      tpu.yield
    }) : () -> ()
    %mul3A_56 = arith.constant 640 : i32
    %mul3A_57 = arith.muli %arg1, %mul3A_56 : i32
    %mul3A_58 = arith.constant 640 : i32
    %mul3A_59 = arith.muli %arg1, %mul3A_58 : i32
    "tpu.region"() ({
      %run_scoped3A_178 = tpu.sem_alloc : memref<!tpu.dma_semaphore, #tpu.memory_space<semaphore_mem>>
      %dma_start3A_179 = arith.constant 0 : i32
      %dma_start3A_180 = tpu.memref_slice %arg11[%mul3A_59, %dma_start3A_179] : memref<10240x16xf32, #tpu.memory_space<vmem_shared>> -> memref<640x16xf32, #tpu.memory_space<vmem_shared>>
      %dma_start3A_181 = arith.constant 0 : i32
      %dma_start3A_182 = tpu.memref_slice %arg2[%mul3A_57, %dma_start3A_181] : memref<10240x16xf32, #tpu.memory_space<hbm>> -> memref<640x16xf32, #tpu.memory_space<hbm>>
      tpu.enqueue_dma source(%dma_start3A_182 : memref<640x16xf32, #tpu.memory_space<hbm>>) target(%dma_start3A_180 : memref<640x16xf32, #tpu.memory_space<vmem_shared>>) target_semaphore(%run_scoped3A_178 : memref<!tpu.dma_semaphore, #tpu.memory_space<semaphore_mem>>)
      %dma_wait3A_183 = arith.constant 0 : i32
      %dma_wait3A_184 = tpu.memref_slice %arg11[%mul3A_59, %dma_wait3A_183] : memref<10240x16xf32, #tpu.memory_space<vmem_shared>> -> memref<640x16xf32, #tpu.memory_space<vmem_shared>>
      %dma_wait3A_185 = arith.constant 0 : i32
      %dma_wait3A_186 = tpu.memref_slice %arg2[%mul3A_57, %dma_wait3A_185] : memref<10240x16xf32, #tpu.memory_space<hbm>> -> memref<640x16xf32, #tpu.memory_space<hbm>>
      tpu.wait_dma2 semaphore(%run_scoped3A_178 : memref<!tpu.dma_semaphore, #tpu.memory_space<semaphore_mem>>) src(%dma_wait3A_186 : memref<640x16xf32, #tpu.memory_space<hbm>>) dst(%dma_wait3A_184 : memref<640x16xf32, #tpu.memory_space<vmem_shared>>)
      tpu.yield
    }) : () -> ()
    %parallel_loop3A_60 = arith.constant 0 : i32
    %parallel_loop3A_61 = arith.constant 512 : i32
    %parallel_loop3A_62 = arith.constant 1 : i32
    scf.for %parallel_loop3A_178 = %parallel_loop3A_60 to %parallel_loop3A_61 step %parallel_loop3A_62  : i32 {
      %parallel_loop3A_179 = arith.constant 0 : i32
      %parallel_loop3A_180 = arith.index_cast %parallel_loop3A_179 : i32 to index
      %parallel_loop3A_181 = arith.index_cast %parallel_loop3A_178 : i32 to index
      %parallel_loop3A_182 = arith.constant 16 : index
      %parallel_loop3A_183 = tpu.vector_load %arg10[%parallel_loop3A_180, %parallel_loop3A_181, %parallel_loop3A_182] {strides = array<i32>} : memref<2x512x32xf32, #tpu.memory_space<vmem>>, vector<16xf32>,
      tpu.vector_store %arg10[%parallel_loop3A_180, %parallel_loop3A_181, %parallel_loop3A_182], %broadcast_in_dim3A_3 {strides = array<i32>} : memref<2x512x32xf32, #tpu.memory_space<vmem>>, vector<16xf32>,
      %parallel_loop3A_184 = arith.constant 1 : i32
      %parallel_loop3A_185 = arith.index_cast %parallel_loop3A_184 : i32 to index
      %parallel_loop3A_186 = arith.index_cast %parallel_loop3A_178 : i32 to index
      %parallel_loop3A_187 = arith.constant 16 : index
      %parallel_loop3A_188 = tpu.vector_load %arg10[%parallel_loop3A_185, %parallel_loop3A_186, %parallel_loop3A_187] {strides = array<i32>} : memref<2x512x32xf32, #tpu.memory_space<vmem>>, vector<16xf32>,
      tpu.vector_store %arg10[%parallel_loop3A_185, %parallel_loop3A_186, %parallel_loop3A_187], %broadcast_in_dim3A_3 {strides = array<i32>} : memref<2x512x32xf32, #tpu.memory_space<vmem>>, vector<16xf32>,
    } {sc.loop_unroll_factor = 8 : i64, sc.parallel_access}
    %barrier3A = arith.constant 0 : index
    tpu.barrier barrier_id(%barrier3A)
    %mul3A_63 = arith.constant 80 : i32
    %mul3A_64 = arith.muli %add3A, %mul3A_63 : i32
    %add3A_65 = arith.constant 0 : i32
    %add3A_66 = arith.addi %mul3A_64, %add3A_65 : i32
    %mul3A_67 = arith.constant 10240 : i32
    %mul3A_68 = arith.muli %add3A, %mul3A_67 : i32
    %add3A_69 = arith.constant 0 : i32
    %add3A_70 = arith.addi %mul3A_68, %add3A_69 : i32
    %add3A_71 = arith.constant 2500 : i32
    %add3A_72 = arith.addi %add3A_71, %add3A_66 : i32
    %dma_wait3A = arith.constant 0 : i32
    %dma_wait3A_73 = arith.constant 0 : i32
    %dma_wait3A_74 = arith.constant 0 : i32
    %dma_wait3A_75 = tpu.memref_slice %arg6[%dma_wait3A, %dma_wait3A_73, %dma_wait3A_74] : memref<2x4x128xi32, #tpu.memory_space<vmem>> -> memref<1x4x128xi32, #tpu.memory_space<vmem>>
    %dma_wait3A_76 = tpu.memref_squeeze %dma_wait3A_75 : memref<1x4x128xi32, #tpu.memory_space<vmem>> -> memref<4x128xi32, #tpu.memory_space<vmem>>
    %dma_wait3A_77 = arith.constant 0 : i32
    %dma_wait3A_78 = tpu.memref_slice %arg4[%add3A_72, %dma_wait3A_77] : memref<5000x128xi32, #tpu.memory_space<hbm>> -> memref<4x128xi32, #tpu.memory_space<hbm>>
    %dma_wait3A_79 = arith.constant 0 : i32
    %dma_wait3A_80 = arith.constant 0 : i32
    %dma_wait3A_81 = tpu.memref_slice %arg6[%dma_wait3A, %dma_wait3A_79, %dma_wait3A_80] : memref<2x4x128xi32, #tpu.memory_space<vmem>> -> memref<1x4x128xi32, #tpu.memory_space<vmem>>
    %dma_wait3A_82 = tpu.memref_squeeze %dma_wait3A_81 : memref<1x4x128xi32, #tpu.memory_space<vmem>> -> memref<4x128xi32, #tpu.memory_space<vmem>>
    %dma_wait3A_83 = arith.constant 0 : i32
    %dma_wait3A_84 = tpu.memref_slice %arg4[%add3A_72, %dma_wait3A_83] : memref<5000x128xi32, #tpu.memory_space<hbm>> -> memref<4x128xi32, #tpu.memory_space<hbm>>
    tpu.wait_dma2 semaphore(%arg13 : memref<!tpu.dma_semaphore, #tpu.memory_space<semaphore_mem>>) src(%dma_wait3A_84 : memref<4x128xi32, #tpu.memory_space<hbm>>) dst(%dma_wait3A_82 : memref<4x128xi32, #tpu.memory_space<vmem>>)
    %dma_wait3A_85 = arith.constant 0 : i32
    %dma_wait3A_86 = arith.constant 0 : i32
    %dma_wait3A_87 = arith.constant 0 : i32
    %dma_wait3A_88 = tpu.memref_slice %arg7[%dma_wait3A_85, %dma_wait3A_86, %dma_wait3A_87] : memref<2x4x128xi32, #tpu.memory_space<vmem>> -> memref<1x4x128xi32, #tpu.memory_space<vmem>>
    %dma_wait3A_89 = tpu.memref_squeeze %dma_wait3A_88 : memref<1x4x128xi32, #tpu.memory_space<vmem>> -> memref<4x128xi32, #tpu.memory_space<vmem>>
    %dma_wait3A_90 = arith.constant 0 : i32
    %dma_wait3A_91 = tpu.memref_slice %arg4[%add3A_66, %dma_wait3A_90] : memref<5000x128xi32, #tpu.memory_space<hbm>> -> memref<4x128xi32, #tpu.memory_space<hbm>>
    %dma_wait3A_92 = arith.constant 0 : i32
    %dma_wait3A_93 = arith.constant 0 : i32
    %dma_wait3A_94 = tpu.memref_slice %arg7[%dma_wait3A_85, %dma_wait3A_92, %dma_wait3A_93] : memref<2x4x128xi32, #tpu.memory_space<vmem>> -> memref<1x4x128xi32, #tpu.memory_space<vmem>>
    %dma_wait3A_95 = tpu.memref_squeeze %dma_wait3A_94 : memref<1x4x128xi32, #tpu.memory_space<vmem>> -> memref<4x128xi32, #tpu.memory_space<vmem>>
    %dma_wait3A_96 = arith.constant 0 : i32
    %dma_wait3A_97 = tpu.memref_slice %arg4[%add3A_66, %dma_wait3A_96] : memref<5000x128xi32, #tpu.memory_space<hbm>> -> memref<4x128xi32, #tpu.memory_space<hbm>>
    tpu.wait_dma2 semaphore(%arg13 : memref<!tpu.dma_semaphore, #tpu.memory_space<semaphore_mem>>) src(%dma_wait3A_97 : memref<4x128xi32, #tpu.memory_space<hbm>>) dst(%dma_wait3A_95 : memref<4x128xi32, #tpu.memory_space<vmem>>)
    %dma_wait3A_98 = arith.constant 0 : i32
    %dma_wait3A_99 = arith.constant 0 : i32
    %dma_wait3A_100 = arith.constant 0 : i32
    %dma_wait3A_101 = tpu.memref_slice %arg8[%dma_wait3A_98, %dma_wait3A_99, %dma_wait3A_100] : memref<2x16x512xf32, #tpu.memory_space<vmem>> -> memref<1x16x512xf32, #tpu.memory_space<vmem>>
    %dma_wait3A_102 = tpu.memref_squeeze %dma_wait3A_101 : memref<1x16x512xf32, #tpu.memory_space<vmem>> -> memref<16x512xf32, #tpu.memory_space<vmem>>
    %dma_wait3A_103 = arith.constant 0 : i32
    %dma_wait3A_104 = tpu.memref_slice %arg3[%dma_wait3A_103, %add3A_70] : memref<16x320000xf32, #tpu.memory_space<hbm>> -> memref<16x512xf32, #tpu.memory_space<hbm>>
    %dma_wait3A_105 = arith.constant 0 : i32
    %dma_wait3A_106 = arith.constant 0 : i32
    %dma_wait3A_107 = tpu.memref_slice %arg8[%dma_wait3A_98, %dma_wait3A_105, %dma_wait3A_106] : memref<2x16x512xf32, #tpu.memory_space<vmem>> -> memref<1x16x512xf32, #tpu.memory_space<vmem>>
    %dma_wait3A_108 = tpu.memref_squeeze %dma_wait3A_107 : memref<1x16x512xf32, #tpu.memory_space<vmem>> -> memref<16x512xf32, #tpu.memory_space<vmem>>
    %dma_wait3A_109 = arith.constant 0 : i32
    %dma_wait3A_110 = tpu.memref_slice %arg3[%dma_wait3A_109, %add3A_70] : memref<16x320000xf32, #tpu.memory_space<hbm>> -> memref<16x512xf32, #tpu.memory_space<hbm>>
    tpu.wait_dma2 semaphore(%arg13 : memref<!tpu.dma_semaphore, #tpu.memory_space<semaphore_mem>>) src(%dma_wait3A_110 : memref<16x512xf32, #tpu.memory_space<hbm>>) dst(%dma_wait3A_108 : memref<16x512xf32, #tpu.memory_space<vmem>>)
    %dma_start3A_111 = arith.constant 0 : i32
    %dma_start3A_112 = arith.constant 0 : i32
    %dma_start3A_113 = arith.constant 0 : i32
    %dma_start3A_114 = arith.constant 0 : i32
    %dma_start3A_115 = arith.constant 0 : i32
    %dma_start3A_116 = tpu.memref_slice %arg9[%dma_start3A_113, %dma_start3A_114, %dma_start3A_115] : memref<2x512x16xf32, #tpu.memory_space<vmem>> -> memref<1x128x16xf32, #tpu.memory_space<vmem>>
    %dma_start3A_117 = tpu.memref_squeeze %dma_start3A_116 : memref<1x128x16xf32, #tpu.memory_space<vmem>> -> memref<128x16xf32, #tpu.memory_space<vmem>>
    %dma_start3A_118 = arith.constant 0 : i32
    %dma_start3A_119 = tpu.memref_slice %arg6[%dma_start3A_111, %dma_start3A_112, %dma_start3A_118] : memref<2x4x128xi32, #tpu.memory_space<vmem>> -> memref<1x1x128xi32, #tpu.memory_space<vmem>>
    %dma_start3A_120 = tpu.memref_squeeze %dma_start3A_119 : memref<1x1x128xi32, #tpu.memory_space<vmem>> -> memref<128xi32, #tpu.memory_space<vmem>>
    %dma_start3A_121 = arith.constant 0 : i32
    %dma_start3A_122 = arith.constant 0 : i32
    %dma_start3A_123 = tpu.memref_slice %arg11[%dma_start3A_121, %dma_start3A_122] : memref<10240x16xf32, #tpu.memory_space<vmem_shared>> -> memref<10240x16xf32, #tpu.memory_space<vmem_shared>>
    tpu.enqueue_indirect_dma source(%dma_start3A_123 : memref<10240x16xf32, #tpu.memory_space<vmem_shared>>) target(%dma_start3A_117 : memref<128x16xf32, #tpu.memory_space<vmem>>) offsets(%dma_start3A_120 : memref<128xi32, #tpu.memory_space<vmem>>) semaphore(%arg14 : memref<!tpu.dma_semaphore, #tpu.memory_space<semaphore_mem>>)
    %dma_start3A_124 = arith.constant 0 : i32
    %dma_start3A_125 = arith.constant 1 : i32
    %dma_start3A_126 = arith.constant 0 : i32
    %dma_start3A_127 = arith.constant 128 : i32
    %dma_start3A_128 = arith.constant 0 : i32
    %dma_start3A_129 = tpu.memref_slice %arg9[%dma_start3A_126, %dma_start3A_127, %dma_start3A_128] : memref<2x512x16xf32, #tpu.memory_space<vmem>> -> memref<1x128x16xf32, #tpu.memory_space<vmem>>
    %dma_start3A_130 = tpu.memref_squeeze %dma_start3A_129 : memref<1x128x16xf32, #tpu.memory_space<vmem>> -> memref<128x16xf32, #tpu.memory_space<vmem>>
    %dma_start3A_131 = arith.constant 0 : i32
    %dma_start3A_132 = tpu.memref_slice %arg6[%dma_start3A_124, %dma_start3A_125, %dma_start3A_131] : memref<2x4x128xi32, #tpu.memory_space<vmem>> -> memref<1x1x128xi32, #tpu.memory_space<vmem>>
    %dma_start3A_133 = tpu.memref_squeeze %dma_start3A_132 : memref<1x1x128xi32, #tpu.memory_space<vmem>> -> memref<128xi32, #tpu.memory_space<vmem>>
    %dma_start3A_134 = arith.constant 0 : i32
    %dma_start3A_135 = arith.constant 0 : i32
    %dma_start3A_136 = tpu.memref_slice %arg11[%dma_start3A_134, %dma_start3A_135] : memref<10240x16xf32, #tpu.memory_space<vmem_shared>> -> memref<10240x16xf32, #tpu.memory_space<vmem_shared>>
    tpu.enqueue_indirect_dma source(%dma_start3A_136 : memref<10240x16xf32, #tpu.memory_space<vmem_shared>>) target(%dma_start3A_130 : memref<128x16xf32, #tpu.memory_space<vmem>>) offsets(%dma_start3A_133 : memref<128xi32, #tpu.memory_space<vmem>>) semaphore(%arg14 : memref<!tpu.dma_semaphore, #tpu.memory_space<semaphore_mem>>)
    %dma_start3A_137 = arith.constant 0 : i32
    %dma_start3A_138 = arith.constant 2 : i32
    %dma_start3A_139 = arith.constant 0 : i32
    %dma_start3A_140 = arith.constant 256 : i32
    %dma_start3A_141 = arith.constant 0 : i32
    %dma_start3A_142 = tpu.memref_slice %arg9[%dma_start3A_139, %dma_start3A_140, %dma_start3A_141] : memref<2x512x16xf32, #tpu.memory_space<vmem>> -> memref<1x128x16xf32, #tpu.memory_space<vmem>>
    %dma_start3A_143 = tpu.memref_squeeze %dma_start3A_142 : memref<1x128x16xf32, #tpu.memory_space<vmem>> -> memref<128x16xf32, #tpu.memory_space<vmem>>
    %dma_start3A_144 = arith.constant 0 : i32
    %dma_start3A_145 = tpu.memref_slice %arg6[%dma_start3A_137, %dma_start3A_138, %dma_start3A_144] : memref<2x4x128xi32, #tpu.memory_space<vmem>> -> memref<1x1x128xi32, #tpu.memory_space<vmem>>
    %dma_start3A_146 = tpu.memref_squeeze %dma_start3A_145 : memref<1x1x128xi32, #tpu.memory_space<vmem>> -> memref<128xi32, #tpu.memory_space<vmem>>
    %dma_start3A_147 = arith.constant 0 : i32
    %dma_start3A_148 = arith.constant 0 : i32
    %dma_start3A_149 = tpu.memref_slice %arg11[%dma_start3A_147, %dma_start3A_148] : memref<10240x16xf32, #tpu.memory_space<vmem_shared>> -> memref<10240x16xf32, #tpu.memory_space<vmem_shared>>
    tpu.enqueue_indirect_dma source(%dma_start3A_149 : memref<10240x16xf32, #tpu.memory_space<vmem_shared>>) target(%dma_start3A_143 : memref<128x16xf32, #tpu.memory_space<vmem>>) offsets(%dma_start3A_146 : memref<128xi32, #tpu.memory_space<vmem>>) semaphore(%arg14 : memref<!tpu.dma_semaphore, #tpu.memory_space<semaphore_mem>>)
    %dma_start3A_150 = arith.constant 0 : i32
    %dma_start3A_151 = arith.constant 3 : i32
    %dma_start3A_152 = arith.constant 0 : i32
    %dma_start3A_153 = arith.constant 384 : i32
    %dma_start3A_154 = arith.constant 0 : i32
    %dma_start3A_155 = tpu.memref_slice %arg9[%dma_start3A_152, %dma_start3A_153, %dma_start3A_154] : memref<2x512x16xf32, #tpu.memory_space<vmem>> -> memref<1x128x16xf32, #tpu.memory_space<vmem>>
    %dma_start3A_156 = tpu.memref_squeeze %dma_start3A_155 : memref<1x128x16xf32, #tpu.memory_space<vmem>> -> memref<128x16xf32, #tpu.memory_space<vmem>>
    %dma_start3A_157 = arith.constant 0 : i32
    %dma_start3A_158 = tpu.memref_slice %arg6[%dma_start3A_150, %dma_start3A_151, %dma_start3A_157] : memref<2x4x128xi32, #tpu.memory_space<vmem>> -> memref<1x1x128xi32, #tpu.memory_space<vmem>>
    %dma_start3A_159 = tpu.memref_squeeze %dma_start3A_158 : memref<1x1x128xi32, #tpu.memory_space<vmem>> -> memref<128xi32, #tpu.memory_space<vmem>>
    %dma_start3A_160 = arith.constant 0 : i32
    %dma_start3A_161 = arith.constant 0 : i32
    %dma_start3A_162 = tpu.memref_slice %arg11[%dma_start3A_160, %dma_start3A_161] : memref<10240x16xf32, #tpu.memory_space<vmem_shared>> -> memref<10240x16xf32, #tpu.memory_space<vmem_shared>>
    tpu.enqueue_indirect_dma source(%dma_start3A_162 : memref<10240x16xf32, #tpu.memory_space<vmem_shared>>) target(%dma_start3A_156 : memref<128x16xf32, #tpu.memory_space<vmem>>) offsets(%dma_start3A_159 : memref<128xi32, #tpu.memory_space<vmem>>) semaphore(%arg14 : memref<!tpu.dma_semaphore, #tpu.memory_space<semaphore_mem>>)
    %scan3A = arith.constant 0 : i32
    %scan3A_163 = arith.constant 10 : i32
    %scan3A_164 = arith.addi %scan3A, %scan3A_163 : i32
    %scan3A_165 = arith.constant 1 : i32
    scf.for %scan3A_178 = %scan3A to %scan3A_164 step %scan3A_165  : i32 {
      %mul3A_179 = arith.constant 1 : i32
      %mul3A_180 = arith.muli %scan3A_178, %mul3A_179 : i32
      %add3A_181 = arith.constant 0 : i32
      %add3A_182 = arith.addi %add3A_181, %mul3A_180 : i32
      %mul3A_183 = arith.constant 2 : i32
      %mul3A_184 = arith.muli %add3A_182, %mul3A_183 : i32
      %add3A_185 = arith.constant 0 : i32
      %add3A_186 = arith.addi %mul3A_184, %add3A_185 : i32
      %mul3A_187 = arith.constant 10240 : i32
      %mul3A_188 = arith.muli %add3A, %mul3A_187 : i32
      %mul3A_189 = arith.constant 512 : i32
      %mul3A_190 = arith.muli %add3A_186, %mul3A_189 : i32
      %add3A_191 = arith.addi %mul3A_188, %mul3A_190 : i32
      %lt3A_192 = arith.constant 320000 : i32
      %lt3A_193 = arith.cmpi slt, %add3A_191, %lt3A_192 : i32
      %mul3A_194 = arith.constant 10240 : i32
      %mul3A_195 = arith.muli %add3A, %mul3A_194 : i32
      %sub3A = arith.constant 1 : i32
      %sub3A_196 = arith.subi %add3A_186, %sub3A : i32
      %mul3A_197 = arith.constant 512 : i32
      %mul3A_198 = arith.muli %sub3A_196, %mul3A_197 : i32
      %add3A_199 = arith.addi %mul3A_195, %mul3A_198 : i32
      %lt3A_200 = arith.constant 320000 : i32
      %lt3A_201 = arith.cmpi slt, %add3A_199, %lt3A_200 : i32
      %mul3A_202 = arith.constant 10240 : i32
      %mul3A_203 = arith.muli %add3A, %mul3A_202 : i32
      %add3A_204 = arith.constant 1 : i32
      %add3A_205 = arith.addi %add3A_186, %add3A_204 : i32
      %mul3A_206 = arith.constant 512 : i32
      %mul3A_207 = arith.muli %add3A_205, %mul3A_206 : i32
      %add3A_208 = arith.addi %mul3A_203, %mul3A_207 : i32
      %lt3A_209 = arith.constant 320000 : i32
      %lt3A_210 = arith.cmpi slt, %add3A_208, %lt3A_209 : i32
      %ge3A = arith.constant 1 : i32
      %ge3A_211 = arith.cmpi sge, %add3A_186, %ge3A : i32
      %and3A = arith.andi %ge3A_211, %lt3A_201 : i1
      %convert_element_type3A_212 = arith.extui %and3A : i1 to i32
      %cond3A_213 = arith.constant 0 : i32
      %cond3A_214 = arith.cmpi ne, %convert_element_type3A_212, %cond3A_213 : i32
      scf.if %cond3A_214 {
        %dma_wait3A_294 = arith.constant 1 : i32
        %dma_wait3A_295 = arith.constant 1 : i32
        %dma_wait3A_296 = arith.constant 0 : i32
        %dma_wait3A_297 = arith.constant 0 : i32
        %dma_wait3A_298 = arith.constant 0 : i32
        %dma_wait3A_299 = tpu.memref_slice %arg10[%dma_wait3A_294, %dma_wait3A_297, %dma_wait3A_298] : memref<2x512x32xf32, #tpu.memory_space<vmem>> -> memref<1x128x32xf32, #tpu.memory_space<vmem>>
        %dma_wait3A_300 = tpu.memref_squeeze %dma_wait3A_299 : memref<1x128x32xf32, #tpu.memory_space<vmem>> -> memref<128x32xf32, #tpu.memory_space<vmem>>
        %dma_wait3A_301 = arith.constant 0 : i32
        %dma_wait3A_302 = tpu.memref_slice %arg7[%dma_wait3A_295, %dma_wait3A_296, %dma_wait3A_301] : memref<2x4x128xi32, #tpu.memory_space<vmem>> -> memref<1x1x128xi32, #tpu.memory_space<vmem>>
        %dma_wait3A_303 = tpu.memref_squeeze %dma_wait3A_302 : memref<1x1x128xi32, #tpu.memory_space<vmem>> -> memref<128xi32, #tpu.memory_space<vmem>>
        %dma_wait3A_304 = arith.constant 0 : i32
        %dma_wait3A_305 = arith.constant 0 : i32
        %dma_wait3A_306 = tpu.memref_slice %arg12[%dma_wait3A_304, %dma_wait3A_305] : memref<10112x32xf32, #tpu.memory_space<vmem_shared>> -> memref<10112x32xf32, #tpu.memory_space<vmem_shared>>
        tpu.wait_indirect_dma semaphore(%arg15 : memref<!tpu.dma_semaphore, #tpu.memory_space<semaphore_mem>>) src(%dma_wait3A_300 : memref<128x32xf32, #tpu.memory_space<vmem>>) dst(%dma_wait3A_306 : memref<10112x32xf32, #tpu.memory_space<vmem_shared>>)
        %dma_wait3A_307 = arith.constant 1 : i32
        %dma_wait3A_308 = arith.constant 1 : i32
        %dma_wait3A_309 = arith.constant 1 : i32
        %dma_wait3A_310 = arith.constant 128 : i32
        %dma_wait3A_311 = arith.constant 0 : i32
        %dma_wait3A_312 = tpu.memref_slice %arg10[%dma_wait3A_307, %dma_wait3A_310, %dma_wait3A_311] : memref<2x512x32xf32, #tpu.memory_space<vmem>> -> memref<1x128x32xf32, #tpu.memory_space<vmem>>
        %dma_wait3A_313 = tpu.memref_squeeze %dma_wait3A_312 : memref<1x128x32xf32, #tpu.memory_space<vmem>> -> memref<128x32xf32, #tpu.memory_space<vmem>>
        %dma_wait3A_314 = arith.constant 0 : i32
        %dma_wait3A_315 = tpu.memref_slice %arg7[%dma_wait3A_308, %dma_wait3A_309, %dma_wait3A_314] : memref<2x4x128xi32, #tpu.memory_space<vmem>> -> memref<1x1x128xi32, #tpu.memory_space<vmem>>
        %dma_wait3A_316 = tpu.memref_squeeze %dma_wait3A_315 : memref<1x1x128xi32, #tpu.memory_space<vmem>> -> memref<128xi32, #tpu.memory_space<vmem>>
        %dma_wait3A_317 = arith.constant 0 : i32
        %dma_wait3A_318 = arith.constant 0 : i32
        %dma_wait3A_319 = tpu.memref_slice %arg12[%dma_wait3A_317, %dma_wait3A_318] : memref<10112x32xf32, #tpu.memory_space<vmem_shared>> -> memref<10112x32xf32, #tpu.memory_space<vmem_shared>>
        tpu.wait_indirect_dma semaphore(%arg15 : memref<!tpu.dma_semaphore, #tpu.memory_space<semaphore_mem>>) src(%dma_wait3A_313 : memref<128x32xf32, #tpu.memory_space<vmem>>) dst(%dma_wait3A_319 : memref<10112x32xf32, #tpu.memory_space<vmem_shared>>)
        %dma_wait3A_320 = arith.constant 1 : i32
        %dma_wait3A_321 = arith.constant 1 : i32
        %dma_wait3A_322 = arith.constant 2 : i32
        %dma_wait3A_323 = arith.constant 256 : i32
        %dma_wait3A_324 = arith.constant 0 : i32
        %dma_wait3A_325 = tpu.memref_slice %arg10[%dma_wait3A_320, %dma_wait3A_323, %dma_wait3A_324] : memref<2x512x32xf32, #tpu.memory_space<vmem>> -> memref<1x128x32xf32, #tpu.memory_space<vmem>>
        %dma_wait3A_326 = tpu.memref_squeeze %dma_wait3A_325 : memref<1x128x32xf32, #tpu.memory_space<vmem>> -> memref<128x32xf32, #tpu.memory_space<vmem>>
        %dma_wait3A_327 = arith.constant 0 : i32
        %dma_wait3A_328 = tpu.memref_slice %arg7[%dma_wait3A_321, %dma_wait3A_322, %dma_wait3A_327] : memref<2x4x128xi32, #tpu.memory_space<vmem>> -> memref<1x1x128xi32, #tpu.memory_space<vmem>>
        %dma_wait3A_329 = tpu.memref_squeeze %dma_wait3A_328 : memref<1x1x128xi32, #tpu.memory_space<vmem>> -> memref<128xi32, #tpu.memory_space<vmem>>
        %dma_wait3A_330 = arith.constant 0 : i32
        %dma_wait3A_331 = arith.constant 0 : i32
        %dma_wait3A_332 = tpu.memref_slice %arg12[%dma_wait3A_330, %dma_wait3A_331] : memref<10112x32xf32, #tpu.memory_space<vmem_shared>> -> memref<10112x32xf32, #tpu.memory_space<vmem_shared>>
        tpu.wait_indirect_dma semaphore(%arg15 : memref<!tpu.dma_semaphore, #tpu.memory_space<semaphore_mem>>) src(%dma_wait3A_326 : memref<128x32xf32, #tpu.memory_space<vmem>>) dst(%dma_wait3A_332 : memref<10112x32xf32, #tpu.memory_space<vmem_shared>>)
        %dma_wait3A_333 = arith.constant 1 : i32
        %dma_wait3A_334 = arith.constant 1 : i32
        %dma_wait3A_335 = arith.constant 3 : i32
        %dma_wait3A_336 = arith.constant 384 : i32
        %dma_wait3A_337 = arith.constant 0 : i32
        %dma_wait3A_338 = tpu.memref_slice %arg10[%dma_wait3A_333, %dma_wait3A_336, %dma_wait3A_337] : memref<2x512x32xf32, #tpu.memory_space<vmem>> -> memref<1x128x32xf32, #tpu.memory_space<vmem>>
        %dma_wait3A_339 = tpu.memref_squeeze %dma_wait3A_338 : memref<1x128x32xf32, #tpu.memory_space<vmem>> -> memref<128x32xf32, #tpu.memory_space<vmem>>
        %dma_wait3A_340 = arith.constant 0 : i32
        %dma_wait3A_341 = tpu.memref_slice %arg7[%dma_wait3A_334, %dma_wait3A_335, %dma_wait3A_340] : memref<2x4x128xi32, #tpu.memory_space<vmem>> -> memref<1x1x128xi32, #tpu.memory_space<vmem>>
        %dma_wait3A_342 = tpu.memref_squeeze %dma_wait3A_341 : memref<1x1x128xi32, #tpu.memory_space<vmem>> -> memref<128xi32, #tpu.memory_space<vmem>>
        %dma_wait3A_343 = arith.constant 0 : i32
        %dma_wait3A_344 = arith.constant 0 : i32
        %dma_wait3A_345 = tpu.memref_slice %arg12[%dma_wait3A_343, %dma_wait3A_344] : memref<10112x32xf32, #tpu.memory_space<vmem_shared>> -> memref<10112x32xf32, #tpu.memory_space<vmem_shared>>
        tpu.wait_indirect_dma semaphore(%arg15 : memref<!tpu.dma_semaphore, #tpu.memory_space<semaphore_mem>>) src(%dma_wait3A_339 : memref<128x32xf32, #tpu.memory_space<vmem>>) dst(%dma_wait3A_345 : memref<10112x32xf32, #tpu.memory_space<vmem_shared>>)
      } else {
      }
      %add3A_215 = arith.constant 1 : i32
      %add3A_216 = arith.addi %add3A_186, %add3A_215 : i32
      %lt3A_217 = arith.constant 20 : i32
      %lt3A_218 = arith.cmpi slt, %add3A_216, %lt3A_217 : i32
      %and3A_219 = arith.andi %lt3A_218, %lt3A_210 : i1
      %convert_element_type3A_220 = arith.extui %and3A_219 : i1 to i32
      %cond3A_221 = arith.constant 0 : i32
      %cond3A_222 = arith.cmpi ne, %convert_element_type3A_220, %cond3A_221 : i32
      scf.if %cond3A_222 {
        %add3A_294 = arith.constant 1 : i32
        %add3A_295 = arith.addi %add3A_186, %add3A_294 : i32
        %mul3A_296 = arith.constant 80 : i32
        %mul3A_297 = arith.muli %add3A, %mul3A_296 : i32
        %mul3A_298 = arith.constant 4 : i32
        %mul3A_299 = arith.muli %add3A_295, %mul3A_298 : i32
        %add3A_300 = arith.addi %mul3A_297, %mul3A_299 : i32
        %mul3A_301 = arith.constant 10240 : i32
        %mul3A_302 = arith.muli %add3A, %mul3A_301 : i32
        %mul3A_303 = arith.constant 512 : i32
        %mul3A_304 = arith.muli %add3A_295, %mul3A_303 : i32
        %add3A_305 = arith.addi %mul3A_302, %mul3A_304 : i32
        %add3A_306 = arith.constant 2500 : i32
        %add3A_307 = arith.addi %add3A_306, %add3A_300 : i32
        %dma_start3A_308 = arith.constant 1 : i32
        %dma_start3A_309 = arith.constant 0 : i32
        %dma_start3A_310 = arith.constant 0 : i32
        %dma_start3A_311 = tpu.memref_slice %arg6[%dma_start3A_308, %dma_start3A_309, %dma_start3A_310] : memref<2x4x128xi32, #tpu.memory_space<vmem>> -> memref<1x4x128xi32, #tpu.memory_space<vmem>>
        %dma_start3A_312 = tpu.memref_squeeze %dma_start3A_311 : memref<1x4x128xi32, #tpu.memory_space<vmem>> -> memref<4x128xi32, #tpu.memory_space<vmem>>
        %dma_start3A_313 = arith.constant 0 : i32
        %dma_start3A_314 = tpu.memref_slice %arg4[%add3A_307, %dma_start3A_313] : memref<5000x128xi32, #tpu.memory_space<hbm>> -> memref<4x128xi32, #tpu.memory_space<hbm>>
        %dma_start3A_315 = arith.constant 0 : i32
        %dma_start3A_316 = arith.constant 0 : i32
        %dma_start3A_317 = tpu.memref_slice %arg6[%dma_start3A_308, %dma_start3A_315, %dma_start3A_316] : memref<2x4x128xi32, #tpu.memory_space<vmem>> -> memref<1x4x128xi32, #tpu.memory_space<vmem>>
        %dma_start3A_318 = tpu.memref_squeeze %dma_start3A_317 : memref<1x4x128xi32, #tpu.memory_space<vmem>> -> memref<4x128xi32, #tpu.memory_space<vmem>>
        %dma_start3A_319 = arith.constant 0 : i32
        %dma_start3A_320 = tpu.memref_slice %arg4[%add3A_307, %dma_start3A_319] : memref<5000x128xi32, #tpu.memory_space<hbm>> -> memref<4x128xi32, #tpu.memory_space<hbm>>
        tpu.enqueue_dma source(%dma_start3A_320 : memref<4x128xi32, #tpu.memory_space<hbm>>) target(%dma_start3A_318 : memref<4x128xi32, #tpu.memory_space<vmem>>) target_semaphore(%arg13 : memref<!tpu.dma_semaphore, #tpu.memory_space<semaphore_mem>>)
        %dma_start3A_321 = arith.constant 1 : i32
        %dma_start3A_322 = arith.constant 0 : i32
        %dma_start3A_323 = arith.constant 0 : i32
        %dma_start3A_324 = tpu.memref_slice %arg7[%dma_start3A_321, %dma_start3A_322, %dma_start3A_323] : memref<2x4x128xi32, #tpu.memory_space<vmem>> -> memref<1x4x128xi32, #tpu.memory_space<vmem>>
        %dma_start3A_325 = tpu.memref_squeeze %dma_start3A_324 : memref<1x4x128xi32, #tpu.memory_space<vmem>> -> memref<4x128xi32, #tpu.memory_space<vmem>>
        %dma_start3A_326 = arith.constant 0 : i32
        %dma_start3A_327 = tpu.memref_slice %arg4[%add3A_300, %dma_start3A_326] : memref<5000x128xi32, #tpu.memory_space<hbm>> -> memref<4x128xi32, #tpu.memory_space<hbm>>
        %dma_start3A_328 = arith.constant 0 : i32
        %dma_start3A_329 = arith.constant 0 : i32
        %dma_start3A_330 = tpu.memref_slice %arg7[%dma_start3A_321, %dma_start3A_328, %dma_start3A_329] : memref<2x4x128xi32, #tpu.memory_space<vmem>> -> memref<1x4x128xi32, #tpu.memory_space<vmem>>
        %dma_start3A_331 = tpu.memref_squeeze %dma_start3A_330 : memref<1x4x128xi32, #tpu.memory_space<vmem>> -> memref<4x128xi32, #tpu.memory_space<vmem>>
        %dma_start3A_332 = arith.constant 0 : i32
        %dma_start3A_333 = tpu.memref_slice %arg4[%add3A_300, %dma_start3A_332] : memref<5000x128xi32, #tpu.memory_space<hbm>> -> memref<4x128xi32, #tpu.memory_space<hbm>>
        tpu.enqueue_dma source(%dma_start3A_333 : memref<4x128xi32, #tpu.memory_space<hbm>>) target(%dma_start3A_331 : memref<4x128xi32, #tpu.memory_space<vmem>>) target_semaphore(%arg13 : memref<!tpu.dma_semaphore, #tpu.memory_space<semaphore_mem>>)
        %dma_start3A_334 = arith.constant 1 : i32
        %dma_start3A_335 = arith.constant 0 : i32
        %dma_start3A_336 = arith.constant 0 : i32
        %dma_start3A_337 = tpu.memref_slice %arg8[%dma_start3A_334, %dma_start3A_335, %dma_start3A_336] : memref<2x16x512xf32, #tpu.memory_space<vmem>> -> memref<1x16x512xf32, #tpu.memory_space<vmem>>
        %dma_start3A_338 = tpu.memref_squeeze %dma_start3A_337 : memref<1x16x512xf32, #tpu.memory_space<vmem>> -> memref<16x512xf32, #tpu.memory_space<vmem>>
        %dma_start3A_339 = arith.constant 0 : i32
        %dma_start3A_340 = tpu.memref_slice %arg3[%dma_start3A_339, %add3A_305] : memref<16x320000xf32, #tpu.memory_space<hbm>> -> memref<16x512xf32, #tpu.memory_space<hbm>>
        %dma_start3A_341 = arith.constant 0 : i32
        %dma_start3A_342 = arith.constant 0 : i32
        %dma_start3A_343 = tpu.memref_slice %arg8[%dma_start3A_334, %dma_start3A_341, %dma_start3A_342] : memref<2x16x512xf32, #tpu.memory_space<vmem>> -> memref<1x16x512xf32, #tpu.memory_space<vmem>>
        %dma_start3A_344 = tpu.memref_squeeze %dma_start3A_343 : memref<1x16x512xf32, #tpu.memory_space<vmem>> -> memref<16x512xf32, #tpu.memory_space<vmem>>
        %dma_start3A_345 = arith.constant 0 : i32
        %dma_start3A_346 = tpu.memref_slice %arg3[%dma_start3A_345, %add3A_305] : memref<16x320000xf32, #tpu.memory_space<hbm>> -> memref<16x512xf32, #tpu.memory_space<hbm>>
        tpu.enqueue_dma source(%dma_start3A_346 : memref<16x512xf32, #tpu.memory_space<hbm>>) target(%dma_start3A_344 : memref<16x512xf32, #tpu.memory_space<vmem>>) target_semaphore(%arg13 : memref<!tpu.dma_semaphore, #tpu.memory_space<semaphore_mem>>)
      } else {
      }
      %convert_element_type3A_223 = arith.extui %lt3A_193 : i1 to i32
      %cond3A_224 = arith.constant 0 : i32
      %cond3A_225 = arith.cmpi ne, %convert_element_type3A_223, %cond3A_224 : i32
      scf.if %cond3A_225 {
        %dma_wait3A_294 = arith.constant 0 : i32
        %dma_wait3A_295 = arith.constant 0 : i32
        %dma_wait3A_296 = arith.constant 0 : i32
        %dma_wait3A_297 = arith.constant 0 : i32
        %dma_wait3A_298 = arith.constant 0 : i32
        %dma_wait3A_299 = tpu.memref_slice %arg9[%dma_wait3A_296, %dma_wait3A_297, %dma_wait3A_298] : memref<2x512x16xf32, #tpu.memory_space<vmem>> -> memref<1x128x16xf32, #tpu.memory_space<vmem>>
        %dma_wait3A_300 = tpu.memref_squeeze %dma_wait3A_299 : memref<1x128x16xf32, #tpu.memory_space<vmem>> -> memref<128x16xf32, #tpu.memory_space<vmem>>
        %dma_wait3A_301 = arith.constant 0 : i32
        %dma_wait3A_302 = tpu.memref_slice %arg6[%dma_wait3A_294, %dma_wait3A_295, %dma_wait3A_301] : memref<2x4x128xi32, #tpu.memory_space<vmem>> -> memref<1x1x128xi32, #tpu.memory_space<vmem>>
        %dma_wait3A_303 = tpu.memref_squeeze %dma_wait3A_302 : memref<1x1x128xi32, #tpu.memory_space<vmem>> -> memref<128xi32, #tpu.memory_space<vmem>>
        %dma_wait3A_304 = arith.constant 0 : i32
        %dma_wait3A_305 = arith.constant 0 : i32
        %dma_wait3A_306 = tpu.memref_slice %arg11[%dma_wait3A_304, %dma_wait3A_305] : memref<10240x16xf32, #tpu.memory_space<vmem_shared>> -> memref<10240x16xf32, #tpu.memory_space<vmem_shared>>
        tpu.wait_indirect_dma semaphore(%arg14 : memref<!tpu.dma_semaphore, #tpu.memory_space<semaphore_mem>>) src(%dma_wait3A_306 : memref<10240x16xf32, #tpu.memory_space<vmem_shared>>) dst(%dma_wait3A_300 : memref<128x16xf32, #tpu.memory_space<vmem>>)
        %dma_wait3A_307 = arith.constant 0 : i32
        %dma_wait3A_308 = arith.constant 1 : i32
        %dma_wait3A_309 = arith.constant 0 : i32
        %dma_wait3A_310 = arith.constant 128 : i32
        %dma_wait3A_311 = arith.constant 0 : i32
        %dma_wait3A_312 = tpu.memref_slice %arg9[%dma_wait3A_309, %dma_wait3A_310, %dma_wait3A_311] : memref<2x512x16xf32, #tpu.memory_space<vmem>> -> memref<1x128x16xf32, #tpu.memory_space<vmem>>
        %dma_wait3A_313 = tpu.memref_squeeze %dma_wait3A_312 : memref<1x128x16xf32, #tpu.memory_space<vmem>> -> memref<128x16xf32, #tpu.memory_space<vmem>>
        %dma_wait3A_314 = arith.constant 0 : i32
        %dma_wait3A_315 = tpu.memref_slice %arg6[%dma_wait3A_307, %dma_wait3A_308, %dma_wait3A_314] : memref<2x4x128xi32, #tpu.memory_space<vmem>> -> memref<1x1x128xi32, #tpu.memory_space<vmem>>
        %dma_wait3A_316 = tpu.memref_squeeze %dma_wait3A_315 : memref<1x1x128xi32, #tpu.memory_space<vmem>> -> memref<128xi32, #tpu.memory_space<vmem>>
        %dma_wait3A_317 = arith.constant 0 : i32
        %dma_wait3A_318 = arith.constant 0 : i32
        %dma_wait3A_319 = tpu.memref_slice %arg11[%dma_wait3A_317, %dma_wait3A_318] : memref<10240x16xf32, #tpu.memory_space<vmem_shared>> -> memref<10240x16xf32, #tpu.memory_space<vmem_shared>>
        tpu.wait_indirect_dma semaphore(%arg14 : memref<!tpu.dma_semaphore, #tpu.memory_space<semaphore_mem>>) src(%dma_wait3A_319 : memref<10240x16xf32, #tpu.memory_space<vmem_shared>>) dst(%dma_wait3A_313 : memref<128x16xf32, #tpu.memory_space<vmem>>)
        %dma_wait3A_320 = arith.constant 0 : i32
        %dma_wait3A_321 = arith.constant 2 : i32
        %dma_wait3A_322 = arith.constant 0 : i32
        %dma_wait3A_323 = arith.constant 256 : i32
        %dma_wait3A_324 = arith.constant 0 : i32
        %dma_wait3A_325 = tpu.memref_slice %arg9[%dma_wait3A_322, %dma_wait3A_323, %dma_wait3A_324] : memref<2x512x16xf32, #tpu.memory_space<vmem>> -> memref<1x128x16xf32, #tpu.memory_space<vmem>>
        %dma_wait3A_326 = tpu.memref_squeeze %dma_wait3A_325 : memref<1x128x16xf32, #tpu.memory_space<vmem>> -> memref<128x16xf32, #tpu.memory_space<vmem>>
        %dma_wait3A_327 = arith.constant 0 : i32
        %dma_wait3A_328 = tpu.memref_slice %arg6[%dma_wait3A_320, %dma_wait3A_321, %dma_wait3A_327] : memref<2x4x128xi32, #tpu.memory_space<vmem>> -> memref<1x1x128xi32, #tpu.memory_space<vmem>>
        %dma_wait3A_329 = tpu.memref_squeeze %dma_wait3A_328 : memref<1x1x128xi32, #tpu.memory_space<vmem>> -> memref<128xi32, #tpu.memory_space<vmem>>
        %dma_wait3A_330 = arith.constant 0 : i32
        %dma_wait3A_331 = arith.constant 0 : i32
        %dma_wait3A_332 = tpu.memref_slice %arg11[%dma_wait3A_330, %dma_wait3A_331] : memref<10240x16xf32, #tpu.memory_space<vmem_shared>> -> memref<10240x16xf32, #tpu.memory_space<vmem_shared>>
        tpu.wait_indirect_dma semaphore(%arg14 : memref<!tpu.dma_semaphore, #tpu.memory_space<semaphore_mem>>) src(%dma_wait3A_332 : memref<10240x16xf32, #tpu.memory_space<vmem_shared>>) dst(%dma_wait3A_326 : memref<128x16xf32, #tpu.memory_space<vmem>>)
        %dma_wait3A_333 = arith.constant 0 : i32
        %dma_wait3A_334 = arith.constant 3 : i32
        %dma_wait3A_335 = arith.constant 0 : i32
        %dma_wait3A_336 = arith.constant 384 : i32
        %dma_wait3A_337 = arith.constant 0 : i32
        %dma_wait3A_338 = tpu.memref_slice %arg9[%dma_wait3A_335, %dma_wait3A_336, %dma_wait3A_337] : memref<2x512x16xf32, #tpu.memory_space<vmem>> -> memref<1x128x16xf32, #tpu.memory_space<vmem>>
        %dma_wait3A_339 = tpu.memref_squeeze %dma_wait3A_338 : memref<1x128x16xf32, #tpu.memory_space<vmem>> -> memref<128x16xf32, #tpu.memory_space<vmem>>
        %dma_wait3A_340 = arith.constant 0 : i32
        %dma_wait3A_341 = tpu.memref_slice %arg6[%dma_wait3A_333, %dma_wait3A_334, %dma_wait3A_340] : memref<2x4x128xi32, #tpu.memory_space<vmem>> -> memref<1x1x128xi32, #tpu.memory_space<vmem>>
        %dma_wait3A_342 = tpu.memref_squeeze %dma_wait3A_341 : memref<1x1x128xi32, #tpu.memory_space<vmem>> -> memref<128xi32, #tpu.memory_space<vmem>>
        %dma_wait3A_343 = arith.constant 0 : i32
        %dma_wait3A_344 = arith.constant 0 : i32
        %dma_wait3A_345 = tpu.memref_slice %arg11[%dma_wait3A_343, %dma_wait3A_344] : memref<10240x16xf32, #tpu.memory_space<vmem_shared>> -> memref<10240x16xf32, #tpu.memory_space<vmem_shared>>
        tpu.wait_indirect_dma semaphore(%arg14 : memref<!tpu.dma_semaphore, #tpu.memory_space<semaphore_mem>>) src(%dma_wait3A_345 : memref<10240x16xf32, #tpu.memory_space<vmem_shared>>) dst(%dma_wait3A_339 : memref<128x16xf32, #tpu.memory_space<vmem>>)
        %parallel_loop3A_346 = arith.constant 0 : i32
        %parallel_loop3A_347 = arith.constant 512 : i32
        %parallel_loop3A_348 = arith.constant 1 : i32
        scf.for %parallel_loop3A_349 = %parallel_loop3A_346 to %parallel_loop3A_347 step %parallel_loop3A_348  : i32 {
          %parallel_loop3A_350 = vector.broadcast %parallel_loop3A_349 : i32 to vector<16xi32>
          %parallel_loop3A_351 = arith.constant 0 : i32
          %parallel_loop3A_352 = arith.constant 0 : i32
          %parallel_loop3A_353 = arith.constant 0 : i32
          %parallel_loop3A_354 = tpu.memref_slice %arg8[%parallel_loop3A_351, %parallel_loop3A_352, %parallel_loop3A_353] : memref<2x16x512xf32, #tpu.memory_space<vmem>> -> memref<1x16x512xf32, #tpu.memory_space<vmem>>
          %parallel_loop3A_355 = tpu.memref_squeeze %parallel_loop3A_354 : memref<1x16x512xf32, #tpu.memory_space<vmem>> -> memref<16x512xf32, #tpu.memory_space<vmem>>
          %parallel_loop3A_356 = tpu.vector_load_idx %parallel_loop3A_355[%iota3A, %parallel_loop3A_350] : memref<16x512xf32, #tpu.memory_space<vmem>>[vector<16xi32>, vector<16xi32>], vector<16xf32>,
          %parallel_loop3A_357 = arith.constant 0 : i32
          %parallel_loop3A_358 = arith.index_cast %parallel_loop3A_357 : i32 to index
          %parallel_loop3A_359 = arith.index_cast %parallel_loop3A_349 : i32 to index
          %parallel_loop3A_360 = arith.constant 0 : index
          %parallel_loop3A_361 = tpu.vector_load %arg9[%parallel_loop3A_358, %parallel_loop3A_359, %parallel_loop3A_360] {strides = array<i32>} : memref<2x512x16xf32, #tpu.memory_space<vmem>>, vector<16xf32>,
          %parallel_loop3A_362 = arith.addf %parallel_loop3A_361, %parallel_loop3A_356 : vector<16xf32>
          %parallel_loop3A_363 = arith.constant 0.000000e+00 : f32
          %parallel_loop3A_364 = vector.broadcast %parallel_loop3A_363 : f32 to vector<16xf32>
          %parallel_loop3A_365 = arith.maximumf %parallel_loop3A_362, %parallel_loop3A_364 : vector<16xf32>
          %parallel_loop3A_366 = arith.constant 0 : i32
          %parallel_loop3A_367 = arith.index_cast %parallel_loop3A_366 : i32 to index
          %parallel_loop3A_368 = arith.index_cast %parallel_loop3A_349 : i32 to index
          %parallel_loop3A_369 = arith.constant 0 : index
          %parallel_loop3A_370 = tpu.vector_load %arg10[%parallel_loop3A_367, %parallel_loop3A_368, %parallel_loop3A_369] {strides = array<i32>} : memref<2x512x32xf32, #tpu.memory_space<vmem>>, vector<16xf32>,
          tpu.vector_store %arg10[%parallel_loop3A_367, %parallel_loop3A_368, %parallel_loop3A_369], %parallel_loop3A_365 {strides = array<i32>} : memref<2x512x32xf32, #tpu.memory_space<vmem>>, vector<16xf32>,
        } {sc.loop_unroll_factor = 8 : i64, sc.parallel_access}
      } else {
      }
      %add3A_226 = arith.constant 1 : i32
      %add3A_227 = arith.addi %add3A_186, %add3A_226 : i32
      %lt3A_228 = arith.constant 20 : i32
      %lt3A_229 = arith.cmpi slt, %add3A_227, %lt3A_228 : i32
      %and3A_230 = arith.andi %lt3A_229, %lt3A_210 : i1
      %convert_element_type3A_231 = arith.extui %and3A_230 : i1 to i32
      %cond3A_232 = arith.constant 0 : i32
      %cond3A_233 = arith.cmpi ne, %convert_element_type3A_231, %cond3A_232 : i32
      scf.if %cond3A_233 {
        %add3A_294 = arith.constant 1 : i32
        %add3A_295 = arith.addi %add3A_186, %add3A_294 : i32
        %mul3A_296 = arith.constant 80 : i32
        %mul3A_297 = arith.muli %add3A, %mul3A_296 : i32
        %mul3A_298 = arith.constant 4 : i32
        %mul3A_299 = arith.muli %add3A_295, %mul3A_298 : i32
        %add3A_300 = arith.addi %mul3A_297, %mul3A_299 : i32
        %mul3A_301 = arith.constant 10240 : i32
        %mul3A_302 = arith.muli %add3A, %mul3A_301 : i32
        %mul3A_303 = arith.constant 512 : i32
        %mul3A_304 = arith.muli %add3A_295, %mul3A_303 : i32
        %add3A_305 = arith.addi %mul3A_302, %mul3A_304 : i32
        %add3A_306 = arith.constant 2500 : i32
        %add3A_307 = arith.addi %add3A_306, %add3A_300 : i32
        %dma_wait3A_308 = arith.constant 1 : i32
        %dma_wait3A_309 = arith.constant 0 : i32
        %dma_wait3A_310 = arith.constant 0 : i32
        %dma_wait3A_311 = tpu.memref_slice %arg6[%dma_wait3A_308, %dma_wait3A_309, %dma_wait3A_310] : memref<2x4x128xi32, #tpu.memory_space<vmem>> -> memref<1x4x128xi32, #tpu.memory_space<vmem>>
        %dma_wait3A_312 = tpu.memref_squeeze %dma_wait3A_311 : memref<1x4x128xi32, #tpu.memory_space<vmem>> -> memref<4x128xi32, #tpu.memory_space<vmem>>
        %dma_wait3A_313 = arith.constant 0 : i32
        %dma_wait3A_314 = tpu.memref_slice %arg4[%add3A_307, %dma_wait3A_313] : memref<5000x128xi32, #tpu.memory_space<hbm>> -> memref<4x128xi32, #tpu.memory_space<hbm>>
        %dma_wait3A_315 = arith.constant 0 : i32
        %dma_wait3A_316 = arith.constant 0 : i32
        %dma_wait3A_317 = tpu.memref_slice %arg6[%dma_wait3A_308, %dma_wait3A_315, %dma_wait3A_316] : memref<2x4x128xi32, #tpu.memory_space<vmem>> -> memref<1x4x128xi32, #tpu.memory_space<vmem>>
        %dma_wait3A_318 = tpu.memref_squeeze %dma_wait3A_317 : memref<1x4x128xi32, #tpu.memory_space<vmem>> -> memref<4x128xi32, #tpu.memory_space<vmem>>
        %dma_wait3A_319 = arith.constant 0 : i32
        %dma_wait3A_320 = tpu.memref_slice %arg4[%add3A_307, %dma_wait3A_319] : memref<5000x128xi32, #tpu.memory_space<hbm>> -> memref<4x128xi32, #tpu.memory_space<hbm>>
        tpu.wait_dma2 semaphore(%arg13 : memref<!tpu.dma_semaphore, #tpu.memory_space<semaphore_mem>>) src(%dma_wait3A_320 : memref<4x128xi32, #tpu.memory_space<hbm>>) dst(%dma_wait3A_318 : memref<4x128xi32, #tpu.memory_space<vmem>>)
        %dma_wait3A_321 = arith.constant 1 : i32
        %dma_wait3A_322 = arith.constant 0 : i32
        %dma_wait3A_323 = arith.constant 0 : i32
        %dma_wait3A_324 = tpu.memref_slice %arg7[%dma_wait3A_321, %dma_wait3A_322, %dma_wait3A_323] : memref<2x4x128xi32, #tpu.memory_space<vmem>> -> memref<1x4x128xi32, #tpu.memory_space<vmem>>
        %dma_wait3A_325 = tpu.memref_squeeze %dma_wait3A_324 : memref<1x4x128xi32, #tpu.memory_space<vmem>> -> memref<4x128xi32, #tpu.memory_space<vmem>>
        %dma_wait3A_326 = arith.constant 0 : i32
        %dma_wait3A_327 = tpu.memref_slice %arg4[%add3A_300, %dma_wait3A_326] : memref<5000x128xi32, #tpu.memory_space<hbm>> -> memref<4x128xi32, #tpu.memory_space<hbm>>
        %dma_wait3A_328 = arith.constant 0 : i32
        %dma_wait3A_329 = arith.constant 0 : i32
        %dma_wait3A_330 = tpu.memref_slice %arg7[%dma_wait3A_321, %dma_wait3A_328, %dma_wait3A_329] : memref<2x4x128xi32, #tpu.memory_space<vmem>> -> memref<1x4x128xi32, #tpu.memory_space<vmem>>
        %dma_wait3A_331 = tpu.memref_squeeze %dma_wait3A_330 : memref<1x4x128xi32, #tpu.memory_space<vmem>> -> memref<4x128xi32, #tpu.memory_space<vmem>>
        %dma_wait3A_332 = arith.constant 0 : i32
        %dma_wait3A_333 = tpu.memref_slice %arg4[%add3A_300, %dma_wait3A_332] : memref<5000x128xi32, #tpu.memory_space<hbm>> -> memref<4x128xi32, #tpu.memory_space<hbm>>
        tpu.wait_dma2 semaphore(%arg13 : memref<!tpu.dma_semaphore, #tpu.memory_space<semaphore_mem>>) src(%dma_wait3A_333 : memref<4x128xi32, #tpu.memory_space<hbm>>) dst(%dma_wait3A_331 : memref<4x128xi32, #tpu.memory_space<vmem>>)
        %dma_wait3A_334 = arith.constant 1 : i32
        %dma_wait3A_335 = arith.constant 0 : i32
        %dma_wait3A_336 = arith.constant 0 : i32
        %dma_wait3A_337 = tpu.memref_slice %arg8[%dma_wait3A_334, %dma_wait3A_335, %dma_wait3A_336] : memref<2x16x512xf32, #tpu.memory_space<vmem>> -> memref<1x16x512xf32, #tpu.memory_space<vmem>>
        %dma_wait3A_338 = tpu.memref_squeeze %dma_wait3A_337 : memref<1x16x512xf32, #tpu.memory_space<vmem>> -> memref<16x512xf32, #tpu.memory_space<vmem>>
        %dma_wait3A_339 = arith.constant 0 : i32
        %dma_wait3A_340 = tpu.memref_slice %arg3[%dma_wait3A_339, %add3A_305] : memref<16x320000xf32, #tpu.memory_space<hbm>> -> memref<16x512xf32, #tpu.memory_space<hbm>>
        %dma_wait3A_341 = arith.constant 0 : i32
        %dma_wait3A_342 = arith.constant 0 : i32
        %dma_wait3A_343 = tpu.memref_slice %arg8[%dma_wait3A_334, %dma_wait3A_341, %dma_wait3A_342] : memref<2x16x512xf32, #tpu.memory_space<vmem>> -> memref<1x16x512xf32, #tpu.memory_space<vmem>>
        %dma_wait3A_344 = tpu.memref_squeeze %dma_wait3A_343 : memref<1x16x512xf32, #tpu.memory_space<vmem>> -> memref<16x512xf32, #tpu.memory_space<vmem>>
        %dma_wait3A_345 = arith.constant 0 : i32
        %dma_wait3A_346 = tpu.memref_slice %arg3[%dma_wait3A_345, %add3A_305] : memref<16x320000xf32, #tpu.memory_space<hbm>> -> memref<16x512xf32, #tpu.memory_space<hbm>>
        tpu.wait_dma2 semaphore(%arg13 : memref<!tpu.dma_semaphore, #tpu.memory_space<semaphore_mem>>) src(%dma_wait3A_346 : memref<16x512xf32, #tpu.memory_space<hbm>>) dst(%dma_wait3A_344 : memref<16x512xf32, #tpu.memory_space<vmem>>)
        %dma_start3A_347 = arith.constant 1 : i32
        %dma_start3A_348 = arith.constant 0 : i32
        %dma_start3A_349 = arith.constant 1 : i32
        %dma_start3A_350 = arith.constant 0 : i32
        %dma_start3A_351 = arith.constant 0 : i32
        %dma_start3A_352 = tpu.memref_slice %arg9[%dma_start3A_349, %dma_start3A_350, %dma_start3A_351] : memref<2x512x16xf32, #tpu.memory_space<vmem>> -> memref<1x128x16xf32, #tpu.memory_space<vmem>>
        %dma_start3A_353 = tpu.memref_squeeze %dma_start3A_352 : memref<1x128x16xf32, #tpu.memory_space<vmem>> -> memref<128x16xf32, #tpu.memory_space<vmem>>
        %dma_start3A_354 = arith.constant 0 : i32
        %dma_start3A_355 = tpu.memref_slice %arg6[%dma_start3A_347, %dma_start3A_348, %dma_start3A_354] : memref<2x4x128xi32, #tpu.memory_space<vmem>> -> memref<1x1x128xi32, #tpu.memory_space<vmem>>
        %dma_start3A_356 = tpu.memref_squeeze %dma_start3A_355 : memref<1x1x128xi32, #tpu.memory_space<vmem>> -> memref<128xi32, #tpu.memory_space<vmem>>
        %dma_start3A_357 = arith.constant 0 : i32
        %dma_start3A_358 = arith.constant 0 : i32
        %dma_start3A_359 = tpu.memref_slice %arg11[%dma_start3A_357, %dma_start3A_358] : memref<10240x16xf32, #tpu.memory_space<vmem_shared>> -> memref<10240x16xf32, #tpu.memory_space<vmem_shared>>
        tpu.enqueue_indirect_dma source(%dma_start3A_359 : memref<10240x16xf32, #tpu.memory_space<vmem_shared>>) target(%dma_start3A_353 : memref<128x16xf32, #tpu.memory_space<vmem>>) offsets(%dma_start3A_356 : memref<128xi32, #tpu.memory_space<vmem>>) semaphore(%arg14 : memref<!tpu.dma_semaphore, #tpu.memory_space<semaphore_mem>>)
        %dma_start3A_360 = arith.constant 1 : i32
        %dma_start3A_361 = arith.constant 1 : i32
        %dma_start3A_362 = arith.constant 1 : i32
        %dma_start3A_363 = arith.constant 128 : i32
        %dma_start3A_364 = arith.constant 0 : i32
        %dma_start3A_365 = tpu.memref_slice %arg9[%dma_start3A_362, %dma_start3A_363, %dma_start3A_364] : memref<2x512x16xf32, #tpu.memory_space<vmem>> -> memref<1x128x16xf32, #tpu.memory_space<vmem>>
        %dma_start3A_366 = tpu.memref_squeeze %dma_start3A_365 : memref<1x128x16xf32, #tpu.memory_space<vmem>> -> memref<128x16xf32, #tpu.memory_space<vmem>>
        %dma_start3A_367 = arith.constant 0 : i32
        %dma_start3A_368 = tpu.memref_slice %arg6[%dma_start3A_360, %dma_start3A_361, %dma_start3A_367] : memref<2x4x128xi32, #tpu.memory_space<vmem>> -> memref<1x1x128xi32, #tpu.memory_space<vmem>>
        %dma_start3A_369 = tpu.memref_squeeze %dma_start3A_368 : memref<1x1x128xi32, #tpu.memory_space<vmem>> -> memref<128xi32, #tpu.memory_space<vmem>>
        %dma_start3A_370 = arith.constant 0 : i32
        %dma_start3A_371 = arith.constant 0 : i32
        %dma_start3A_372 = tpu.memref_slice %arg11[%dma_start3A_370, %dma_start3A_371] : memref<10240x16xf32, #tpu.memory_space<vmem_shared>> -> memref<10240x16xf32, #tpu.memory_space<vmem_shared>>
        tpu.enqueue_indirect_dma source(%dma_start3A_372 : memref<10240x16xf32, #tpu.memory_space<vmem_shared>>) target(%dma_start3A_366 : memref<128x16xf32, #tpu.memory_space<vmem>>) offsets(%dma_start3A_369 : memref<128xi32, #tpu.memory_space<vmem>>) semaphore(%arg14 : memref<!tpu.dma_semaphore, #tpu.memory_space<semaphore_mem>>)
        %dma_start3A_373 = arith.constant 1 : i32
        %dma_start3A_374 = arith.constant 2 : i32
        %dma_start3A_375 = arith.constant 1 : i32
        %dma_start3A_376 = arith.constant 256 : i32
        %dma_start3A_377 = arith.constant 0 : i32
        %dma_start3A_378 = tpu.memref_slice %arg9[%dma_start3A_375, %dma_start3A_376, %dma_start3A_377] : memref<2x512x16xf32, #tpu.memory_space<vmem>> -> memref<1x128x16xf32, #tpu.memory_space<vmem>>
        %dma_start3A_379 = tpu.memref_squeeze %dma_start3A_378 : memref<1x128x16xf32, #tpu.memory_space<vmem>> -> memref<128x16xf32, #tpu.memory_space<vmem>>
        %dma_start3A_380 = arith.constant 0 : i32
        %dma_start3A_381 = tpu.memref_slice %arg6[%dma_start3A_373, %dma_start3A_374, %dma_start3A_380] : memref<2x4x128xi32, #tpu.memory_space<vmem>> -> memref<1x1x128xi32, #tpu.memory_space<vmem>>
        %dma_start3A_382 = tpu.memref_squeeze %dma_start3A_381 : memref<1x1x128xi32, #tpu.memory_space<vmem>> -> memref<128xi32, #tpu.memory_space<vmem>>
        %dma_start3A_383 = arith.constant 0 : i32
        %dma_start3A_384 = arith.constant 0 : i32
        %dma_start3A_385 = tpu.memref_slice %arg11[%dma_start3A_383, %dma_start3A_384] : memref<10240x16xf32, #tpu.memory_space<vmem_shared>> -> memref<10240x16xf32, #tpu.memory_space<vmem_shared>>
        tpu.enqueue_indirect_dma source(%dma_start3A_385 : memref<10240x16xf32, #tpu.memory_space<vmem_shared>>) target(%dma_start3A_379 : memref<128x16xf32, #tpu.memory_space<vmem>>) offsets(%dma_start3A_382 : memref<128xi32, #tpu.memory_space<vmem>>) semaphore(%arg14 : memref<!tpu.dma_semaphore, #tpu.memory_space<semaphore_mem>>)
        %dma_start3A_386 = arith.constant 1 : i32
        %dma_start3A_387 = arith.constant 3 : i32
        %dma_start3A_388 = arith.constant 1 : i32
        %dma_start3A_389 = arith.constant 384 : i32
        %dma_start3A_390 = arith.constant 0 : i32
        %dma_start3A_391 = tpu.memref_slice %arg9[%dma_start3A_388, %dma_start3A_389, %dma_start3A_390] : memref<2x512x16xf32, #tpu.memory_space<vmem>> -> memref<1x128x16xf32, #tpu.memory_space<vmem>>
        %dma_start3A_392 = tpu.memref_squeeze %dma_start3A_391 : memref<1x128x16xf32, #tpu.memory_space<vmem>> -> memref<128x16xf32, #tpu.memory_space<vmem>>
        %dma_start3A_393 = arith.constant 0 : i32
        %dma_start3A_394 = tpu.memref_slice %arg6[%dma_start3A_386, %dma_start3A_387, %dma_start3A_393] : memref<2x4x128xi32, #tpu.memory_space<vmem>> -> memref<1x1x128xi32, #tpu.memory_space<vmem>>
        %dma_start3A_395 = tpu.memref_squeeze %dma_start3A_394 : memref<1x1x128xi32, #tpu.memory_space<vmem>> -> memref<128xi32, #tpu.memory_space<vmem>>
        %dma_start3A_396 = arith.constant 0 : i32
        %dma_start3A_397 = arith.constant 0 : i32
        %dma_start3A_398 = tpu.memref_slice %arg11[%dma_start3A_396, %dma_start3A_397] : memref<10240x16xf32, #tpu.memory_space<vmem_shared>> -> memref<10240x16xf32, #tpu.memory_space<vmem_shared>>
        tpu.enqueue_indirect_dma source(%dma_start3A_398 : memref<10240x16xf32, #tpu.memory_space<vmem_shared>>) target(%dma_start3A_392 : memref<128x16xf32, #tpu.memory_space<vmem>>) offsets(%dma_start3A_395 : memref<128xi32, #tpu.memory_space<vmem>>) semaphore(%arg14 : memref<!tpu.dma_semaphore, #tpu.memory_space<semaphore_mem>>)
      } else {
      }
      %convert_element_type3A_234 = arith.extui %lt3A_193 : i1 to i32
      %cond3A_235 = arith.constant 0 : i32
      %cond3A_236 = arith.cmpi ne, %convert_element_type3A_234, %cond3A_235 : i32
      scf.if %cond3A_236 {
        %dma_start3A_294 = arith.constant 0 : i32
        %dma_start3A_295 = arith.constant 0 : i32
        %dma_start3A_296 = arith.constant 0 : i32
        %dma_start3A_297 = arith.constant 0 : i32
        %dma_start3A_298 = arith.constant 0 : i32
        %dma_start3A_299 = tpu.memref_slice %arg10[%dma_start3A_294, %dma_start3A_297, %dma_start3A_298] : memref<2x512x32xf32, #tpu.memory_space<vmem>> -> memref<1x128x32xf32, #tpu.memory_space<vmem>>
        %dma_start3A_300 = tpu.memref_squeeze %dma_start3A_299 : memref<1x128x32xf32, #tpu.memory_space<vmem>> -> memref<128x32xf32, #tpu.memory_space<vmem>>
        %dma_start3A_301 = arith.constant 0 : i32
        %dma_start3A_302 = tpu.memref_slice %arg7[%dma_start3A_295, %dma_start3A_296, %dma_start3A_301] : memref<2x4x128xi32, #tpu.memory_space<vmem>> -> memref<1x1x128xi32, #tpu.memory_space<vmem>>
        %dma_start3A_303 = tpu.memref_squeeze %dma_start3A_302 : memref<1x1x128xi32, #tpu.memory_space<vmem>> -> memref<128xi32, #tpu.memory_space<vmem>>
        %dma_start3A_304 = arith.constant 0 : i32
        %dma_start3A_305 = arith.constant 0 : i32
        %dma_start3A_306 = tpu.memref_slice %arg12[%dma_start3A_304, %dma_start3A_305] : memref<10112x32xf32, #tpu.memory_space<vmem_shared>> -> memref<10112x32xf32, #tpu.memory_space<vmem_shared>>
        tpu.enqueue_indirect_dma source(%dma_start3A_300 : memref<128x32xf32, #tpu.memory_space<vmem>>) target(%dma_start3A_306 : memref<10112x32xf32, #tpu.memory_space<vmem_shared>>) offsets(%dma_start3A_303 : memref<128xi32, #tpu.memory_space<vmem>>) semaphore(%arg15 : memref<!tpu.dma_semaphore, #tpu.memory_space<semaphore_mem>>) {add = true}
        %dma_start3A_307 = arith.constant 0 : i32
        %dma_start3A_308 = arith.constant 0 : i32
        %dma_start3A_309 = arith.constant 1 : i32
        %dma_start3A_310 = arith.constant 128 : i32
        %dma_start3A_311 = arith.constant 0 : i32
        %dma_start3A_312 = tpu.memref_slice %arg10[%dma_start3A_307, %dma_start3A_310, %dma_start3A_311] : memref<2x512x32xf32, #tpu.memory_space<vmem>> -> memref<1x128x32xf32, #tpu.memory_space<vmem>>
        %dma_start3A_313 = tpu.memref_squeeze %dma_start3A_312 : memref<1x128x32xf32, #tpu.memory_space<vmem>> -> memref<128x32xf32, #tpu.memory_space<vmem>>
        %dma_start3A_314 = arith.constant 0 : i32
        %dma_start3A_315 = tpu.memref_slice %arg7[%dma_start3A_308, %dma_start3A_309, %dma_start3A_314] : memref<2x4x128xi32, #tpu.memory_space<vmem>> -> memref<1x1x128xi32, #tpu.memory_space<vmem>>
        %dma_start3A_316 = tpu.memref_squeeze %dma_start3A_315 : memref<1x1x128xi32, #tpu.memory_space<vmem>> -> memref<128xi32, #tpu.memory_space<vmem>>
        %dma_start3A_317 = arith.constant 0 : i32
        %dma_start3A_318 = arith.constant 0 : i32
        %dma_start3A_319 = tpu.memref_slice %arg12[%dma_start3A_317, %dma_start3A_318] : memref<10112x32xf32, #tpu.memory_space<vmem_shared>> -> memref<10112x32xf32, #tpu.memory_space<vmem_shared>>
        tpu.enqueue_indirect_dma source(%dma_start3A_313 : memref<128x32xf32, #tpu.memory_space<vmem>>) target(%dma_start3A_319 : memref<10112x32xf32, #tpu.memory_space<vmem_shared>>) offsets(%dma_start3A_316 : memref<128xi32, #tpu.memory_space<vmem>>) semaphore(%arg15 : memref<!tpu.dma_semaphore, #tpu.memory_space<semaphore_mem>>) {add = true}
        %dma_start3A_320 = arith.constant 0 : i32
        %dma_start3A_321 = arith.constant 0 : i32
        %dma_start3A_322 = arith.constant 2 : i32
        %dma_start3A_323 = arith.constant 256 : i32
        %dma_start3A_324 = arith.constant 0 : i32
        %dma_start3A_325 = tpu.memref_slice %arg10[%dma_start3A_320, %dma_start3A_323, %dma_start3A_324] : memref<2x512x32xf32, #tpu.memory_space<vmem>> -> memref<1x128x32xf32, #tpu.memory_space<vmem>>
        %dma_start3A_326 = tpu.memref_squeeze %dma_start3A_325 : memref<1x128x32xf32, #tpu.memory_space<vmem>> -> memref<128x32xf32, #tpu.memory_space<vmem>>
        %dma_start3A_327 = arith.constant 0 : i32
        %dma_start3A_328 = tpu.memref_slice %arg7[%dma_start3A_321, %dma_start3A_322, %dma_start3A_327] : memref<2x4x128xi32, #tpu.memory_space<vmem>> -> memref<1x1x128xi32, #tpu.memory_space<vmem>>
        %dma_start3A_329 = tpu.memref_squeeze %dma_start3A_328 : memref<1x1x128xi32, #tpu.memory_space<vmem>> -> memref<128xi32, #tpu.memory_space<vmem>>
        %dma_start3A_330 = arith.constant 0 : i32
        %dma_start3A_331 = arith.constant 0 : i32
        %dma_start3A_332 = tpu.memref_slice %arg12[%dma_start3A_330, %dma_start3A_331] : memref<10112x32xf32, #tpu.memory_space<vmem_shared>> -> memref<10112x32xf32, #tpu.memory_space<vmem_shared>>
        tpu.enqueue_indirect_dma source(%dma_start3A_326 : memref<128x32xf32, #tpu.memory_space<vmem>>) target(%dma_start3A_332 : memref<10112x32xf32, #tpu.memory_space<vmem_shared>>) offsets(%dma_start3A_329 : memref<128xi32, #tpu.memory_space<vmem>>) semaphore(%arg15 : memref<!tpu.dma_semaphore, #tpu.memory_space<semaphore_mem>>) {add = true}
        %dma_start3A_333 = arith.constant 0 : i32
        %dma_start3A_334 = arith.constant 0 : i32
        %dma_start3A_335 = arith.constant 3 : i32
        %dma_start3A_336 = arith.constant 384 : i32
        %dma_start3A_337 = arith.constant 0 : i32
        %dma_start3A_338 = tpu.memref_slice %arg10[%dma_start3A_333, %dma_start3A_336, %dma_start3A_337] : memref<2x512x32xf32, #tpu.memory_space<vmem>> -> memref<1x128x32xf32, #tpu.memory_space<vmem>>
        %dma_start3A_339 = tpu.memref_squeeze %dma_start3A_338 : memref<1x128x32xf32, #tpu.memory_space<vmem>> -> memref<128x32xf32, #tpu.memory_space<vmem>>
        %dma_start3A_340 = arith.constant 0 : i32
        %dma_start3A_341 = tpu.memref_slice %arg7[%dma_start3A_334, %dma_start3A_335, %dma_start3A_340] : memref<2x4x128xi32, #tpu.memory_space<vmem>> -> memref<1x1x128xi32, #tpu.memory_space<vmem>>
        %dma_start3A_342 = tpu.memref_squeeze %dma_start3A_341 : memref<1x1x128xi32, #tpu.memory_space<vmem>> -> memref<128xi32, #tpu.memory_space<vmem>>
        %dma_start3A_343 = arith.constant 0 : i32
        %dma_start3A_344 = arith.constant 0 : i32
        %dma_start3A_345 = tpu.memref_slice %arg12[%dma_start3A_343, %dma_start3A_344] : memref<10112x32xf32, #tpu.memory_space<vmem_shared>> -> memref<10112x32xf32, #tpu.memory_space<vmem_shared>>
        tpu.enqueue_indirect_dma source(%dma_start3A_339 : memref<128x32xf32, #tpu.memory_space<vmem>>) target(%dma_start3A_345 : memref<10112x32xf32, #tpu.memory_space<vmem_shared>>) offsets(%dma_start3A_342 : memref<128xi32, #tpu.memory_space<vmem>>) semaphore(%arg15 : memref<!tpu.dma_semaphore, #tpu.memory_space<semaphore_mem>>) {add = true}
      } else {
      }
      %mul3A_237 = arith.constant 2 : i32
      %mul3A_238 = arith.muli %add3A_182, %mul3A_237 : i32
      %add3A_239 = arith.constant 1 : i32
      %add3A_240 = arith.addi %mul3A_238, %add3A_239 : i32
      %mul3A_241 = arith.constant 10240 : i32
      %mul3A_242 = arith.muli %add3A, %mul3A_241 : i32
      %mul3A_243 = arith.constant 512 : i32
      %mul3A_244 = arith.muli %add3A_240, %mul3A_243 : i32
      %add3A_245 = arith.addi %mul3A_242, %mul3A_244 : i32
      %lt3A_246 = arith.constant 320000 : i32
      %lt3A_247 = arith.cmpi slt, %add3A_245, %lt3A_246 : i32
      %mul3A_248 = arith.constant 10240 : i32
      %mul3A_249 = arith.muli %add3A, %mul3A_248 : i32
      %sub3A_250 = arith.constant 1 : i32
      %sub3A_251 = arith.subi %add3A_240, %sub3A_250 : i32
      %mul3A_252 = arith.constant 512 : i32
      %mul3A_253 = arith.muli %sub3A_251, %mul3A_252 : i32
      %add3A_254 = arith.addi %mul3A_249, %mul3A_253 : i32
      %lt3A_255 = arith.constant 320000 : i32
      %lt3A_256 = arith.cmpi slt, %add3A_254, %lt3A_255 : i32
      %mul3A_257 = arith.constant 10240 : i32
      %mul3A_258 = arith.muli %add3A, %mul3A_257 : i32
      %add3A_259 = arith.constant 1 : i32
      %add3A_260 = arith.addi %add3A_240, %add3A_259 : i32
      %mul3A_261 = arith.constant 512 : i32
      %mul3A_262 = arith.muli %add3A_260, %mul3A_261 : i32
      %add3A_263 = arith.addi %mul3A_258, %mul3A_262 : i32
      %lt3A_264 = arith.constant 320000 : i32
      %lt3A_265 = arith.cmpi slt, %add3A_263, %lt3A_264 : i32
      %ge3A_266 = arith.constant 1 : i32
      %ge3A_267 = arith.cmpi sge, %add3A_240, %ge3A_266 : i32
      %and3A_268 = arith.andi %ge3A_267, %lt3A_256 : i1
      %convert_element_type3A_269 = arith.extui %and3A_268 : i1 to i32
      %cond3A_270 = arith.constant 0 : i32
      %cond3A_271 = arith.cmpi ne, %convert_element_type3A_269, %cond3A_270 : i32
      scf.if %cond3A_271 {
        %dma_wait3A_294 = arith.constant 0 : i32
        %dma_wait3A_295 = arith.constant 0 : i32
        %dma_wait3A_296 = arith.constant 0 : i32
        %dma_wait3A_297 = arith.constant 0 : i32
        %dma_wait3A_298 = arith.constant 0 : i32
        %dma_wait3A_299 = tpu.memref_slice %arg10[%dma_wait3A_294, %dma_wait3A_297, %dma_wait3A_298] : memref<2x512x32xf32, #tpu.memory_space<vmem>> -> memref<1x128x32xf32, #tpu.memory_space<vmem>>
        %dma_wait3A_300 = tpu.memref_squeeze %dma_wait3A_299 : memref<1x128x32xf32, #tpu.memory_space<vmem>> -> memref<128x32xf32, #tpu.memory_space<vmem>>
        %dma_wait3A_301 = arith.constant 0 : i32
        %dma_wait3A_302 = tpu.memref_slice %arg7[%dma_wait3A_295, %dma_wait3A_296, %dma_wait3A_301] : memref<2x4x128xi32, #tpu.memory_space<vmem>> -> memref<1x1x128xi32, #tpu.memory_space<vmem>>
        %dma_wait3A_303 = tpu.memref_squeeze %dma_wait3A_302 : memref<1x1x128xi32, #tpu.memory_space<vmem>> -> memref<128xi32, #tpu.memory_space<vmem>>
        %dma_wait3A_304 = arith.constant 0 : i32
        %dma_wait3A_305 = arith.constant 0 : i32
        %dma_wait3A_306 = tpu.memref_slice %arg12[%dma_wait3A_304, %dma_wait3A_305] : memref<10112x32xf32, #tpu.memory_space<vmem_shared>> -> memref<10112x32xf32, #tpu.memory_space<vmem_shared>>
        tpu.wait_indirect_dma semaphore(%arg15 : memref<!tpu.dma_semaphore, #tpu.memory_space<semaphore_mem>>) src(%dma_wait3A_300 : memref<128x32xf32, #tpu.memory_space<vmem>>) dst(%dma_wait3A_306 : memref<10112x32xf32, #tpu.memory_space<vmem_shared>>)
        %dma_wait3A_307 = arith.constant 0 : i32
        %dma_wait3A_308 = arith.constant 0 : i32
        %dma_wait3A_309 = arith.constant 1 : i32
        %dma_wait3A_310 = arith.constant 128 : i32
        %dma_wait3A_311 = arith.constant 0 : i32
        %dma_wait3A_312 = tpu.memref_slice %arg10[%dma_wait3A_307, %dma_wait3A_310, %dma_wait3A_311] : memref<2x512x32xf32, #tpu.memory_space<vmem>> -> memref<1x128x32xf32, #tpu.memory_space<vmem>>
        %dma_wait3A_313 = tpu.memref_squeeze %dma_wait3A_312 : memref<1x128x32xf32, #tpu.memory_space<vmem>> -> memref<128x32xf32, #tpu.memory_space<vmem>>
        %dma_wait3A_314 = arith.constant 0 : i32
        %dma_wait3A_315 = tpu.memref_slice %arg7[%dma_wait3A_308, %dma_wait3A_309, %dma_wait3A_314] : memref<2x4x128xi32, #tpu.memory_space<vmem>> -> memref<1x1x128xi32, #tpu.memory_space<vmem>>
        %dma_wait3A_316 = tpu.memref_squeeze %dma_wait3A_315 : memref<1x1x128xi32, #tpu.memory_space<vmem>> -> memref<128xi32, #tpu.memory_space<vmem>>
        %dma_wait3A_317 = arith.constant 0 : i32
        %dma_wait3A_318 = arith.constant 0 : i32
        %dma_wait3A_319 = tpu.memref_slice %arg12[%dma_wait3A_317, %dma_wait3A_318] : memref<10112x32xf32, #tpu.memory_space<vmem_shared>> -> memref<10112x32xf32, #tpu.memory_space<vmem_shared>>
        tpu.wait_indirect_dma semaphore(%arg15 : memref<!tpu.dma_semaphore, #tpu.memory_space<semaphore_mem>>) src(%dma_wait3A_313 : memref<128x32xf32, #tpu.memory_space<vmem>>) dst(%dma_wait3A_319 : memref<10112x32xf32, #tpu.memory_space<vmem_shared>>)
        %dma_wait3A_320 = arith.constant 0 : i32
        %dma_wait3A_321 = arith.constant 0 : i32
        %dma_wait3A_322 = arith.constant 2 : i32
        %dma_wait3A_323 = arith.constant 256 : i32
        %dma_wait3A_324 = arith.constant 0 : i32
        %dma_wait3A_325 = tpu.memref_slice %arg10[%dma_wait3A_320, %dma_wait3A_323, %dma_wait3A_324] : memref<2x512x32xf32, #tpu.memory_space<vmem>> -> memref<1x128x32xf32, #tpu.memory_space<vmem>>
        %dma_wait3A_326 = tpu.memref_squeeze %dma_wait3A_325 : memref<1x128x32xf32, #tpu.memory_space<vmem>> -> memref<128x32xf32, #tpu.memory_space<vmem>>
        %dma_wait3A_327 = arith.constant 0 : i32
        %dma_wait3A_328 = tpu.memref_slice %arg7[%dma_wait3A_321, %dma_wait3A_322, %dma_wait3A_327] : memref<2x4x128xi32, #tpu.memory_space<vmem>> -> memref<1x1x128xi32, #tpu.memory_space<vmem>>
        %dma_wait3A_329 = tpu.memref_squeeze %dma_wait3A_328 : memref<1x1x128xi32, #tpu.memory_space<vmem>> -> memref<128xi32, #tpu.memory_space<vmem>>
        %dma_wait3A_330 = arith.constant 0 : i32
        %dma_wait3A_331 = arith.constant 0 : i32
        %dma_wait3A_332 = tpu.memref_slice %arg12[%dma_wait3A_330, %dma_wait3A_331] : memref<10112x32xf32, #tpu.memory_space<vmem_shared>> -> memref<10112x32xf32, #tpu.memory_space<vmem_shared>>
        tpu.wait_indirect_dma semaphore(%arg15 : memref<!tpu.dma_semaphore, #tpu.memory_space<semaphore_mem>>) src(%dma_wait3A_326 : memref<128x32xf32, #tpu.memory_space<vmem>>) dst(%dma_wait3A_332 : memref<10112x32xf32, #tpu.memory_space<vmem_shared>>)
        %dma_wait3A_333 = arith.constant 0 : i32
        %dma_wait3A_334 = arith.constant 0 : i32
        %dma_wait3A_335 = arith.constant 3 : i32
        %dma_wait3A_336 = arith.constant 384 : i32
        %dma_wait3A_337 = arith.constant 0 : i32
        %dma_wait3A_338 = tpu.memref_slice %arg10[%dma_wait3A_333, %dma_wait3A_336, %dma_wait3A_337] : memref<2x512x32xf32, #tpu.memory_space<vmem>> -> memref<1x128x32xf32, #tpu.memory_space<vmem>>
        %dma_wait3A_339 = tpu.memref_squeeze %dma_wait3A_338 : memref<1x128x32xf32, #tpu.memory_space<vmem>> -> memref<128x32xf32, #tpu.memory_space<vmem>>
        %dma_wait3A_340 = arith.constant 0 : i32
        %dma_wait3A_341 = tpu.memref_slice %arg7[%dma_wait3A_334, %dma_wait3A_335, %dma_wait3A_340] : memref<2x4x128xi32, #tpu.memory_space<vmem>> -> memref<1x1x128xi32, #tpu.memory_space<vmem>>
        %dma_wait3A_342 = tpu.memref_squeeze %dma_wait3A_341 : memref<1x1x128xi32, #tpu.memory_space<vmem>> -> memref<128xi32, #tpu.memory_space<vmem>>
        %dma_wait3A_343 = arith.constant 0 : i32
        %dma_wait3A_344 = arith.constant 0 : i32
        %dma_wait3A_345 = tpu.memref_slice %arg12[%dma_wait3A_343, %dma_wait3A_344] : memref<10112x32xf32, #tpu.memory_space<vmem_shared>> -> memref<10112x32xf32, #tpu.memory_space<vmem_shared>>
        tpu.wait_indirect_dma semaphore(%arg15 : memref<!tpu.dma_semaphore, #tpu.memory_space<semaphore_mem>>) src(%dma_wait3A_339 : memref<128x32xf32, #tpu.memory_space<vmem>>) dst(%dma_wait3A_345 : memref<10112x32xf32, #tpu.memory_space<vmem_shared>>)
      } else {
      }
      %add3A_272 = arith.constant 1 : i32
      %add3A_273 = arith.addi %add3A_240, %add3A_272 : i32
      %lt3A_274 = arith.constant 20 : i32
      %lt3A_275 = arith.cmpi slt, %add3A_273, %lt3A_274 : i32
      %and3A_276 = arith.andi %lt3A_275, %lt3A_265 : i1
      %convert_element_type3A_277 = arith.extui %and3A_276 : i1 to i32
      %cond3A_278 = arith.constant 0 : i32
      %cond3A_279 = arith.cmpi ne, %convert_element_type3A_277, %cond3A_278 : i32
      scf.if %cond3A_279 {
        %add3A_294 = arith.constant 1 : i32
        %add3A_295 = arith.addi %add3A_240, %add3A_294 : i32
        %mul3A_296 = arith.constant 80 : i32
        %mul3A_297 = arith.muli %add3A, %mul3A_296 : i32
        %mul3A_298 = arith.constant 4 : i32
        %mul3A_299 = arith.muli %add3A_295, %mul3A_298 : i32
        %add3A_300 = arith.addi %mul3A_297, %mul3A_299 : i32
        %mul3A_301 = arith.constant 10240 : i32
        %mul3A_302 = arith.muli %add3A, %mul3A_301 : i32
        %mul3A_303 = arith.constant 512 : i32
        %mul3A_304 = arith.muli %add3A_295, %mul3A_303 : i32
        %add3A_305 = arith.addi %mul3A_302, %mul3A_304 : i32
        %add3A_306 = arith.constant 2500 : i32
        %add3A_307 = arith.addi %add3A_306, %add3A_300 : i32
        %dma_start3A_308 = arith.constant 0 : i32
        %dma_start3A_309 = arith.constant 0 : i32
        %dma_start3A_310 = arith.constant 0 : i32
        %dma_start3A_311 = tpu.memref_slice %arg6[%dma_start3A_308, %dma_start3A_309, %dma_start3A_310] : memref<2x4x128xi32, #tpu.memory_space<vmem>> -> memref<1x4x128xi32, #tpu.memory_space<vmem>>
        %dma_start3A_312 = tpu.memref_squeeze %dma_start3A_311 : memref<1x4x128xi32, #tpu.memory_space<vmem>> -> memref<4x128xi32, #tpu.memory_space<vmem>>
        %dma_start3A_313 = arith.constant 0 : i32
        %dma_start3A_314 = tpu.memref_slice %arg4[%add3A_307, %dma_start3A_313] : memref<5000x128xi32, #tpu.memory_space<hbm>> -> memref<4x128xi32, #tpu.memory_space<hbm>>
        %dma_start3A_315 = arith.constant 0 : i32
        %dma_start3A_316 = arith.constant 0 : i32
        %dma_start3A_317 = tpu.memref_slice %arg6[%dma_start3A_308, %dma_start3A_315, %dma_start3A_316] : memref<2x4x128xi32, #tpu.memory_space<vmem>> -> memref<1x4x128xi32, #tpu.memory_space<vmem>>
        %dma_start3A_318 = tpu.memref_squeeze %dma_start3A_317 : memref<1x4x128xi32, #tpu.memory_space<vmem>> -> memref<4x128xi32, #tpu.memory_space<vmem>>
        %dma_start3A_319 = arith.constant 0 : i32
        %dma_start3A_320 = tpu.memref_slice %arg4[%add3A_307, %dma_start3A_319] : memref<5000x128xi32, #tpu.memory_space<hbm>> -> memref<4x128xi32, #tpu.memory_space<hbm>>
        tpu.enqueue_dma source(%dma_start3A_320 : memref<4x128xi32, #tpu.memory_space<hbm>>) target(%dma_start3A_318 : memref<4x128xi32, #tpu.memory_space<vmem>>) target_semaphore(%arg13 : memref<!tpu.dma_semaphore, #tpu.memory_space<semaphore_mem>>)
        %dma_start3A_321 = arith.constant 0 : i32
        %dma_start3A_322 = arith.constant 0 : i32
        %dma_start3A_323 = arith.constant 0 : i32
        %dma_start3A_324 = tpu.memref_slice %arg7[%dma_start3A_321, %dma_start3A_322, %dma_start3A_323] : memref<2x4x128xi32, #tpu.memory_space<vmem>> -> memref<1x4x128xi32, #tpu.memory_space<vmem>>
        %dma_start3A_325 = tpu.memref_squeeze %dma_start3A_324 : memref<1x4x128xi32, #tpu.memory_space<vmem>> -> memref<4x128xi32, #tpu.memory_space<vmem>>
        %dma_start3A_326 = arith.constant 0 : i32
        %dma_start3A_327 = tpu.memref_slice %arg4[%add3A_300, %dma_start3A_326] : memref<5000x128xi32, #tpu.memory_space<hbm>> -> memref<4x128xi32, #tpu.memory_space<hbm>>
        %dma_start3A_328 = arith.constant 0 : i32
        %dma_start3A_329 = arith.constant 0 : i32
        %dma_start3A_330 = tpu.memref_slice %arg7[%dma_start3A_321, %dma_start3A_328, %dma_start3A_329] : memref<2x4x128xi32, #tpu.memory_space<vmem>> -> memref<1x4x128xi32, #tpu.memory_space<vmem>>
        %dma_start3A_331 = tpu.memref_squeeze %dma_start3A_330 : memref<1x4x128xi32, #tpu.memory_space<vmem>> -> memref<4x128xi32, #tpu.memory_space<vmem>>
        %dma_start3A_332 = arith.constant 0 : i32
        %dma_start3A_333 = tpu.memref_slice %arg4[%add3A_300, %dma_start3A_332] : memref<5000x128xi32, #tpu.memory_space<hbm>> -> memref<4x128xi32, #tpu.memory_space<hbm>>
        tpu.enqueue_dma source(%dma_start3A_333 : memref<4x128xi32, #tpu.memory_space<hbm>>) target(%dma_start3A_331 : memref<4x128xi32, #tpu.memory_space<vmem>>) target_semaphore(%arg13 : memref<!tpu.dma_semaphore, #tpu.memory_space<semaphore_mem>>)
        %dma_start3A_334 = arith.constant 0 : i32
        %dma_start3A_335 = arith.constant 0 : i32
        %dma_start3A_336 = arith.constant 0 : i32
        %dma_start3A_337 = tpu.memref_slice %arg8[%dma_start3A_334, %dma_start3A_335, %dma_start3A_336] : memref<2x16x512xf32, #tpu.memory_space<vmem>> -> memref<1x16x512xf32, #tpu.memory_space<vmem>>
        %dma_start3A_338 = tpu.memref_squeeze %dma_start3A_337 : memref<1x16x512xf32, #tpu.memory_space<vmem>> -> memref<16x512xf32, #tpu.memory_space<vmem>>
        %dma_start3A_339 = arith.constant 0 : i32
        %dma_start3A_340 = tpu.memref_slice %arg3[%dma_start3A_339, %add3A_305] : memref<16x320000xf32, #tpu.memory_space<hbm>> -> memref<16x512xf32, #tpu.memory_space<hbm>>
        %dma_start3A_341 = arith.constant 0 : i32
        %dma_start3A_342 = arith.constant 0 : i32
        %dma_start3A_343 = tpu.memref_slice %arg8[%dma_start3A_334, %dma_start3A_341, %dma_start3A_342] : memref<2x16x512xf32, #tpu.memory_space<vmem>> -> memref<1x16x512xf32, #tpu.memory_space<vmem>>
        %dma_start3A_344 = tpu.memref_squeeze %dma_start3A_343 : memref<1x16x512xf32, #tpu.memory_space<vmem>> -> memref<16x512xf32, #tpu.memory_space<vmem>>
        %dma_start3A_345 = arith.constant 0 : i32
        %dma_start3A_346 = tpu.memref_slice %arg3[%dma_start3A_345, %add3A_305] : memref<16x320000xf32, #tpu.memory_space<hbm>> -> memref<16x512xf32, #tpu.memory_space<hbm>>
        tpu.enqueue_dma source(%dma_start3A_346 : memref<16x512xf32, #tpu.memory_space<hbm>>) target(%dma_start3A_344 : memref<16x512xf32, #tpu.memory_space<vmem>>) target_semaphore(%arg13 : memref<!tpu.dma_semaphore, #tpu.memory_space<semaphore_mem>>)
      } else {
      }
      %convert_element_type3A_280 = arith.extui %lt3A_247 : i1 to i32
      %cond3A_281 = arith.constant 0 : i32
      %cond3A_282 = arith.cmpi ne, %convert_element_type3A_280, %cond3A_281 : i32
      scf.if %cond3A_282 {
        %dma_wait3A_294 = arith.constant 1 : i32
        %dma_wait3A_295 = arith.constant 0 : i32
        %dma_wait3A_296 = arith.constant 1 : i32
        %dma_wait3A_297 = arith.constant 0 : i32
        %dma_wait3A_298 = arith.constant 0 : i32
        %dma_wait3A_299 = tpu.memref_slice %arg9[%dma_wait3A_296, %dma_wait3A_297, %dma_wait3A_298] : memref<2x512x16xf32, #tpu.memory_space<vmem>> -> memref<1x128x16xf32, #tpu.memory_space<vmem>>
        %dma_wait3A_300 = tpu.memref_squeeze %dma_wait3A_299 : memref<1x128x16xf32, #tpu.memory_space<vmem>> -> memref<128x16xf32, #tpu.memory_space<vmem>>
        %dma_wait3A_301 = arith.constant 0 : i32
        %dma_wait3A_302 = tpu.memref_slice %arg6[%dma_wait3A_294, %dma_wait3A_295, %dma_wait3A_301] : memref<2x4x128xi32, #tpu.memory_space<vmem>> -> memref<1x1x128xi32, #tpu.memory_space<vmem>>
        %dma_wait3A_303 = tpu.memref_squeeze %dma_wait3A_302 : memref<1x1x128xi32, #tpu.memory_space<vmem>> -> memref<128xi32, #tpu.memory_space<vmem>>
        %dma_wait3A_304 = arith.constant 0 : i32
        %dma_wait3A_305 = arith.constant 0 : i32
        %dma_wait3A_306 = tpu.memref_slice %arg11[%dma_wait3A_304, %dma_wait3A_305] : memref<10240x16xf32, #tpu.memory_space<vmem_shared>> -> memref<10240x16xf32, #tpu.memory_space<vmem_shared>>
        tpu.wait_indirect_dma semaphore(%arg14 : memref<!tpu.dma_semaphore, #tpu.memory_space<semaphore_mem>>) src(%dma_wait3A_306 : memref<10240x16xf32, #tpu.memory_space<vmem_shared>>) dst(%dma_wait3A_300 : memref<128x16xf32, #tpu.memory_space<vmem>>)
        %dma_wait3A_307 = arith.constant 1 : i32
        %dma_wait3A_308 = arith.constant 1 : i32
        %dma_wait3A_309 = arith.constant 1 : i32
        %dma_wait3A_310 = arith.constant 128 : i32
        %dma_wait3A_311 = arith.constant 0 : i32
        %dma_wait3A_312 = tpu.memref_slice %arg9[%dma_wait3A_309, %dma_wait3A_310, %dma_wait3A_311] : memref<2x512x16xf32, #tpu.memory_space<vmem>> -> memref<1x128x16xf32, #tpu.memory_space<vmem>>
        %dma_wait3A_313 = tpu.memref_squeeze %dma_wait3A_312 : memref<1x128x16xf32, #tpu.memory_space<vmem>> -> memref<128x16xf32, #tpu.memory_space<vmem>>
        %dma_wait3A_314 = arith.constant 0 : i32
        %dma_wait3A_315 = tpu.memref_slice %arg6[%dma_wait3A_307, %dma_wait3A_308, %dma_wait3A_314] : memref<2x4x128xi32, #tpu.memory_space<vmem>> -> memref<1x1x128xi32, #tpu.memory_space<vmem>>
        %dma_wait3A_316 = tpu.memref_squeeze %dma_wait3A_315 : memref<1x1x128xi32, #tpu.memory_space<vmem>> -> memref<128xi32, #tpu.memory_space<vmem>>
        %dma_wait3A_317 = arith.constant 0 : i32
        %dma_wait3A_318 = arith.constant 0 : i32
        %dma_wait3A_319 = tpu.memref_slice %arg11[%dma_wait3A_317, %dma_wait3A_318] : memref<10240x16xf32, #tpu.memory_space<vmem_shared>> -> memref<10240x16xf32, #tpu.memory_space<vmem_shared>>
        tpu.wait_indirect_dma semaphore(%arg14 : memref<!tpu.dma_semaphore, #tpu.memory_space<semaphore_mem>>) src(%dma_wait3A_319 : memref<10240x16xf32, #tpu.memory_space<vmem_shared>>) dst(%dma_wait3A_313 : memref<128x16xf32, #tpu.memory_space<vmem>>)
        %dma_wait3A_320 = arith.constant 1 : i32
        %dma_wait3A_321 = arith.constant 2 : i32
        %dma_wait3A_322 = arith.constant 1 : i32
        %dma_wait3A_323 = arith.constant 256 : i32
        %dma_wait3A_324 = arith.constant 0 : i32
        %dma_wait3A_325 = tpu.memref_slice %arg9[%dma_wait3A_322, %dma_wait3A_323, %dma_wait3A_324] : memref<2x512x16xf32, #tpu.memory_space<vmem>> -> memref<1x128x16xf32, #tpu.memory_space<vmem>>
        %dma_wait3A_326 = tpu.memref_squeeze %dma_wait3A_325 : memref<1x128x16xf32, #tpu.memory_space<vmem>> -> memref<128x16xf32, #tpu.memory_space<vmem>>
        %dma_wait3A_327 = arith.constant 0 : i32
        %dma_wait3A_328 = tpu.memref_slice %arg6[%dma_wait3A_320, %dma_wait3A_321, %dma_wait3A_327] : memref<2x4x128xi32, #tpu.memory_space<vmem>> -> memref<1x1x128xi32, #tpu.memory_space<vmem>>
        %dma_wait3A_329 = tpu.memref_squeeze %dma_wait3A_328 : memref<1x1x128xi32, #tpu.memory_space<vmem>> -> memref<128xi32, #tpu.memory_space<vmem>>
        %dma_wait3A_330 = arith.constant 0 : i32
        %dma_wait3A_331 = arith.constant 0 : i32
        %dma_wait3A_332 = tpu.memref_slice %arg11[%dma_wait3A_330, %dma_wait3A_331] : memref<10240x16xf32, #tpu.memory_space<vmem_shared>> -> memref<10240x16xf32, #tpu.memory_space<vmem_shared>>
        tpu.wait_indirect_dma semaphore(%arg14 : memref<!tpu.dma_semaphore, #tpu.memory_space<semaphore_mem>>) src(%dma_wait3A_332 : memref<10240x16xf32, #tpu.memory_space<vmem_shared>>) dst(%dma_wait3A_326 : memref<128x16xf32, #tpu.memory_space<vmem>>)
        %dma_wait3A_333 = arith.constant 1 : i32
        %dma_wait3A_334 = arith.constant 3 : i32
        %dma_wait3A_335 = arith.constant 1 : i32
        %dma_wait3A_336 = arith.constant 384 : i32
        %dma_wait3A_337 = arith.constant 0 : i32
        %dma_wait3A_338 = tpu.memref_slice %arg9[%dma_wait3A_335, %dma_wait3A_336, %dma_wait3A_337] : memref<2x512x16xf32, #tpu.memory_space<vmem>> -> memref<1x128x16xf32, #tpu.memory_space<vmem>>
        %dma_wait3A_339 = tpu.memref_squeeze %dma_wait3A_338 : memref<1x128x16xf32, #tpu.memory_space<vmem>> -> memref<128x16xf32, #tpu.memory_space<vmem>>
        %dma_wait3A_340 = arith.constant 0 : i32
        %dma_wait3A_341 = tpu.memref_slice %arg6[%dma_wait3A_333, %dma_wait3A_334, %dma_wait3A_340] : memref<2x4x128xi32, #tpu.memory_space<vmem>> -> memref<1x1x128xi32, #tpu.memory_space<vmem>>
        %dma_wait3A_342 = tpu.memref_squeeze %dma_wait3A_341 : memref<1x1x128xi32, #tpu.memory_space<vmem>> -> memref<128xi32, #tpu.memory_space<vmem>>
        %dma_wait3A_343 = arith.constant 0 : i32
        %dma_wait3A_344 = arith.constant 0 : i32
        %dma_wait3A_345 = tpu.memref_slice %arg11[%dma_wait3A_343, %dma_wait3A_344] : memref<10240x16xf32, #tpu.memory_space<vmem_shared>> -> memref<10240x16xf32, #tpu.memory_space<vmem_shared>>
        tpu.wait_indirect_dma semaphore(%arg14 : memref<!tpu.dma_semaphore, #tpu.memory_space<semaphore_mem>>) src(%dma_wait3A_345 : memref<10240x16xf32, #tpu.memory_space<vmem_shared>>) dst(%dma_wait3A_339 : memref<128x16xf32, #tpu.memory_space<vmem>>)
        %parallel_loop3A_346 = arith.constant 0 : i32
        %parallel_loop3A_347 = arith.constant 512 : i32
        %parallel_loop3A_348 = arith.constant 1 : i32
        scf.for %parallel_loop3A_349 = %parallel_loop3A_346 to %parallel_loop3A_347 step %parallel_loop3A_348  : i32 {
          %parallel_loop3A_350 = vector.broadcast %parallel_loop3A_349 : i32 to vector<16xi32>
          %parallel_loop3A_351 = arith.constant 1 : i32
          %parallel_loop3A_352 = arith.constant 0 : i32
          %parallel_loop3A_353 = arith.constant 0 : i32
          %parallel_loop3A_354 = tpu.memref_slice %arg8[%parallel_loop3A_351, %parallel_loop3A_352, %parallel_loop3A_353] : memref<2x16x512xf32, #tpu.memory_space<vmem>> -> memref<1x16x512xf32, #tpu.memory_space<vmem>>
          %parallel_loop3A_355 = tpu.memref_squeeze %parallel_loop3A_354 : memref<1x16x512xf32, #tpu.memory_space<vmem>> -> memref<16x512xf32, #tpu.memory_space<vmem>>
          %parallel_loop3A_356 = tpu.vector_load_idx %parallel_loop3A_355[%iota3A, %parallel_loop3A_350] : memref<16x512xf32, #tpu.memory_space<vmem>>[vector<16xi32>, vector<16xi32>], vector<16xf32>,
          %parallel_loop3A_357 = arith.constant 1 : i32
          %parallel_loop3A_358 = arith.index_cast %parallel_loop3A_357 : i32 to index
          %parallel_loop3A_359 = arith.index_cast %parallel_loop3A_349 : i32 to index
          %parallel_loop3A_360 = arith.constant 0 : index
          %parallel_loop3A_361 = tpu.vector_load %arg9[%parallel_loop3A_358, %parallel_loop3A_359, %parallel_loop3A_360] {strides = array<i32>} : memref<2x512x16xf32, #tpu.memory_space<vmem>>, vector<16xf32>,
          %parallel_loop3A_362 = arith.addf %parallel_loop3A_361, %parallel_loop3A_356 : vector<16xf32>
          %parallel_loop3A_363 = arith.constant 0.000000e+00 : f32
          %parallel_loop3A_364 = vector.broadcast %parallel_loop3A_363 : f32 to vector<16xf32>
          %parallel_loop3A_365 = arith.maximumf %parallel_loop3A_362, %parallel_loop3A_364 : vector<16xf32>
          %parallel_loop3A_366 = arith.constant 1 : i32
          %parallel_loop3A_367 = arith.index_cast %parallel_loop3A_366 : i32 to index
          %parallel_loop3A_368 = arith.index_cast %parallel_loop3A_349 : i32 to index
          %parallel_loop3A_369 = arith.constant 0 : index
          %parallel_loop3A_370 = tpu.vector_load %arg10[%parallel_loop3A_367, %parallel_loop3A_368, %parallel_loop3A_369] {strides = array<i32>} : memref<2x512x32xf32, #tpu.memory_space<vmem>>, vector<16xf32>,
          tpu.vector_store %arg10[%parallel_loop3A_367, %parallel_loop3A_368, %parallel_loop3A_369], %parallel_loop3A_365 {strides = array<i32>} : memref<2x512x32xf32, #tpu.memory_space<vmem>>, vector<16xf32>,
        } {sc.loop_unroll_factor = 8 : i64, sc.parallel_access}
      } else {
      }
      %add3A_283 = arith.constant 1 : i32
      %add3A_284 = arith.addi %add3A_240, %add3A_283 : i32
      %lt3A_285 = arith.constant 20 : i32
      %lt3A_286 = arith.cmpi slt, %add3A_284, %lt3A_285 : i32
      %and3A_287 = arith.andi %lt3A_286, %lt3A_265 : i1
      %convert_element_type3A_288 = arith.extui %and3A_287 : i1 to i32
      %cond3A_289 = arith.constant 0 : i32
      %cond3A_290 = arith.cmpi ne, %convert_element_type3A_288, %cond3A_289 : i32
      scf.if %cond3A_290 {
        %add3A_294 = arith.constant 1 : i32
        %add3A_295 = arith.addi %add3A_240, %add3A_294 : i32
        %mul3A_296 = arith.constant 80 : i32
        %mul3A_297 = arith.muli %add3A, %mul3A_296 : i32
        %mul3A_298 = arith.constant 4 : i32
        %mul3A_299 = arith.muli %add3A_295, %mul3A_298 : i32
        %add3A_300 = arith.addi %mul3A_297, %mul3A_299 : i32
        %mul3A_301 = arith.constant 10240 : i32
        %mul3A_302 = arith.muli %add3A, %mul3A_301 : i32
        %mul3A_303 = arith.constant 512 : i32
        %mul3A_304 = arith.muli %add3A_295, %mul3A_303 : i32
        %add3A_305 = arith.addi %mul3A_302, %mul3A_304 : i32
        %add3A_306 = arith.constant 2500 : i32
        %add3A_307 = arith.addi %add3A_306, %add3A_300 : i32
        %dma_wait3A_308 = arith.constant 0 : i32
        %dma_wait3A_309 = arith.constant 0 : i32
        %dma_wait3A_310 = arith.constant 0 : i32
        %dma_wait3A_311 = tpu.memref_slice %arg6[%dma_wait3A_308, %dma_wait3A_309, %dma_wait3A_310] : memref<2x4x128xi32, #tpu.memory_space<vmem>> -> memref<1x4x128xi32, #tpu.memory_space<vmem>>
        %dma_wait3A_312 = tpu.memref_squeeze %dma_wait3A_311 : memref<1x4x128xi32, #tpu.memory_space<vmem>> -> memref<4x128xi32, #tpu.memory_space<vmem>>
        %dma_wait3A_313 = arith.constant 0 : i32
        %dma_wait3A_314 = tpu.memref_slice %arg4[%add3A_307, %dma_wait3A_313] : memref<5000x128xi32, #tpu.memory_space<hbm>> -> memref<4x128xi32, #tpu.memory_space<hbm>>
        %dma_wait3A_315 = arith.constant 0 : i32
        %dma_wait3A_316 = arith.constant 0 : i32
        %dma_wait3A_317 = tpu.memref_slice %arg6[%dma_wait3A_308, %dma_wait3A_315, %dma_wait3A_316] : memref<2x4x128xi32, #tpu.memory_space<vmem>> -> memref<1x4x128xi32, #tpu.memory_space<vmem>>
        %dma_wait3A_318 = tpu.memref_squeeze %dma_wait3A_317 : memref<1x4x128xi32, #tpu.memory_space<vmem>> -> memref<4x128xi32, #tpu.memory_space<vmem>>
        %dma_wait3A_319 = arith.constant 0 : i32
        %dma_wait3A_320 = tpu.memref_slice %arg4[%add3A_307, %dma_wait3A_319] : memref<5000x128xi32, #tpu.memory_space<hbm>> -> memref<4x128xi32, #tpu.memory_space<hbm>>
        tpu.wait_dma2 semaphore(%arg13 : memref<!tpu.dma_semaphore, #tpu.memory_space<semaphore_mem>>) src(%dma_wait3A_320 : memref<4x128xi32, #tpu.memory_space<hbm>>) dst(%dma_wait3A_318 : memref<4x128xi32, #tpu.memory_space<vmem>>)
        %dma_wait3A_321 = arith.constant 0 : i32
        %dma_wait3A_322 = arith.constant 0 : i32
        %dma_wait3A_323 = arith.constant 0 : i32
        %dma_wait3A_324 = tpu.memref_slice %arg7[%dma_wait3A_321, %dma_wait3A_322, %dma_wait3A_323] : memref<2x4x128xi32, #tpu.memory_space<vmem>> -> memref<1x4x128xi32, #tpu.memory_space<vmem>>
        %dma_wait3A_325 = tpu.memref_squeeze %dma_wait3A_324 : memref<1x4x128xi32, #tpu.memory_space<vmem>> -> memref<4x128xi32, #tpu.memory_space<vmem>>
        %dma_wait3A_326 = arith.constant 0 : i32
        %dma_wait3A_327 = tpu.memref_slice %arg4[%add3A_300, %dma_wait3A_326] : memref<5000x128xi32, #tpu.memory_space<hbm>> -> memref<4x128xi32, #tpu.memory_space<hbm>>
        %dma_wait3A_328 = arith.constant 0 : i32
        %dma_wait3A_329 = arith.constant 0 : i32
        %dma_wait3A_330 = tpu.memref_slice %arg7[%dma_wait3A_321, %dma_wait3A_328, %dma_wait3A_329] : memref<2x4x128xi32, #tpu.memory_space<vmem>> -> memref<1x4x128xi32, #tpu.memory_space<vmem>>
        %dma_wait3A_331 = tpu.memref_squeeze %dma_wait3A_330 : memref<1x4x128xi32, #tpu.memory_space<vmem>> -> memref<4x128xi32, #tpu.memory_space<vmem>>
        %dma_wait3A_332 = arith.constant 0 : i32
        %dma_wait3A_333 = tpu.memref_slice %arg4[%add3A_300, %dma_wait3A_332] : memref<5000x128xi32, #tpu.memory_space<hbm>> -> memref<4x128xi32, #tpu.memory_space<hbm>>
        tpu.wait_dma2 semaphore(%arg13 : memref<!tpu.dma_semaphore, #tpu.memory_space<semaphore_mem>>) src(%dma_wait3A_333 : memref<4x128xi32, #tpu.memory_space<hbm>>) dst(%dma_wait3A_331 : memref<4x128xi32, #tpu.memory_space<vmem>>)
        %dma_wait3A_334 = arith.constant 0 : i32
        %dma_wait3A_335 = arith.constant 0 : i32
        %dma_wait3A_336 = arith.constant 0 : i32
        %dma_wait3A_337 = tpu.memref_slice %arg8[%dma_wait3A_334, %dma_wait3A_335, %dma_wait3A_336] : memref<2x16x512xf32, #tpu.memory_space<vmem>> -> memref<1x16x512xf32, #tpu.memory_space<vmem>>
        %dma_wait3A_338 = tpu.memref_squeeze %dma_wait3A_337 : memref<1x16x512xf32, #tpu.memory_space<vmem>> -> memref<16x512xf32, #tpu.memory_space<vmem>>
        %dma_wait3A_339 = arith.constant 0 : i32
        %dma_wait3A_340 = tpu.memref_slice %arg3[%dma_wait3A_339, %add3A_305] : memref<16x320000xf32, #tpu.memory_space<hbm>> -> memref<16x512xf32, #tpu.memory_space<hbm>>
        %dma_wait3A_341 = arith.constant 0 : i32
        %dma_wait3A_342 = arith.constant 0 : i32
        %dma_wait3A_343 = tpu.memref_slice %arg8[%dma_wait3A_334, %dma_wait3A_341, %dma_wait3A_342] : memref<2x16x512xf32, #tpu.memory_space<vmem>> -> memref<1x16x512xf32, #tpu.memory_space<vmem>>
        %dma_wait3A_344 = tpu.memref_squeeze %dma_wait3A_343 : memref<1x16x512xf32, #tpu.memory_space<vmem>> -> memref<16x512xf32, #tpu.memory_space<vmem>>
        %dma_wait3A_345 = arith.constant 0 : i32
        %dma_wait3A_346 = tpu.memref_slice %arg3[%dma_wait3A_345, %add3A_305] : memref<16x320000xf32, #tpu.memory_space<hbm>> -> memref<16x512xf32, #tpu.memory_space<hbm>>
        tpu.wait_dma2 semaphore(%arg13 : memref<!tpu.dma_semaphore, #tpu.memory_space<semaphore_mem>>) src(%dma_wait3A_346 : memref<16x512xf32, #tpu.memory_space<hbm>>) dst(%dma_wait3A_344 : memref<16x512xf32, #tpu.memory_space<vmem>>)
        %dma_start3A_347 = arith.constant 0 : i32
        %dma_start3A_348 = arith.constant 0 : i32
        %dma_start3A_349 = arith.constant 0 : i32
        %dma_start3A_350 = arith.constant 0 : i32
        %dma_start3A_351 = arith.constant 0 : i32
        %dma_start3A_352 = tpu.memref_slice %arg9[%dma_start3A_349, %dma_start3A_350, %dma_start3A_351] : memref<2x512x16xf32, #tpu.memory_space<vmem>> -> memref<1x128x16xf32, #tpu.memory_space<vmem>>
        %dma_start3A_353 = tpu.memref_squeeze %dma_start3A_352 : memref<1x128x16xf32, #tpu.memory_space<vmem>> -> memref<128x16xf32, #tpu.memory_space<vmem>>
        %dma_start3A_354 = arith.constant 0 : i32
        %dma_start3A_355 = tpu.memref_slice %arg6[%dma_start3A_347, %dma_start3A_348, %dma_start3A_354] : memref<2x4x128xi32, #tpu.memory_space<vmem>> -> memref<1x1x128xi32, #tpu.memory_space<vmem>>
        %dma_start3A_356 = tpu.memref_squeeze %dma_start3A_355 : memref<1x1x128xi32, #tpu.memory_space<vmem>> -> memref<128xi32, #tpu.memory_space<vmem>>
        %dma_start3A_357 = arith.constant 0 : i32
        %dma_start3A_358 = arith.constant 0 : i32
        %dma_start3A_359 = tpu.memref_slice %arg11[%dma_start3A_357, %dma_start3A_358] : memref<10240x16xf32, #tpu.memory_space<vmem_shared>> -> memref<10240x16xf32, #tpu.memory_space<vmem_shared>>
        tpu.enqueue_indirect_dma source(%dma_start3A_359 : memref<10240x16xf32, #tpu.memory_space<vmem_shared>>) target(%dma_start3A_353 : memref<128x16xf32, #tpu.memory_space<vmem>>) offsets(%dma_start3A_356 : memref<128xi32, #tpu.memory_space<vmem>>) semaphore(%arg14 : memref<!tpu.dma_semaphore, #tpu.memory_space<semaphore_mem>>)
        %dma_start3A_360 = arith.constant 0 : i32
        %dma_start3A_361 = arith.constant 1 : i32
        %dma_start3A_362 = arith.constant 0 : i32
        %dma_start3A_363 = arith.constant 128 : i32
        %dma_start3A_364 = arith.constant 0 : i32
        %dma_start3A_365 = tpu.memref_slice %arg9[%dma_start3A_362, %dma_start3A_363, %dma_start3A_364] : memref<2x512x16xf32, #tpu.memory_space<vmem>> -> memref<1x128x16xf32, #tpu.memory_space<vmem>>
        %dma_start3A_366 = tpu.memref_squeeze %dma_start3A_365 : memref<1x128x16xf32, #tpu.memory_space<vmem>> -> memref<128x16xf32, #tpu.memory_space<vmem>>
        %dma_start3A_367 = arith.constant 0 : i32
        %dma_start3A_368 = tpu.memref_slice %arg6[%dma_start3A_360, %dma_start3A_361, %dma_start3A_367] : memref<2x4x128xi32, #tpu.memory_space<vmem>> -> memref<1x1x128xi32, #tpu.memory_space<vmem>>
        %dma_start3A_369 = tpu.memref_squeeze %dma_start3A_368 : memref<1x1x128xi32, #tpu.memory_space<vmem>> -> memref<128xi32, #tpu.memory_space<vmem>>
        %dma_start3A_370 = arith.constant 0 : i32
        %dma_start3A_371 = arith.constant 0 : i32
        %dma_start3A_372 = tpu.memref_slice %arg11[%dma_start3A_370, %dma_start3A_371] : memref<10240x16xf32, #tpu.memory_space<vmem_shared>> -> memref<10240x16xf32, #tpu.memory_space<vmem_shared>>
        tpu.enqueue_indirect_dma source(%dma_start3A_372 : memref<10240x16xf32, #tpu.memory_space<vmem_shared>>) target(%dma_start3A_366 : memref<128x16xf32, #tpu.memory_space<vmem>>) offsets(%dma_start3A_369 : memref<128xi32, #tpu.memory_space<vmem>>) semaphore(%arg14 : memref<!tpu.dma_semaphore, #tpu.memory_space<semaphore_mem>>)
        %dma_start3A_373 = arith.constant 0 : i32
        %dma_start3A_374 = arith.constant 2 : i32
        %dma_start3A_375 = arith.constant 0 : i32
        %dma_start3A_376 = arith.constant 256 : i32
        %dma_start3A_377 = arith.constant 0 : i32
        %dma_start3A_378 = tpu.memref_slice %arg9[%dma_start3A_375, %dma_start3A_376, %dma_start3A_377] : memref<2x512x16xf32, #tpu.memory_space<vmem>> -> memref<1x128x16xf32, #tpu.memory_space<vmem>>
        %dma_start3A_379 = tpu.memref_squeeze %dma_start3A_378 : memref<1x128x16xf32, #tpu.memory_space<vmem>> -> memref<128x16xf32, #tpu.memory_space<vmem>>
        %dma_start3A_380 = arith.constant 0 : i32
        %dma_start3A_381 = tpu.memref_slice %arg6[%dma_start3A_373, %dma_start3A_374, %dma_start3A_380] : memref<2x4x128xi32, #tpu.memory_space<vmem>> -> memref<1x1x128xi32, #tpu.memory_space<vmem>>
        %dma_start3A_382 = tpu.memref_squeeze %dma_start3A_381 : memref<1x1x128xi32, #tpu.memory_space<vmem>> -> memref<128xi32, #tpu.memory_space<vmem>>
        %dma_start3A_383 = arith.constant 0 : i32
        %dma_start3A_384 = arith.constant 0 : i32
        %dma_start3A_385 = tpu.memref_slice %arg11[%dma_start3A_383, %dma_start3A_384] : memref<10240x16xf32, #tpu.memory_space<vmem_shared>> -> memref<10240x16xf32, #tpu.memory_space<vmem_shared>>
        tpu.enqueue_indirect_dma source(%dma_start3A_385 : memref<10240x16xf32, #tpu.memory_space<vmem_shared>>) target(%dma_start3A_379 : memref<128x16xf32, #tpu.memory_space<vmem>>) offsets(%dma_start3A_382 : memref<128xi32, #tpu.memory_space<vmem>>) semaphore(%arg14 : memref<!tpu.dma_semaphore, #tpu.memory_space<semaphore_mem>>)
        %dma_start3A_386 = arith.constant 0 : i32
        %dma_start3A_387 = arith.constant 3 : i32
        %dma_start3A_388 = arith.constant 0 : i32
        %dma_start3A_389 = arith.constant 384 : i32
        %dma_start3A_390 = arith.constant 0 : i32
        %dma_start3A_391 = tpu.memref_slice %arg9[%dma_start3A_388, %dma_start3A_389, %dma_start3A_390] : memref<2x512x16xf32, #tpu.memory_space<vmem>> -> memref<1x128x16xf32, #tpu.memory_space<vmem>>
        %dma_start3A_392 = tpu.memref_squeeze %dma_start3A_391 : memref<1x128x16xf32, #tpu.memory_space<vmem>> -> memref<128x16xf32, #tpu.memory_space<vmem>>
        %dma_start3A_393 = arith.constant 0 : i32
        %dma_start3A_394 = tpu.memref_slice %arg6[%dma_start3A_386, %dma_start3A_387, %dma_start3A_393] : memref<2x4x128xi32, #tpu.memory_space<vmem>> -> memref<1x1x128xi32, #tpu.memory_space<vmem>>
        %dma_start3A_395 = tpu.memref_squeeze %dma_start3A_394 : memref<1x1x128xi32, #tpu.memory_space<vmem>> -> memref<128xi32, #tpu.memory_space<vmem>>
        %dma_start3A_396 = arith.constant 0 : i32
        %dma_start3A_397 = arith.constant 0 : i32
        %dma_start3A_398 = tpu.memref_slice %arg11[%dma_start3A_396, %dma_start3A_397] : memref<10240x16xf32, #tpu.memory_space<vmem_shared>> -> memref<10240x16xf32, #tpu.memory_space<vmem_shared>>
        tpu.enqueue_indirect_dma source(%dma_start3A_398 : memref<10240x16xf32, #tpu.memory_space<vmem_shared>>) target(%dma_start3A_392 : memref<128x16xf32, #tpu.memory_space<vmem>>) offsets(%dma_start3A_395 : memref<128xi32, #tpu.memory_space<vmem>>) semaphore(%arg14 : memref<!tpu.dma_semaphore, #tpu.memory_space<semaphore_mem>>)
      } else {
      }
      %convert_element_type3A_291 = arith.extui %lt3A_247 : i1 to i32
      %cond3A_292 = arith.constant 0 : i32
      %cond3A_293 = arith.cmpi ne, %convert_element_type3A_291, %cond3A_292 : i32
      scf.if %cond3A_293 {
        %dma_start3A_294 = arith.constant 1 : i32
        %dma_start3A_295 = arith.constant 1 : i32
        %dma_start3A_296 = arith.constant 0 : i32
        %dma_start3A_297 = arith.constant 0 : i32
        %dma_start3A_298 = arith.constant 0 : i32
        %dma_start3A_299 = tpu.memref_slice %arg10[%dma_start3A_294, %dma_start3A_297, %dma_start3A_298] : memref<2x512x32xf32, #tpu.memory_space<vmem>> -> memref<1x128x32xf32, #tpu.memory_space<vmem>>
        %dma_start3A_300 = tpu.memref_squeeze %dma_start3A_299 : memref<1x128x32xf32, #tpu.memory_space<vmem>> -> memref<128x32xf32, #tpu.memory_space<vmem>>
        %dma_start3A_301 = arith.constant 0 : i32
        %dma_start3A_302 = tpu.memref_slice %arg7[%dma_start3A_295, %dma_start3A_296, %dma_start3A_301] : memref<2x4x128xi32, #tpu.memory_space<vmem>> -> memref<1x1x128xi32, #tpu.memory_space<vmem>>
        %dma_start3A_303 = tpu.memref_squeeze %dma_start3A_302 : memref<1x1x128xi32, #tpu.memory_space<vmem>> -> memref<128xi32, #tpu.memory_space<vmem>>
        %dma_start3A_304 = arith.constant 0 : i32
        %dma_start3A_305 = arith.constant 0 : i32
        %dma_start3A_306 = tpu.memref_slice %arg12[%dma_start3A_304, %dma_start3A_305] : memref<10112x32xf32, #tpu.memory_space<vmem_shared>> -> memref<10112x32xf32, #tpu.memory_space<vmem_shared>>
        tpu.enqueue_indirect_dma source(%dma_start3A_300 : memref<128x32xf32, #tpu.memory_space<vmem>>) target(%dma_start3A_306 : memref<10112x32xf32, #tpu.memory_space<vmem_shared>>) offsets(%dma_start3A_303 : memref<128xi32, #tpu.memory_space<vmem>>) semaphore(%arg15 : memref<!tpu.dma_semaphore, #tpu.memory_space<semaphore_mem>>) {add = true}
        %dma_start3A_307 = arith.constant 1 : i32
        %dma_start3A_308 = arith.constant 1 : i32
        %dma_start3A_309 = arith.constant 1 : i32
        %dma_start3A_310 = arith.constant 128 : i32
        %dma_start3A_311 = arith.constant 0 : i32
        %dma_start3A_312 = tpu.memref_slice %arg10[%dma_start3A_307, %dma_start3A_310, %dma_start3A_311] : memref<2x512x32xf32, #tpu.memory_space<vmem>> -> memref<1x128x32xf32, #tpu.memory_space<vmem>>
        %dma_start3A_313 = tpu.memref_squeeze %dma_start3A_312 : memref<1x128x32xf32, #tpu.memory_space<vmem>> -> memref<128x32xf32, #tpu.memory_space<vmem>>
        %dma_start3A_314 = arith.constant 0 : i32
        %dma_start3A_315 = tpu.memref_slice %arg7[%dma_start3A_308, %dma_start3A_309, %dma_start3A_314] : memref<2x4x128xi32, #tpu.memory_space<vmem>> -> memref<1x1x128xi32, #tpu.memory_space<vmem>>
        %dma_start3A_316 = tpu.memref_squeeze %dma_start3A_315 : memref<1x1x128xi32, #tpu.memory_space<vmem>> -> memref<128xi32, #tpu.memory_space<vmem>>
        %dma_start3A_317 = arith.constant 0 : i32
        %dma_start3A_318 = arith.constant 0 : i32
        %dma_start3A_319 = tpu.memref_slice %arg12[%dma_start3A_317, %dma_start3A_318] : memref<10112x32xf32, #tpu.memory_space<vmem_shared>> -> memref<10112x32xf32, #tpu.memory_space<vmem_shared>>
        tpu.enqueue_indirect_dma source(%dma_start3A_313 : memref<128x32xf32, #tpu.memory_space<vmem>>) target(%dma_start3A_319 : memref<10112x32xf32, #tpu.memory_space<vmem_shared>>) offsets(%dma_start3A_316 : memref<128xi32, #tpu.memory_space<vmem>>) semaphore(%arg15 : memref<!tpu.dma_semaphore, #tpu.memory_space<semaphore_mem>>) {add = true}
        %dma_start3A_320 = arith.constant 1 : i32
        %dma_start3A_321 = arith.constant 1 : i32
        %dma_start3A_322 = arith.constant 2 : i32
        %dma_start3A_323 = arith.constant 256 : i32
        %dma_start3A_324 = arith.constant 0 : i32
        %dma_start3A_325 = tpu.memref_slice %arg10[%dma_start3A_320, %dma_start3A_323, %dma_start3A_324] : memref<2x512x32xf32, #tpu.memory_space<vmem>> -> memref<1x128x32xf32, #tpu.memory_space<vmem>>
        %dma_start3A_326 = tpu.memref_squeeze %dma_start3A_325 : memref<1x128x32xf32, #tpu.memory_space<vmem>> -> memref<128x32xf32, #tpu.memory_space<vmem>>
        %dma_start3A_327 = arith.constant 0 : i32
        %dma_start3A_328 = tpu.memref_slice %arg7[%dma_start3A_321, %dma_start3A_322, %dma_start3A_327] : memref<2x4x128xi32, #tpu.memory_space<vmem>> -> memref<1x1x128xi32, #tpu.memory_space<vmem>>
        %dma_start3A_329 = tpu.memref_squeeze %dma_start3A_328 : memref<1x1x128xi32, #tpu.memory_space<vmem>> -> memref<128xi32, #tpu.memory_space<vmem>>
        %dma_start3A_330 = arith.constant 0 : i32
        %dma_start3A_331 = arith.constant 0 : i32
        %dma_start3A_332 = tpu.memref_slice %arg12[%dma_start3A_330, %dma_start3A_331] : memref<10112x32xf32, #tpu.memory_space<vmem_shared>> -> memref<10112x32xf32, #tpu.memory_space<vmem_shared>>
        tpu.enqueue_indirect_dma source(%dma_start3A_326 : memref<128x32xf32, #tpu.memory_space<vmem>>) target(%dma_start3A_332 : memref<10112x32xf32, #tpu.memory_space<vmem_shared>>) offsets(%dma_start3A_329 : memref<128xi32, #tpu.memory_space<vmem>>) semaphore(%arg15 : memref<!tpu.dma_semaphore, #tpu.memory_space<semaphore_mem>>) {add = true}
        %dma_start3A_333 = arith.constant 1 : i32
        %dma_start3A_334 = arith.constant 1 : i32
        %dma_start3A_335 = arith.constant 3 : i32
        %dma_start3A_336 = arith.constant 384 : i32
        %dma_start3A_337 = arith.constant 0 : i32
        %dma_start3A_338 = tpu.memref_slice %arg10[%dma_start3A_333, %dma_start3A_336, %dma_start3A_337] : memref<2x512x32xf32, #tpu.memory_space<vmem>> -> memref<1x128x32xf32, #tpu.memory_space<vmem>>
        %dma_start3A_339 = tpu.memref_squeeze %dma_start3A_338 : memref<1x128x32xf32, #tpu.memory_space<vmem>> -> memref<128x32xf32, #tpu.memory_space<vmem>>
        %dma_start3A_340 = arith.constant 0 : i32
        %dma_start3A_341 = tpu.memref_slice %arg7[%dma_start3A_334, %dma_start3A_335, %dma_start3A_340] : memref<2x4x128xi32, #tpu.memory_space<vmem>> -> memref<1x1x128xi32, #tpu.memory_space<vmem>>
        %dma_start3A_342 = tpu.memref_squeeze %dma_start3A_341 : memref<1x1x128xi32, #tpu.memory_space<vmem>> -> memref<128xi32, #tpu.memory_space<vmem>>
        %dma_start3A_343 = arith.constant 0 : i32
        %dma_start3A_344 = arith.constant 0 : i32
        %dma_start3A_345 = tpu.memref_slice %arg12[%dma_start3A_343, %dma_start3A_344] : memref<10112x32xf32, #tpu.memory_space<vmem_shared>> -> memref<10112x32xf32, #tpu.memory_space<vmem_shared>>
        tpu.enqueue_indirect_dma source(%dma_start3A_339 : memref<128x32xf32, #tpu.memory_space<vmem>>) target(%dma_start3A_345 : memref<10112x32xf32, #tpu.memory_space<vmem_shared>>) offsets(%dma_start3A_342 : memref<128xi32, #tpu.memory_space<vmem>>) semaphore(%arg15 : memref<!tpu.dma_semaphore, #tpu.memory_space<semaphore_mem>>) {add = true}
      } else {
      }
    }
    %scan3A_166 = arith.constant 10 : i32
    %mul3A_167 = arith.constant 10240 : i32
    %mul3A_168 = arith.muli %add3A, %mul3A_167 : i32
    %add3A_169 = arith.constant 9728 : i32
    %add3A_170 = arith.addi %mul3A_168, %add3A_169 : i32
    %lt3A = arith.constant 320000 : i32
    %lt3A_171 = arith.cmpi slt, %add3A_170, %lt3A : i32
    %convert_element_type3A = arith.extui %lt3A_171 : i1 to i32
    %cond3A = arith.constant 0 : i32
    %cond3A_172 = arith.cmpi ne, %convert_element_type3A, %cond3A : i32
    scf.if %cond3A_172 {
      %dma_wait3A_178 = arith.constant 1 : i32
      %dma_wait3A_179 = arith.constant 1 : i32
      %dma_wait3A_180 = arith.constant 0 : i32
      %dma_wait3A_181 = arith.constant 0 : i32
      %dma_wait3A_182 = arith.constant 0 : i32
      %dma_wait3A_183 = tpu.memref_slice %arg10[%dma_wait3A_178, %dma_wait3A_181, %dma_wait3A_182] : memref<2x512x32xf32, #tpu.memory_space<vmem>> -> memref<1x128x32xf32, #tpu.memory_space<vmem>>
      %dma_wait3A_184 = tpu.memref_squeeze %dma_wait3A_183 : memref<1x128x32xf32, #tpu.memory_space<vmem>> -> memref<128x32xf32, #tpu.memory_space<vmem>>
      %dma_wait3A_185 = arith.constant 0 : i32
      %dma_wait3A_186 = tpu.memref_slice %arg7[%dma_wait3A_179, %dma_wait3A_180, %dma_wait3A_185] : memref<2x4x128xi32, #tpu.memory_space<vmem>> -> memref<1x1x128xi32, #tpu.memory_space<vmem>>
      %dma_wait3A_187 = tpu.memref_squeeze %dma_wait3A_186 : memref<1x1x128xi32, #tpu.memory_space<vmem>> -> memref<128xi32, #tpu.memory_space<vmem>>
      %dma_wait3A_188 = arith.constant 0 : i32
      %dma_wait3A_189 = arith.constant 0 : i32
      %dma_wait3A_190 = tpu.memref_slice %arg12[%dma_wait3A_188, %dma_wait3A_189] : memref<10112x32xf32, #tpu.memory_space<vmem_shared>> -> memref<10112x32xf32, #tpu.memory_space<vmem_shared>>
      tpu.wait_indirect_dma semaphore(%arg15 : memref<!tpu.dma_semaphore, #tpu.memory_space<semaphore_mem>>) src(%dma_wait3A_184 : memref<128x32xf32, #tpu.memory_space<vmem>>) dst(%dma_wait3A_190 : memref<10112x32xf32, #tpu.memory_space<vmem_shared>>)
      %dma_wait3A_191 = arith.constant 1 : i32
      %dma_wait3A_192 = arith.constant 1 : i32
      %dma_wait3A_193 = arith.constant 1 : i32
      %dma_wait3A_194 = arith.constant 128 : i32
      %dma_wait3A_195 = arith.constant 0 : i32
      %dma_wait3A_196 = tpu.memref_slice %arg10[%dma_wait3A_191, %dma_wait3A_194, %dma_wait3A_195] : memref<2x512x32xf32, #tpu.memory_space<vmem>> -> memref<1x128x32xf32, #tpu.memory_space<vmem>>
      %dma_wait3A_197 = tpu.memref_squeeze %dma_wait3A_196 : memref<1x128x32xf32, #tpu.memory_space<vmem>> -> memref<128x32xf32, #tpu.memory_space<vmem>>
      %dma_wait3A_198 = arith.constant 0 : i32
      %dma_wait3A_199 = tpu.memref_slice %arg7[%dma_wait3A_192, %dma_wait3A_193, %dma_wait3A_198] : memref<2x4x128xi32, #tpu.memory_space<vmem>> -> memref<1x1x128xi32, #tpu.memory_space<vmem>>
      %dma_wait3A_200 = tpu.memref_squeeze %dma_wait3A_199 : memref<1x1x128xi32, #tpu.memory_space<vmem>> -> memref<128xi32, #tpu.memory_space<vmem>>
      %dma_wait3A_201 = arith.constant 0 : i32
      %dma_wait3A_202 = arith.constant 0 : i32
      %dma_wait3A_203 = tpu.memref_slice %arg12[%dma_wait3A_201, %dma_wait3A_202] : memref<10112x32xf32, #tpu.memory_space<vmem_shared>> -> memref<10112x32xf32, #tpu.memory_space<vmem_shared>>
      tpu.wait_indirect_dma semaphore(%arg15 : memref<!tpu.dma_semaphore, #tpu.memory_space<semaphore_mem>>) src(%dma_wait3A_197 : memref<128x32xf32, #tpu.memory_space<vmem>>) dst(%dma_wait3A_203 : memref<10112x32xf32, #tpu.memory_space<vmem_shared>>)
      %dma_wait3A_204 = arith.constant 1 : i32
      %dma_wait3A_205 = arith.constant 1 : i32
      %dma_wait3A_206 = arith.constant 2 : i32
      %dma_wait3A_207 = arith.constant 256 : i32
      %dma_wait3A_208 = arith.constant 0 : i32
      %dma_wait3A_209 = tpu.memref_slice %arg10[%dma_wait3A_204, %dma_wait3A_207, %dma_wait3A_208] : memref<2x512x32xf32, #tpu.memory_space<vmem>> -> memref<1x128x32xf32, #tpu.memory_space<vmem>>
      %dma_wait3A_210 = tpu.memref_squeeze %dma_wait3A_209 : memref<1x128x32xf32, #tpu.memory_space<vmem>> -> memref<128x32xf32, #tpu.memory_space<vmem>>
      %dma_wait3A_211 = arith.constant 0 : i32
      %dma_wait3A_212 = tpu.memref_slice %arg7[%dma_wait3A_205, %dma_wait3A_206, %dma_wait3A_211] : memref<2x4x128xi32, #tpu.memory_space<vmem>> -> memref<1x1x128xi32, #tpu.memory_space<vmem>>
      %dma_wait3A_213 = tpu.memref_squeeze %dma_wait3A_212 : memref<1x1x128xi32, #tpu.memory_space<vmem>> -> memref<128xi32, #tpu.memory_space<vmem>>
      %dma_wait3A_214 = arith.constant 0 : i32
      %dma_wait3A_215 = arith.constant 0 : i32
      %dma_wait3A_216 = tpu.memref_slice %arg12[%dma_wait3A_214, %dma_wait3A_215] : memref<10112x32xf32, #tpu.memory_space<vmem_shared>> -> memref<10112x32xf32, #tpu.memory_space<vmem_shared>>
      tpu.wait_indirect_dma semaphore(%arg15 : memref<!tpu.dma_semaphore, #tpu.memory_space<semaphore_mem>>) src(%dma_wait3A_210 : memref<128x32xf32, #tpu.memory_space<vmem>>) dst(%dma_wait3A_216 : memref<10112x32xf32, #tpu.memory_space<vmem_shared>>)
      %dma_wait3A_217 = arith.constant 1 : i32
      %dma_wait3A_218 = arith.constant 1 : i32
      %dma_wait3A_219 = arith.constant 3 : i32
      %dma_wait3A_220 = arith.constant 384 : i32
      %dma_wait3A_221 = arith.constant 0 : i32
      %dma_wait3A_222 = tpu.memref_slice %arg10[%dma_wait3A_217, %dma_wait3A_220, %dma_wait3A_221] : memref<2x512x32xf32, #tpu.memory_space<vmem>> -> memref<1x128x32xf32, #tpu.memory_space<vmem>>
      %dma_wait3A_223 = tpu.memref_squeeze %dma_wait3A_222 : memref<1x128x32xf32, #tpu.memory_space<vmem>> -> memref<128x32xf32, #tpu.memory_space<vmem>>
      %dma_wait3A_224 = arith.constant 0 : i32
      %dma_wait3A_225 = tpu.memref_slice %arg7[%dma_wait3A_218, %dma_wait3A_219, %dma_wait3A_224] : memref<2x4x128xi32, #tpu.memory_space<vmem>> -> memref<1x1x128xi32, #tpu.memory_space<vmem>>
      %dma_wait3A_226 = tpu.memref_squeeze %dma_wait3A_225 : memref<1x1x128xi32, #tpu.memory_space<vmem>> -> memref<128xi32, #tpu.memory_space<vmem>>
      %dma_wait3A_227 = arith.constant 0 : i32
      %dma_wait3A_228 = arith.constant 0 : i32
      %dma_wait3A_229 = tpu.memref_slice %arg12[%dma_wait3A_227, %dma_wait3A_228] : memref<10112x32xf32, #tpu.memory_space<vmem_shared>> -> memref<10112x32xf32, #tpu.memory_space<vmem_shared>>
      tpu.wait_indirect_dma semaphore(%arg15 : memref<!tpu.dma_semaphore, #tpu.memory_space<semaphore_mem>>) src(%dma_wait3A_223 : memref<128x32xf32, #tpu.memory_space<vmem>>) dst(%dma_wait3A_229 : memref<10112x32xf32, #tpu.memory_space<vmem_shared>>)
    } else {
    }
    %barrier3A_173 = arith.constant 0 : index
    tpu.barrier barrier_id(%barrier3A_173)
    %mul3A_174 = arith.constant 632 : i32
    %mul3A_175 = arith.muli %arg1, %mul3A_174 : i32
    %mul3A_176 = arith.constant 632 : i32
    %mul3A_177 = arith.muli %arg1, %mul3A_176 : i32
    "tpu.region"() ({
      %run_scoped3A_178 = tpu.sem_alloc : memref<!tpu.dma_semaphore, #tpu.memory_space<semaphore_mem>>
      %dma_start3A_179 = arith.constant 0 : i32
      %dma_start3A_180 = tpu.memref_slice %arg5[%arg0, %mul3A_177, %dma_start3A_179] : memref<2x10112x32xf32, #tpu.memory_space<hbm>> -> memref<1x632x32xf32, #tpu.memory_space<hbm>>
      %dma_start3A_181 = tpu.memref_squeeze %dma_start3A_180 : memref<1x632x32xf32, #tpu.memory_space<hbm>> -> memref<632x32xf32, #tpu.memory_space<hbm>>
      %dma_start3A_182 = arith.constant 0 : i32
      %dma_start3A_183 = tpu.memref_slice %arg12[%mul3A_175, %dma_start3A_182] : memref<10112x32xf32, #tpu.memory_space<vmem_shared>> -> memref<632x32xf32, #tpu.memory_space<vmem_shared>>
      tpu.enqueue_dma source(%dma_start3A_183 : memref<632x32xf32, #tpu.memory_space<vmem_shared>>) target(%dma_start3A_181 : memref<632x32xf32, #tpu.memory_space<hbm>>) target_semaphore(%run_scoped3A_178 : memref<!tpu.dma_semaphore, #tpu.memory_space<semaphore_mem>>)
      %dma_wait3A_184 = arith.constant 0 : i32
      %dma_wait3A_185 = tpu.memref_slice %arg5[%arg0, %mul3A_177, %dma_wait3A_184] : memref<2x10112x32xf32, #tpu.memory_space<hbm>> -> memref<1x632x32xf32, #tpu.memory_space<hbm>>
      %dma_wait3A_186 = tpu.memref_squeeze %dma_wait3A_185 : memref<1x632x32xf32, #tpu.memory_space<hbm>> -> memref<632x32xf32, #tpu.memory_space<hbm>>
      %dma_wait3A_187 = arith.constant 0 : i32
      %dma_wait3A_188 = tpu.memref_slice %arg12[%mul3A_175, %dma_wait3A_187] : memref<10112x32xf32, #tpu.memory_space<vmem_shared>> -> memref<632x32xf32, #tpu.memory_space<vmem_shared>>
      tpu.wait_dma2 semaphore(%run_scoped3A_178 : memref<!tpu.dma_semaphore, #tpu.memory_space<semaphore_mem>>) src(%dma_wait3A_188 : memref<632x32xf32, #tpu.memory_space<vmem_shared>>) dst(%dma_wait3A_186 : memref<632x32xf32, #tpu.memory_space<hbm>>)
      tpu.yield
    }) : () -> ()
    return
  }
}

module attributes {stable_mosaic.version = 14 : i64} {
  func.func @_at_body(%arg0: i32, %arg1: memref<16x16xf32, #tpu.memory_space<vmem>>, %arg2: memref<16x32000xf32, #tpu.memory_space<vmem>>, %arg3: memref<16x32000xf32, #tpu.memory_space<vmem>>) attributes {dimension_semantics = [#tpu.dimension_semantics<arbitrary>], iteration_bounds = array<i64: 10>, scalar_prefetch = 0 : i64, scratch_operands = 0 : i64, tpu.core_type = #tpu.core_type<tc>, window_params = [{pipeline_mode = #tpu.pipeline_mode<synchronous>, transform_indices = @transform_0, window_bounds = array<i64: 16, 16>}, {transform_indices = @transform_1, window_bounds = array<i64: 16, 32000>}, {transform_indices = @transform_2, window_bounds = array<i64: 16, 32000>}]} {
    %get3A = arith.constant 0 : index
    %get3A_0 = arith.constant 0 : index
    %get3A_1 = vector.load %arg1[%get3A, %get3A_0] : memref<16x16xf32, #tpu.memory_space<vmem>>, vector<16x16xf32>
    %get3A_2 = arith.constant 0 : index
    %get3A_3 = arith.constant 0 : index
    %get3A_4 = vector.load %arg2[%get3A_2, %get3A_3] : memref<16x32000xf32, #tpu.memory_space<vmem>>, vector<16x32000xf32>
    %dot_general3A = arith.constant dense<0.000000e+00> : vector<16x32000xf32>
    %dot_general3A_5 = tpu.matmul %get3A_1, %get3A_4, %dot_general3A {dimension_numbers = #tpu.dot_dimension_numbers<[1], [0], [0], [1], [0, 0, 1, 1], [], []>, transpose_lhs_hint = false} : vector<16x16xf32>, vector<16x32000xf32>, vector<16x32000xf32> -> vector<16x32000xf32>
    %swap3A = arith.constant 0 : index
    %swap3A_6 = arith.constant 0 : index
    %swap3A_7 = vector.load %arg3[%swap3A, %swap3A_6] : memref<16x32000xf32, #tpu.memory_space<vmem>>, vector<16x32000xf32>
    tpu.vector_store %arg3[%swap3A, %swap3A_6], %dot_general3A_5 {strides = array<i32>} : memref<16x32000xf32, #tpu.memory_space<vmem>>, vector<16x32000xf32>,
    return
  }
  func.func @transform_0(%arg0: i32) -> (i32, i32) {
    %c0_i32 = arith.constant 0 : i32
    %c0_i32_0 = arith.constant 0 : i32
    %c0_i32_1 = arith.constant 0 : i32
    return %c0_i32, %c0_i32_0 : i32, i32
  }
  func.func @transform_1(%arg0: i32) -> (i32, i32) {
    %c0_i32 = arith.constant 0 : i32
    %c0_i32_0 = arith.constant 0 : i32
    return %c0_i32, %arg0 : i32, i32
  }
  func.func @transform_2(%arg0: i32) -> (i32, i32) {
    %c0_i32 = arith.constant 0 : i32
    %c0_i32_0 = arith.constant 0 : i32
    return %c0_i32, %arg0 : i32, i32
  }
}

module attributes {stable_mosaic.version = 14 : i64} {
  func.func @_g_body(%arg0: memref<10000x128xf32, #tpu.memory_space<vmem>>, %arg1: memref<128x16xf32, #tpu.memory_space<vmem>>, %arg2: memref<1x16xf32, #tpu.memory_space<vmem>>, %arg3: memref<10240x16xf32, #tpu.memory_space<vmem>>) attributes {dimension_semantics = [], scalar_prefetch = 0 : i64, scratch_operands = 0 : i64, tpu.core_type = #tpu.core_type<tc>} {
    %get3A = arith.constant 0 : index
    %get3A_0 = arith.constant 0 : index
    %get3A_1 = vector.load %arg0[%get3A, %get3A_0] : memref<10000x128xf32, #tpu.memory_space<vmem>>, vector<10000x128xf32>
    %get3A_2 = arith.constant 0 : index
    %get3A_3 = arith.constant 0 : index
    %get3A_4 = vector.load %arg1[%get3A_2, %get3A_3] : memref<128x16xf32, #tpu.memory_space<vmem>>, vector<128x16xf32>
    %dot_general3A = arith.constant dense<0.000000e+00> : vector<10000x16xf32>
    %dot_general3A_5 = tpu.matmul %get3A_1, %get3A_4, %dot_general3A {dimension_numbers = #tpu.dot_dimension_numbers<[1], [0], [0], [1], [0, 0, 1, 1], [], []>, transpose_lhs_hint = false} : vector<10000x128xf32>, vector<128x16xf32>, vector<10000x16xf32> -> vector<10000x16xf32>
    %get3A_6 = arith.constant 0 : index
    %get3A_7 = arith.constant 0 : index
    %get3A_8 = vector.load %arg2[%get3A_6, %get3A_7] : memref<1x16xf32, #tpu.memory_space<vmem>>, vector<1x16xf32>
    %add3A = vector.broadcast %get3A_8 : vector<1x16xf32> to vector<10000x16xf32>
    %add3A_9 = arith.addf %dot_general3A_5, %add3A : vector<10000x16xf32>
    %broadcast_in_dim3A = arith.constant 0.000000e+00 : f32
    %broadcast_in_dim3A_10 = vector.broadcast %broadcast_in_dim3A : f32 to vector<240x16xf32>
    %concatenate3A = tpu.concatenate %add3A_9, %broadcast_in_dim3A_10 in 0 : vector<10000x16xf32>, vector<240x16xf32> -> vector<10240x16xf32>
    %swap3A = arith.constant 0 : index
    %swap3A_11 = arith.constant 0 : index
    %swap3A_12 = vector.load %arg3[%swap3A, %swap3A_11] : memref<10240x16xf32, #tpu.memory_space<vmem>>, vector<10240x16xf32>
    tpu.vector_store %arg3[%swap3A, %swap3A_11], %concatenate3A {strides = array<i32>} : memref<10240x16xf32, #tpu.memory_space<vmem>>, vector<10240x16xf32>,
    return
  }
}

module attributes {stable_mosaic.version = 14 : i64} {
  func.func @_node_body(%arg0: i32, %arg1: memref<2000x128xf32, #tpu.memory_space<vmem>>, %arg2: memref<2x2000x32xf32, #tpu.memory_space<vmem>>, %arg3: memref<16x16xf32, #tpu.memory_space<vmem>>, %arg4: memref<1x16xf32, #tpu.memory_space<vmem>>, %arg5: memref<128x16xf32, #tpu.memory_space<vmem>>, %arg6: memref<16x16xf32, #tpu.memory_space<vmem>>, %arg7: memref<1x16xf32, #tpu.memory_space<vmem>>, %arg8: memref<16x128xf32, #tpu.memory_space<vmem>>, %arg9: memref<1x128xf32, #tpu.memory_space<vmem>>, %arg10: memref<2000x128xf32, #tpu.memory_space<vmem>>) attributes {dimension_semantics = [#tpu.dimension_semantics<arbitrary>], iteration_bounds = array<i64: 5>, scalar_prefetch = 0 : i64, scratch_operands = 0 : i64, tpu.core_type = #tpu.core_type<tc>, window_params = [{transform_indices = @transform_0, window_bounds = array<i64: 2000, 128>}, {transform_indices = @transform_1, window_bounds = array<i64: 2, 2000, 32>}, {pipeline_mode = #tpu.pipeline_mode<synchronous>, transform_indices = @transform_2, window_bounds = array<i64: 16, 16>}, {pipeline_mode = #tpu.pipeline_mode<synchronous>, transform_indices = @transform_3, window_bounds = array<i64: 1, 16>}, {pipeline_mode = #tpu.pipeline_mode<synchronous>, transform_indices = @transform_4, window_bounds = array<i64: 128, 16>}, {pipeline_mode = #tpu.pipeline_mode<synchronous>, transform_indices = @transform_5, window_bounds = array<i64: 16, 16>}, {pipeline_mode = #tpu.pipeline_mode<synchronous>, transform_indices = @transform_6, window_bounds = array<i64: 1, 16>}, {pipeline_mode = #tpu.pipeline_mode<synchronous>, transform_indices = @transform_7, window_bounds = array<i64: 16, 128>}, {pipeline_mode = #tpu.pipeline_mode<synchronous>, transform_indices = @transform_8, window_bounds = array<i64: 1, 128>}, {transform_indices = @transform_9, window_bounds = array<i64: 2000, 128>}]} {
    %get3A = arith.constant 0 : index
    %get3A_0 = arith.constant 0 : index
    %get3A_1 = arith.constant 0 : index
    %get3A_2 = vector.load %arg2[%get3A, %get3A_0, %get3A_1] : memref<2x2000x32xf32, #tpu.memory_space<vmem>>, vector<2x2000x32xf32>
    %slice3A = vector.extract_strided_slice %get3A_2 {offsets = [0, 0, 0], sizes = [1, 2000, 32], strides = [1, 1, 1]} : vector<2x2000x32xf32> to vector<1x2000x32xf32>
    %squeeze3A = vector.shape_cast %slice3A : vector<1x2000x32xf32> to vector<2000x32xf32>
    %slice3A_3 = vector.extract_strided_slice %get3A_2 {offsets = [1, 0, 0], sizes = [1, 2000, 32], strides = [1, 1, 1]} : vector<2x2000x32xf32> to vector<1x2000x32xf32>
    %squeeze3A_4 = vector.shape_cast %slice3A_3 : vector<1x2000x32xf32> to vector<2000x32xf32>
    %add3A = arith.addf %squeeze3A, %squeeze3A_4 : vector<2000x32xf32>
    %slice3A_5 = vector.extract_strided_slice %add3A {offsets = [0, 0], sizes = [2000, 16], strides = [1, 1]} : vector<2000x32xf32> to vector<2000x16xf32>
    %slice3A_6 = vector.extract_strided_slice %add3A {offsets = [0, 16], sizes = [2000, 1], strides = [1, 1]} : vector<2000x32xf32> to vector<2000x1xf32>
    %max3A = arith.constant 1.000000e+00 : f32
    %max3A_7 = vector.broadcast %max3A : f32 to vector<2000x1xf32>
    %max3A_8 = arith.maximumf %slice3A_6, %max3A_7 : vector<2000x1xf32>
    %div3A = vector.broadcast %max3A_8 : vector<2000x1xf32> to vector<2000x16xf32>
    %div3A_9 = arith.divf %slice3A_5, %div3A : vector<2000x16xf32>
    %get3A_10 = arith.constant 0 : index
    %get3A_11 = arith.constant 0 : index
    %get3A_12 = vector.load %arg3[%get3A_10, %get3A_11] : memref<16x16xf32, #tpu.memory_space<vmem>>, vector<16x16xf32>
    %dot_general3A = arith.constant dense<0.000000e+00> : vector<2000x16xf32>
    %dot_general3A_13 = tpu.matmul %div3A_9, %get3A_12, %dot_general3A {dimension_numbers = #tpu.dot_dimension_numbers<[1], [0], [0], [1], [0, 0, 1, 1], [], []>, transpose_lhs_hint = false} : vector<2000x16xf32>, vector<16x16xf32>, vector<2000x16xf32> -> vector<2000x16xf32>
    %get3A_14 = arith.constant 0 : index
    %get3A_15 = arith.constant 0 : index
    %get3A_16 = vector.load %arg4[%get3A_14, %get3A_15] : memref<1x16xf32, #tpu.memory_space<vmem>>, vector<1x16xf32>
    %add3A_17 = vector.broadcast %get3A_16 : vector<1x16xf32> to vector<2000x16xf32>
    %add3A_18 = arith.addf %dot_general3A_13, %add3A_17 : vector<2000x16xf32>
    %gt3A = arith.constant 0.000000e+00 : f32
    %gt3A_19 = vector.broadcast %gt3A : f32 to vector<2000x1xf32>
    %gt3A_20 = arith.cmpf ogt, %slice3A_6, %gt3A_19 : vector<2000x1xf32>
    %jit3A = arith.constant 0.000000e+00 : f32
    %broadcast_in_dim3A = vector.shape_cast %gt3A_20 : vector<2000x1xi1> to vector<2000x1xi1>
    %broadcast_in_dim3A_21 = vector.broadcast %broadcast_in_dim3A : vector<2000x1xi1> to vector<2000x16xi1>
    %broadcast_in_dim3A_22 = vector.broadcast %jit3A : f32 to vector<2000x16xf32>
    %select_n3A = arith.select %broadcast_in_dim3A_21, %add3A_18, %broadcast_in_dim3A_22 : vector<2000x16xi1>, vector<2000x16xf32>
    %get3A_23 = arith.constant 0 : index
    %get3A_24 = arith.constant 0 : index
    %get3A_25 = vector.load %arg1[%get3A_23, %get3A_24] : memref<2000x128xf32, #tpu.memory_space<vmem>>, vector<2000x128xf32>
    %get3A_26 = arith.constant 0 : index
    %get3A_27 = arith.constant 0 : index
    %get3A_28 = vector.load %arg5[%get3A_26, %get3A_27] : memref<128x16xf32, #tpu.memory_space<vmem>>, vector<128x16xf32>
    %dot_general3A_29 = arith.constant dense<0.000000e+00> : vector<2000x16xf32>
    %dot_general3A_30 = tpu.matmul %get3A_25, %get3A_28, %dot_general3A_29 {dimension_numbers = #tpu.dot_dimension_numbers<[1], [0], [0], [1], [0, 0, 1, 1], [], []>, transpose_lhs_hint = false} : vector<2000x128xf32>, vector<128x16xf32>, vector<2000x16xf32> -> vector<2000x16xf32>
    %get3A_31 = arith.constant 0 : index
    %get3A_32 = arith.constant 0 : index
    %get3A_33 = vector.load %arg6[%get3A_31, %get3A_32] : memref<16x16xf32, #tpu.memory_space<vmem>>, vector<16x16xf32>
    %dot_general3A_34 = arith.constant dense<0.000000e+00> : vector<2000x16xf32>
    %dot_general3A_35 = tpu.matmul %select_n3A, %get3A_33, %dot_general3A_34 {dimension_numbers = #tpu.dot_dimension_numbers<[1], [0], [0], [1], [0, 0, 1, 1], [], []>, transpose_lhs_hint = false} : vector<2000x16xf32>, vector<16x16xf32>, vector<2000x16xf32> -> vector<2000x16xf32>
    %add3A_36 = arith.addf %dot_general3A_30, %dot_general3A_35 : vector<2000x16xf32>
    %get3A_37 = arith.constant 0 : index
    %get3A_38 = arith.constant 0 : index
    %get3A_39 = vector.load %arg7[%get3A_37, %get3A_38] : memref<1x16xf32, #tpu.memory_space<vmem>>, vector<1x16xf32>
    %add3A_40 = vector.broadcast %get3A_39 : vector<1x16xf32> to vector<2000x16xf32>
    %add3A_41 = arith.addf %add3A_36, %add3A_40 : vector<2000x16xf32>
    %max3A_42 = arith.constant 0.000000e+00 : f32
    %max3A_43 = vector.broadcast %max3A_42 : f32 to vector<2000x16xf32>
    %max3A_44 = arith.maximumf %add3A_41, %max3A_43 : vector<2000x16xf32>
    %get3A_45 = arith.constant 0 : index
    %get3A_46 = arith.constant 0 : index
    %get3A_47 = vector.load %arg8[%get3A_45, %get3A_46] : memref<16x128xf32, #tpu.memory_space<vmem>>, vector<16x128xf32>
    %dot_general3A_48 = arith.constant dense<0.000000e+00> : vector<2000x128xf32>
    %dot_general3A_49 = tpu.matmul %max3A_44, %get3A_47, %dot_general3A_48 {dimension_numbers = #tpu.dot_dimension_numbers<[1], [0], [0], [1], [0, 0, 1, 1], [], []>, transpose_lhs_hint = false} : vector<2000x16xf32>, vector<16x128xf32>, vector<2000x128xf32> -> vector<2000x128xf32>
    %get3A_50 = arith.constant 0 : index
    %get3A_51 = arith.constant 0 : index
    %get3A_52 = vector.load %arg9[%get3A_50, %get3A_51] : memref<1x128xf32, #tpu.memory_space<vmem>>, vector<1x128xf32>
    %add3A_53 = vector.broadcast %get3A_52 : vector<1x128xf32> to vector<2000x128xf32>
    %add3A_54 = arith.addf %dot_general3A_49, %add3A_53 : vector<2000x128xf32>
    %swap3A = arith.constant 0 : index
    %swap3A_55 = arith.constant 0 : index
    %swap3A_56 = vector.load %arg10[%swap3A, %swap3A_55] : memref<2000x128xf32, #tpu.memory_space<vmem>>, vector<2000x128xf32>
    tpu.vector_store %arg10[%swap3A, %swap3A_55], %add3A_54 {strides = array<i32>} : memref<2000x128xf32, #tpu.memory_space<vmem>>, vector<2000x128xf32>,
    return
  }
  func.func @transform_0(%arg0: i32) -> (i32, i32) {
    %c0_i32 = arith.constant 0 : i32
    %c0_i32_0 = arith.constant 0 : i32
    return %arg0, %c0_i32 : i32, i32
  }
  func.func @transform_1(%arg0: i32) -> (i32, i32, i32) {
    %c0_i32 = arith.constant 0 : i32
    %c0_i32_0 = arith.constant 0 : i32
    %c0_i32_1 = arith.constant 0 : i32
    return %c0_i32, %arg0, %c0_i32_0 : i32, i32, i32
  }
  func.func @transform_2(%arg0: i32) -> (i32, i32) {
    %c0_i32 = arith.constant 0 : i32
    %c0_i32_0 = arith.constant 0 : i32
    %c0_i32_1 = arith.constant 0 : i32
    return %c0_i32, %c0_i32_0 : i32, i32
  }
  func.func @transform_3(%arg0: i32) -> (i32, i32) {
    %c0_i32 = arith.constant 0 : i32
    %c0_i32_0 = arith.constant 0 : i32
    %c0_i32_1 = arith.constant 0 : i32
    return %c0_i32, %c0_i32_0 : i32, i32
  }
  func.func @transform_4(%arg0: i32) -> (i32, i32) {
    %c0_i32 = arith.constant 0 : i32
    %c0_i32_0 = arith.constant 0 : i32
    %c0_i32_1 = arith.constant 0 : i32
    return %c0_i32, %c0_i32_0 : i32, i32
  }
  func.func @transform_5(%arg0: i32) -> (i32, i32) {
    %c0_i32 = arith.constant 0 : i32
    %c0_i32_0 = arith.constant 0 : i32
    %c0_i32_1 = arith.constant 0 : i32
    return %c0_i32, %c0_i32_0 : i32, i32
  }
  func.func @transform_6(%arg0: i32) -> (i32, i32) {
    %c0_i32 = arith.constant 0 : i32
    %c0_i32_0 = arith.constant 0 : i32
    %c0_i32_1 = arith.constant 0 : i32
    return %c0_i32, %c0_i32_0 : i32, i32
  }
  func.func @transform_7(%arg0: i32) -> (i32, i32) {
    %c0_i32 = arith.constant 0 : i32
    %c0_i32_0 = arith.constant 0 : i32
    %c0_i32_1 = arith.constant 0 : i32
    return %c0_i32, %c0_i32_0 : i32, i32
  }
  func.func @transform_8(%arg0: i32) -> (i32, i32) {
    %c0_i32 = arith.constant 0 : i32
    %c0_i32_0 = arith.constant 0 : i32
    %c0_i32_1 = arith.constant 0 : i32
    return %c0_i32, %c0_i32_0 : i32, i32
  }
  func.func @transform_9(%arg0: i32) -> (i32, i32) {
    %c0_i32 = arith.constant 0 : i32
    %c0_i32_0 = arith.constant 0 : i32
    return %arg0, %c0_i32 : i32, i32
  }
}

</mosaic_0001>

<sc_bundles>
// kernel: kernel.6.cloned.1.call-start
scs
__scs_entry_jumppad:
0x0: {  	(pc) =	sbr.rel $0x88, $3  }
0x1: {  	(tag) =	ssettag $0x0;
	lr =	simm.s32 $0x1  }
0x2: {  	[smem:$0x3F96] =	sst lr;
	_ =	strace $0xD0000000  }
0x3: {  	_ = 	snop  }
0x4: {  	_ = 	snop  }
0x5: {  	_ = 	snop  }
0x6: {  	_ = 	snop  }
0x7: {  	_ = 	snop  }
__scs_overlays_trampoline_lowered:
0x8: {  	[smem:$0x3FA5] =	sst s0  }
0x9: {  	[smem:$0x3FA6] =	sst s1  }
0xa: {  	[smem:$0x3FA7] =	sst s2  }
0xb: {  	[smem:$0x3FA8] =	sst s3  }
0xc: {  	[smem:$0x3FA9] =	sst s4  }
0xd: {  	[smem:$0x3FAA] =	sst s5  }
0xe: {  	[smem:$0x3FAB] =	sst s6  }
0xf: {  	[smem:$0x3FAC] =	sst s7  }
0x10: {  	[smem:$0x3FAD] =	sst s8  }
0x11: {  	[smem:$0x3FAE] =	sst s9;
	s0 =	simm.s32 @!p0 $0x0  }
0x12: {  	s1 =	sld [smem:$0x3F94];
	s0 =	simm.s32 @p0 $0x1  }
0x13: {  	[smem:$0x3FAF] =	sst s0;
	s0 =	simm.s32 @!p1 $0x0  }
0x14: {  	s2 =	sld [smem:$0x3F93];
	s0 =	simm.s32 @p1 $0x1  }
0x15: {  	[smem:$0x3FB0] =	sst s0;
	s0 =	simm.s32 @!p2 $0x0  }
0x16: {  	s3 =	sld [smem:$0x3FDB];
	s0 =	simm.s32 @p2 $0x1  }
0x17: {  	s4 =	simm.s32 $0x1BF5;
	[smem:$0x3FB2] =	sst s0  }
0x18: {  	s0 =	sld [smem:$0x3F95];
	_ =	swait.ge [sflag:s4], $0x0  }
0x19: {  	s7 =	sld [smem:$0x3F96]  }
0x1a: {  	s8 =	sadd.s32 $0xFFFFE003, lr  }
0x1b: {  	s9 =	sadd.s32 $0xFFFFFEF7, lr;
	s5 =	simm.s32 $0xFFFFFFFF;
	p2 =	slt.u32 s8, $0xFFFFF086  }
0x1c: {  	p1 =	slt.u32 s9, $0xF7A;
	s5 =	simm.s32 @!p2 $0x0  }
0x1d: {  	s5 =	simm.s32 @p1 $0x1;
	p0 =	seq.s32 s7, s2  }
0x1e: {  	s7 =	smul.u32 @!p0 $0xF7A, s2;
	p2 =	seq.s32 @!p0 s5, $0x0  }
0x1f: {  	s9 =	smul.u32 $0xF7A, s1;
	s8 =	simm.s32 @!p0 $0x1BF5;
	p2 =	por !p2, p0  }
0x20: {  	[sflag:s8] =	ssyncset.s32 @!p0 $0xFFFFF086;
	s6 =	sadd.s32 @!p0 s3, s7;
	s7 =	simm.s32 @!p0 $0x108  }
0x21: {  	s3 =	sadd.s32 s3, s9;
	s6 =	sadd.s32 @!p0 $0x88, s6;
	s7 =	simm.s32 @p2 $0x1082  }
0x22: {  	[simem:s7], [sflag:s8] =	dma.local @!p0 [hbm:s6], $0xF7A  }
0x23: {  	s9 =	sor.u32 $0xD0000000, s2;
	s6 =	simm.s32 $0x108;
	_ =	swait.ge @!p0 [sflag:s8], $0x0  }
0x24: {  	s3 =	sadd.s32 $0x88, s3;
	s6 =	simm.s32 @!p1 $0x1082;
	[sflag:s4] =	ssyncset.s32 $0xFFFFF086  }
0x25: {  	[simem:s6], [sflag:s4] =	dma.local [hbm:s3], $0xF7A  }
0x26: {  	[smem:$0x3F96] =	sst s1;
	(tag) =	ssettag s2;
	_ =	strace s9  }
0x27: {  	s1 =	sld [smem:$0x3FA6]  }
0x28: {  	s2 =	sld [smem:$0x3FA7]  }
0x29: {  	s4 =	sld [smem:$0x3FA9]  }
0x2a: {  	p0 =	seq.s32 s5, $0x0;
	s5 =	sld [smem:$0x3FAA]  }
0x2b: {  	s6 =	sld [smem:$0x3FAB]  }
0x2c: {  	s7 =	sld [smem:$0x3FAC]  }
0x2d: {  	s3 =	simm.s32 $0x108;
	s8 =	sld [smem:$0x3FAD]  }
0x2e: {  	s3 =	simm.s32 @!p0 $0x1082;
	s9 =	sld [smem:$0x3FAE]  }
0x2f: {  	lr =	sadd.s32 s0, s3;
	s0 =	sld [smem:$0x3FA5]  }
0x30: {  	s3 =	sld [smem:$0x3FA8]  }
0x31: {  	[smem:$0x3FB1] =	sst s10  }
0x32: {  	s10 =	sld [smem:$0x3FAF];
	_ =	sdelay $0x3  }
0x33: {  	p0 =	seq.s32 s10, $0x1;
	s10 =	sld [smem:$0x3FB1];
	_ =	sdelay $0x3  }
0x34: {  	[smem:$0x3FB1] =	sst s10  }
0x35: {  	s10 =	sld [smem:$0x3FB0];
	_ =	sdelay $0x3  }
0x36: {  	p1 =	seq.s32 s10, $0x1;
	s10 =	sld [smem:$0x3FB1];
	_ =	sdelay $0x3  }
0x37: {  	[smem:$0x3FB1] =	sst s10  }
0x38: {  	s10 =	sld [smem:$0x3FB2]  }
0x39: {  	_ = 	snop;
	(pc) =	sbr.ind lr, $3  }
0x3a: {  	_ = 	snop  }
0x3b: {  	_ = 	snop  }
0x3c: {  	p2 =	seq.s32 s10, $0x1;
	s10 =	sld [smem:$0x3FB1]  }
0x3d: {  	_ =	shalt  }
0x3e: {  	_ =	shalt  }
0x3f: {  	_ =	shalt  }
0x40: {  	_ =	shalt  }
0x41: {  	_ =	shalt  }
0x42: {  	_ =	shalt  }
0x43: {  	_ =	shalt  }
0x44: {  	_ =	shalt  }
0x45: {  	_ =	shalt  }
0x46: {  	_ =	shalt  }
0x47: {  	_ =	shalt  }
0x48: {  	_ =	shalt  }
0x49: {  	_ =	shalt  }
0x4a: {  	_ =	shalt  }
0x4b: {  	_ =	shalt  }
0x4c: {  	_ =	shalt  }
0x4d: {  	_ =	shalt  }
0x4e: {  	_ =	shalt  }
0x4f: {  	_ =	shalt  }
0x50: {  	_ =	shalt  }
0x51: {  	_ =	shalt  }
0x52: {  	_ =	shalt  }
0x53: {  	_ =	shalt  }
0x54: {  	_ =	shalt  }
0x55: {  	_ =	shalt  }
0x56: {  	_ =	shalt  }
0x57: {  	_ =	shalt  }
0x58: {  	_ =	shalt  }
0x59: {  	_ =	shalt  }
0x5a: {  	_ =	shalt  }
0x5b: {  	_ =	shalt  }
0x5c: {  	_ =	shalt  }
0x5d: {  	_ =	shalt  }
0x5e: {  	_ =	shalt  }
0x5f: {  	_ =	shalt  }
0x60: {  	_ =	shalt  }
0x61: {  	_ =	shalt  }
0x62: {  	_ =	shalt  }
0x63: {  	_ =	shalt  }
0x64: {  	_ =	shalt  }
0x65: {  	_ =	shalt  }
0x66: {  	_ =	shalt  }
0x67: {  	_ =	shalt  }
0x68: {  	_ =	shalt  }
0x69: {  	_ =	shalt  }
0x6a: {  	_ =	shalt  }
0x6b: {  	_ =	shalt  }
0x6c: {  	_ =	shalt  }
0x6d: {  	_ =	shalt  }
0x6e: {  	_ =	shalt  }
0x6f: {  	_ =	shalt  }
0x70: {  	_ =	shalt  }
0x71: {  	_ =	shalt  }
0x72: {  	_ =	shalt  }
0x73: {  	_ =	shalt  }
0x74: {  	_ =	shalt  }
0x75: {  	_ =	shalt  }
0x76: {  	_ =	shalt  }
0x77: {  	_ =	shalt  }
0x78: {  	_ =	shalt  }
0x79: {  	_ =	shalt  }
0x7a: {  	_ =	shalt  }
0x7b: {  	_ =	shalt  }
0x7c: {  	_ =	shalt  }
0x7d: {  	_ =	shalt  }
0x7e: {  	_ =	shalt  }
0x7f: {  	_ =	shalt  }
0x80: {  	_ =	shalt  }
0x81: {  	_ =	shalt  }
0x82: {  	_ =	shalt  }
0x83: {  	_ =	shalt  }
0x84: {  	_ =	shalt  }
0x85: {  	_ =	shalt  }
0x86: {  	_ =	shalt  }
0x87: {  	_ =	shalt  }
.Lfunc_end0:
.L_simem_size_0:
called_computation_lowered:
.L_overlay_start_0:
0x88: {  	s2 =	sld [smem:$0x3FD9]  }
0x89: {  	s3 =	sld [smem:$0x3FFE];
	_ =	sdelay $0x1  }
0x8a: {  	s1 =	srdreg.scid  }
0x8b: {  	s0 =	sand.u32 $0x1, s1  }
0x8c: {  	s17 =	sshll.u32 s0, $0xA;
	s2 =	sadd.s32 s3, s2  }
0x8d: {  	s2 =	sadd.s32 s2, s17  }
0x8e: {  	[smem:$0x3FBD] =	sst s2  }
0x8f: {  	_ = 	snop  }
0x90: {  	s2 =	sld [smem:$0x3FD0];
	(tm) =	ssettm $0x1  }
0x91: {  	s18 =	sld [smem:$0x3FFB];
	_ =	sdelay $0x3  }
0x92: {  	_ =	strace s18  }
0x93: {  	s3 =	sld [smem:$0x3FFC];
	_ =	sdelay $0x3  }
0x94: {  	_ =	strace s3  }
0x95: {  	s3 =	sld [smem:$0x3FFD];
	_ =	sdelay $0x3  }
0x96: {  	_ =	strace s3  }
0x97: {  	_ =	strace $0x8FFFFFFF  }
0x98: {  	s19 =	sld [smem:$0x3FDB];
	_ =	sdelay $0x1  }
0x99: {  	s4 =	simm.s32 $_scs_section_size  }
0x9a: {  	s5 =	simm.s32 $_size__tile_overlayer_lowered;
	s6 =	simm.s32 $_tile_overlayer_lowered  }
0x9b: {  	s22 =	simm.s32 $0x1BFF;
	s21 =	sshll.u32 s6, $0x1;
	s3 =	sadd.s32 s4, s19  }
0x9c: {  	s7 =	simm.s32 $0x0;
	s20 =	sshll.u32 s5, $0x1;
	s5 =	sadd.s32 s21, s3  }
0x9d: {  	[timem:s7], [sflag:s22] =	dma.local [hbm:s5], s20  }
0x9e: {  	_ =	swait.ge [sflag:s22], s20  }
0x9f: {  	s4 =	ssub.s32 $0x0, s20;
	[sflag:s22] =	ssyncset.done $0x0  }
0xa0: {  	[sflag:s22] =	ssyncadd.s32 s4;
	_ =	sdelay $0x1  }
0xa1: {  	s23 =	simm.s32 $0x1B8B  }
0xa2: {  	_ =	swait.ge [sflag:s23], $0x1  }
0xa3: {  	[sflag:s23] =	ssyncset.done $0x0  }
0xa4: {  	s25 =	simm.s32 $0x1B8E;
	s24 =	sld [smem:$0x3FFE];
	[sflag:s23] =	ssyncadd.s32 $0xFFFFFFFF  }
0xa5: {  	s26 =	simm.s32 $execute0_lowered;
	[smem:$0x3FD2] =	sst s25  }
0xa6: {  	s5 =	sshll.u32 s26, $0x1;
	_ =	strace $0x80000046;
	[dreg:$0x1] =	wrdreg $0xFFFFFFFF  }
0xa7: {  	s28 =	simm.s32 $_size_execute0_lowered;
	s3 =	sadd.s32 s3, s5;
	[dreg:$0x0] =	wrdreg $0x0  }
0xa8: {  	s5 =	sshll.u32 s28, $0x1;
	[dreg:$0x2] =	wrdreg s3  }
0xa9: {  	[dreg:$0x3] =	wrdreg s5  }
0xaa: {  	[dreg:$0x4] =	wrdreg $0xC0  }
0xab: {  	_ =	task [dreg:s7], $0x5FFFF  }
0xac: {  	[dreg:$0x1] =	wrdreg $0xFFFFFFFF  }
0xad: {  	[dreg:$0x0] =	wrdreg $0x60  }
0xae: {  	[dreg:$0x2] =	wrdreg s24  }
0xaf: {  	[dreg:$0x3] =	wrdreg s2  }
0xb0: {  	[dreg:$0x4] =	wrdreg $0x130000  }
0xb1: {  	[dreg:$0x5] =	wrdreg $0x108000  }
0xb2: {  	[dreg:$0x6] =	wrdreg $0x9  }
0xb3: {  	_ =	task.clear_ibuf [dreg:s7], $0x7FFFF;
	_ =	strace $0x90000046  }
0xb4: {  	s29 =	simm.s32 $0x9;
	_ =	strace $0x80000048  }
0xb5: {  	_ =	swait.ge [sflag:s29], $0x1  }
0xb6: {  	[sflag:s29] =	ssyncadd.s32 $0xFFFFFFFF  }
0xb7: {  	_ =	strace $0x90000048  }
0xb8: {  	_ =	sfence  }
0xb9: {  	s30 =	sld [smem:$0x0];
	_ =	sdelay $0x2  }
0xba: {  	s31 =	sshll.u32 s1, $0xD;
	s1 =	sshrl.u32 s1, $0x2  }
0xbb: {  	s3 =	sand.u32 $0x4000, s31;
	s1 =	sadd.s32 s1, s30  }
0xbc: {  	s0 =	sor.u32 s3, s0;
	s1 =	sshll.u32 s1, $0x11  }
0xbd: {  	s0 =	sor.u32 s1, s0  }
0xbe: {  	s0 =	sadd.s32 $0x8F2B, s0  }
0xbf: {  	[sflag:s0] =	ssyncadd.remote.s32 $0x1  }
0xc0: {  	_ =	sfence.sel $0xFFFF  }
0xc1: {  	[dreg:$0x0] =	wrdreg $0xFFFFFFFF;
	(pc) =	sbr.abs _section_cstart, $3  }
0xc2: {  	[dreg:$0x1] =	wrdreg $0xFFFFFFFF  }
0xc3: {  	_ =	task.clear_ibuf [dreg:s7], $0x2FFFF;
	_ =	strace $0x9FFFFFFF  }
0xc4: {  	(tm) =	ssettm $0x7FFFFFFF  }
0xc5: {  	_ =	shalt  }
tec
execute0_lowered:
.L_overlay_start_1:
0x0: {  	(tag) =	ssettag $0x1  }
0x1: {  	s0 =	rddreg [dreg:$0x0]  }
0x2: {  	s1 =	rddreg [dreg:$0x1]  }
0x3: {  	s2 =	rddreg [dreg:$0x2]  }
0x4: {  	s3 =	rddreg [dreg:$0x3]  }
0x5: {  	s6 =	simm.s32 $0x0;
	s8 =	stileid.u32;
	s4 =	srdreg.scid  }
0x6: {  	s21 =	simm.s32 $0x800;
	s22 =	simm.s32 $0x8800;
	s23 =	simm.s32 $0x4  }
0x7: {  	s25 =	simm.s32 $0x1;
	s19 =	simm.s32 $0x2;
	s20 =	simm.s32 $0x2800  }
0x8: {  	s28 =	simm.s32 $0x0;
	s9 =	smul.u32 $0x2800, s8;
	s4 =	sand.u32 $0x1, s4  }
0x9: {  	s5 =	sshll.u32 s8, $0x1;
	[smem:$0x7FF] =	sst s6;
	s12 =	smul.u32 $0x4F00, s8  }
0xa: {  	s18 =	sor.u32 s4, s5;
	s10 =	ssub.s32 $0x2, s4;
	s4 =	smul.u32 $0x4F000, s4  }
0xb: {  	s6 =	sadd.s32 $0xA3A00, s0;
	s8 =	sadd.s32 $0x2600, s0;
	s5 =	smul.u32 $0x2800, s18  }
0xc: {  	_ =	strace $0x80000047;
	s26 =	sshrl.u32 s9, $0x3;
	s7 =	smul.u32 $0x500, s18  }
0xd: {  	s14 =	sshrl.u32 s10, $0x1;
	s9 =	sadd.s32 s9, s3;
	p0 =	seq.s32 s18, $0x1F  }
0xe: {  	s13 =	sadd.s32 s26, s0;
	s16 =	ssub.s32 s10, s14;
	s4 =	sadd.s32 s12, s4  }
0xf: {  	v0 =	vlaneseq.u32;
	s12 =	sadd.s32 s12, s2;
	s14 =	sadd.s32 $0xAD640, s0;
	s24 =	sshrl.u32 s9, $0x3  }
.Ltmp0:
0x10: {  	v0 =	vmul.u32 $0x200, v0;
	s26 =	simm.s32 $0x80;
	s11 =	sshrl.u32 s5, $0x3;
	(pc) =	sbr.rel .LBB2_1-.Ltmp0, $4  }
0x11: {  	v1 =	vimm.f32 $0.0e+00;
	v3 =	vimm.s32 $0x0;
	vm0 =	vcmask $0x300;
	s30 =	sadd.s32 s6, s7;
	s4 =	sshrl.u32 s4, $0x3;
	s13 =	sadd.s32 $0x9EA00, s13  }
0x12: {  	v2 =	vimm.f32 $1.000000000e+00;
	v3 =	vsel vm0, $0x3, v3;
	v4 =	vor.u32 $0x1, v0;
	s15 =	sadd.s32 s6, s11;
	[dreg:$0x6] =	wrdreg s30;
	s31 =	sadd.s32 s8, s11  }
0x13: {  	v5 =	vor.u32 $0x2, v0;
	v6 =	vor.u32 $0x3, v0;
	v7 =	vor.u32 $0x4, v0;
	s16 =	smax.u32 s16, $0x1;
	s29 =	sadd.s32 $0x9C40, s15;
	[dreg:$0x7] =	wrdreg s31  }
0x14: {  	v8 =	vor.u32 $0x5, v0;
	v9 =	vor.u32 $0x6, v0;
	v10 =	vor.u32 $0x7, v0;
	s17 =	ssub.s32 $0x4E400, s5;
	s15 =	sadd.s32 s1, s4;
	[dreg:$0x5] =	wrdreg s29  }
.LBB2_15:
0x15: {  	s0 =	simm.s32 @!p0 $0x3  }
0x16: {  	_ =	swait.ge @!p0 [sflag:s0], $0x1000  }
0x17: {  	[sflag:s0] =	ssyncset.done @!p0 $0x0  }
0x18: {  	[sflag:s0] =	ssyncadd.s32 @!p0 $0xFFFFF000  }
0x19: {  	_ =	swait.ge @!p0 [sflag:s0], $0x1000  }
0x1a: {  	[sflag:s0] =	ssyncset.done @!p0 $0x0  }
0x1b: {  	[sflag:s0] =	ssyncadd.s32 @!p0 $0xFFFFF000  }
0x1c: {  	_ =	swait.ge @!p0 [sflag:s0], $0x1000  }
0x1d: {  	[sflag:s0] =	ssyncset.done @!p0 $0x0  }
0x1e: {  	[sflag:s0] =	ssyncadd.s32 @!p0 $0xFFFFF000  }
0x1f: {  	_ =	swait.ge @!p0 [sflag:s0], $0x1000  }
0x20: {  	s28 =	sadd.s32 $0x1, s28;
	[sflag:s0] =	ssyncset.done @!p0 $0x0  }
0x21: {  	p1 =	sne.s32 s28, s16;
	[sflag:s0] =	ssyncadd.s32 @!p0 $0xFFFFF000  }
.Ltmp1:
0x22: {  	s31 =	sshrl.u32 s12, $0x3;
	[bflag:$0x0] =	sbarrier.arrive $0xFFFF;
	(pc) =	sbr.rel @!p1 .LBB2_16-.Ltmp1, $4  }
0x23: {  	[hbm:s15], [sflag:s29] =	dma.local [spmem:s31], $0x9E0  }
0x24: {  	_ =	swait.ge [sflag:s23], $0x9E0  }
0x25: {  	[sflag:s23] =	ssyncset.done $0x0  }
0x26: {  	[sflag:s23] =	ssyncadd.s32 $0xFFFFF620  }
.LBB2_1:
0x27: {  	[tilespmem:s22+$0x0] =	vst v1  }
0x28: {  	[tilespmem:s22+$0x40F0] =	vst v1  }
0x29: {  	[tilespmem:s22+$0x40E0] =	vst v1  }
0x2a: {  	[tilespmem:s22+$0xF0] =	vst v1  }
0x2b: {  	[tilespmem:s22+$0xE0] =	vst v1  }
0x2c: {  	[tilespmem:s22+$0x40D0] =	vst v1  }
0x2d: {  	[tilespmem:s22+$0x40C0] =	vst v1  }
0x2e: {  	[tilespmem:s22+$0xD0] =	vst v1  }
0x2f: {  	[tilespmem:s22+$0xC0] =	vst v1  }
0x30: {  	[tilespmem:s22+$0x40B0] =	vst v1  }
0x31: {  	[tilespmem:s22+$0x40A0] =	vst v1  }
0x32: {  	[tilespmem:s22+$0xB0] =	vst v1  }
0x33: {  	[tilespmem:s22+$0xA0] =	vst v1  }
0x34: {  	[tilespmem:s22+$0x4090] =	vst v1  }
0x35: {  	[tilespmem:s22+$0x4080] =	vst v1  }
0x36: {  	[tilespmem:s22+$0x90] =	vst v1  }
0x37: {  	[tilespmem:s22+$0x80] =	vst v1  }
0x38: {  	[tilespmem:s22+$0x4070] =	vst v1  }
0x39: {  	[tilespmem:s22+$0x4060] =	vst v1  }
0x3a: {  	[tilespmem:s22+$0x70] =	vst v1  }
0x3b: {  	[tilespmem:s22+$0x60] =	vst v1  }
0x3c: {  	[tilespmem:s22+$0x4050] =	vst v1  }
0x3d: {  	[tilespmem:s22+$0x4040] =	vst v1  }
0x3e: {  	[tilespmem:s22+$0x50] =	vst v1  }
0x3f: {  	[tilespmem:s22+$0x40] =	vst v1  }
0x40: {  	[tilespmem:s22+$0x4030] =	vst v1  }
0x41: {  	[tilespmem:s22+$0x4020] =	vst v1  }
0x42: {  	[tilespmem:s22+$0x30] =	vst v1  }
0x43: {  	[tilespmem:s22+$0x20] =	vst v1  }
0x44: {  	[tilespmem:s22+$0x4010] =	vst v1  }
0x45: {  	s0 =	simm.s32 $0x0;
	[tilespmem:s22+$0x4000] =	vst v1;
	s1 =	simm.s32 $0x8800  }
.LBB2_2:
0x46: {  	s0 =	sadd.s32 $0x8, s0;
	[tilespmem:s1+$0x10] =	vst v1;
	s1 =	sadd.s32 $0x100, s1  }
0x47: {  	[tilespmem:s1+$0x0] =	vst v1;
	p1 =	slt.u32 s0, $0x1F8  }
0x48: {  	[tilespmem:s1+$0x40F0] =	vst v1  }
0x49: {  	[tilespmem:s1+$0x40E0] =	vst v1  }
0x4a: {  	[tilespmem:s1+$0xF0] =	vst v1  }
0x4b: {  	[tilespmem:s1+$0xE0] =	vst v1  }
0x4c: {  	[tilespmem:s1+$0x40D0] =	vst v1  }
0x4d: {  	[tilespmem:s1+$0x40C0] =	vst v1  }
0x4e: {  	[tilespmem:s1+$0xD0] =	vst v1  }
0x4f: {  	[tilespmem:s1+$0xC0] =	vst v1  }
0x50: {  	[tilespmem:s1+$0x40B0] =	vst v1  }
0x51: {  	[tilespmem:s1+$0x40A0] =	vst v1  }
0x52: {  	[tilespmem:s1+$0xB0] =	vst v1  }
0x53: {  	[tilespmem:s1+$0xA0] =	vst v1  }
0x54: {  	[tilespmem:s1+$0x4090] =	vst v1  }
0x55: {  	[tilespmem:s1+$0x4080] =	vst v1  }
0x56: {  	[tilespmem:s1+$0x90] =	vst v1  }
0x57: {  	[tilespmem:s1+$0x80] =	vst v1  }
0x58: {  	[tilespmem:s1+$0x4070] =	vst v1  }
0x59: {  	[tilespmem:s1+$0x4060] =	vst v1  }
0x5a: {  	[tilespmem:s1+$0x70] =	vst v1  }
0x5b: {  	[tilespmem:s1+$0x60] =	vst v1  }
0x5c: {  	[tilespmem:s1+$0x4050] =	vst v1  }
0x5d: {  	[tilespmem:s1+$0x4040] =	vst v1  }
0x5e: {  	[tilespmem:s1+$0x50] =	vst v1  }
0x5f: {  	[tilespmem:s1+$0x40] =	vst v1  }
0x60: {  	[tilespmem:s1+$0x4030] =	vst v1  }
.Ltmp2:
0x61: {  	[tilespmem:s1+$0x4020] =	vst v1;
	(pc) =	sbr.rel @p1 .LBB2_2-.Ltmp2, $4  }
0x62: {  	[tilespmem:s1+$0x30] =	vst v1  }
0x63: {  	[tilespmem:s1+$0x20] =	vst v1  }
0x64: {  	[tilespmem:s1+$0x4010] =	vst v1  }
0x65: {  	[tilespmem:s1+$0x4000] =	vst v1  }
0x66: {  	[tilespmem:s1+$0x10] =	vst v1  }
0x67: {  	s0 =	simm.s32 $0x0;
	s1 =	rddreg [dreg:$0x5]  }
0x68: {  	[tilespmem:s0], [sflag:$0x1] =	stream.linear.gather [hbm4b:s1+s0], $0x200, $0x38;
	[tilespmem:$0x17F00] =	vst v63  }
0x69: {  	s4 =	simm.s32 $0x400;
	s10 =	rddreg [dreg:$0x6]  }
0x6a: {  	[tilespmem:s4], [sflag:$0x1] =	stream.linear.gather [hbm4b:s10+s0], $0x200, $0x38;
	[tilespmem:$0x17F00] =	vst v63  }
0x6b: {  	s18 =	simm.s32 $0x200;
	s30 =	simm.s32 $0x4E200;
	s11 =	rddreg [dreg:$0x7]  }
0x6c: {  	[tilespmem:s21], [sflag:$0x1] =	stream.strided.gather [hbm4b:s11+s18], $0x2000, s30, s18, $0x38;
	[tilespmem:$0x17F00] =	vst v63  }
0x6d: {  	_ = 	snop  }
0x6e: {  	[spmem:s12] =	stream.linear.scatter [tilespmem:s22], [sflag:$0x4], $0x4F00, $0x38;
	[tilespmem:$0x17F00] =	vst v63  }
0x6f: {  	s31 =	stileid.u32;
	_ =	swait.ge [sflag:s23], $0x4F00  }
0x70: {  	s0 =	sshll.u32 s31, $0x6;
	[sflag:s23] =	ssyncset.done $0x0  }
0x71: {  	s29 =	sor.u32 $0x1C04, s0;
	[sflag:s23] =	ssyncadd.s32 $0xFFFFB100  }
0x72: {  	[spmem:s24], [sflag:s29] =	dma.local [hbm:s13], $0x500  }
0x73: {  	_ =	swait.ge [sflag:s23], $0x500  }
0x74: {  	[sflag:s23] =	ssyncset.done $0x0  }
0x75: {  	s0 =	simm.s32 $0xC810;
	[sflag:s23] =	ssyncadd.s32 $0xFFFFFB00  }
0x76: {  	[tilespmem:s0+$0xFFFFC000] =	vst v2  }
0x77: {  	[tilespmem:s0+$0xE0] =	vst v2  }
0x78: {  	[tilespmem:s0+$0xFFFFC0E0] =	vst v2  }
0x79: {  	[tilespmem:s0+$0xC0] =	vst v2  }
0x7a: {  	[tilespmem:s0+$0xFFFFC0C0] =	vst v2  }
0x7b: {  	[tilespmem:s0+$0xA0] =	vst v2  }
0x7c: {  	[tilespmem:s0+$0xFFFFC0A0] =	vst v2  }
0x7d: {  	[tilespmem:s0+$0x80] =	vst v2  }
0x7e: {  	[tilespmem:s0+$0xFFFFC080] =	vst v2  }
0x7f: {  	[tilespmem:s0+$0x60] =	vst v2  }
0x80: {  	[tilespmem:s0+$0xFFFFC060] =	vst v2  }
0x81: {  	[tilespmem:s0+$0x40] =	vst v2  }
0x82: {  	[tilespmem:s0+$0xFFFFC040] =	vst v2  }
0x83: {  	[tilespmem:s0+$0x20] =	vst v2  }
0x84: {  	s1 =	simm.s32 $0x0;
	[tilespmem:s0+$0xFFFFC020] =	vst v2  }
.LBB2_4:
0x85: {  	s1 =	sadd.s32 $0x8, s1;
	[tilespmem:s0+$0x0] =	vst v2;
	s0 =	sadd.s32 $0x100, s0  }
0x86: {  	[tilespmem:s0+$0xFFFFC000] =	vst v2;
	p1 =	slt.u32 s1, $0x1F8  }
0x87: {  	[tilespmem:s0+$0xE0] =	vst v2  }
0x88: {  	[tilespmem:s0+$0xFFFFC0E0] =	vst v2  }
0x89: {  	[tilespmem:s0+$0xC0] =	vst v2  }
0x8a: {  	[tilespmem:s0+$0xFFFFC0C0] =	vst v2  }
0x8b: {  	[tilespmem:s0+$0xA0] =	vst v2  }
0x8c: {  	[tilespmem:s0+$0xFFFFC0A0] =	vst v2  }
0x8d: {  	[tilespmem:s0+$0x80] =	vst v2  }
0x8e: {  	[tilespmem:s0+$0xFFFFC080] =	vst v2  }
0x8f: {  	[tilespmem:s0+$0x60] =	vst v2  }
.Ltmp3:
0x90: {  	[tilespmem:s0+$0xFFFFC060] =	vst v2;
	(pc) =	sbr.rel @p1 .LBB2_4-.Ltmp3, $4  }
0x91: {  	[tilespmem:s0+$0x40] =	vst v2  }
0x92: {  	[tilespmem:s0+$0xFFFFC040] =	vst v2  }
0x93: {  	[tilespmem:s0+$0x20] =	vst v2  }
0x94: {  	[tilespmem:s0+$0xFFFFC020] =	vst v2  }
0x95: {  	[tilespmem:s0+$0x0] =	vst v2  }
0x96: {  	[bflag:$0x0] =	sbarrier.arrive $0xFFFF  }
0x97: {  	_ =	swait.ge [sflag:s25], $0x200  }
0x98: {  	[sflag:s25] =	ssyncset.done $0x0  }
0x99: {  	[sflag:s25] =	ssyncadd.s32 $0xFFFFFE00  }
0x9a: {  	_ =	swait.ge [sflag:s25], $0x200  }
0x9b: {  	[sflag:s25] =	ssyncset.done $0x0  }
0x9c: {  	[sflag:s25] =	ssyncadd.s32 $0xFFFFFE00  }
0x9d: {  	_ =	swait.ge [sflag:s25], $0x2000  }
0x9e: {  	[sflag:s25] =	ssyncset.done $0x0  }
0x9f: {  	s30 =	simm.s32 $0x0;
	s9 =	simm.s32 $0x4800;
	[sflag:s25] =	ssyncadd.s32 $0xFFFFE000  }
0xa0: {  	[tilespmem:s9], [sflag:$0x2] =	stream.indirect.gather [spmem:s3], $0x10, s30, s26, $0xb8;
	[tilespmem:$0x17F00] =	vst v63  }
0xa1: {  	s10 =	simm.s32 $0x5000  }
0xa2: {  	[tilespmem:s10], [sflag:$0x2] =	stream.indirect.gather [spmem:s3], $0x10, s26, s26, $0xb8;
	[tilespmem:$0x17F00] =	vst v63  }
.Ltmp4:
0xa3: {  	_ = 	snop;
	(pc) =	sbr.rel .LBB2_6-.Ltmp4, $4  }
0xa4: {  	s11 =	simm.s32 $0x100;
	s1 =	simm.s32 $0x5800  }
0xa5: {  	[tilespmem:s1], [sflag:$0x2] =	stream.indirect.gather [spmem:s3], $0x10, s11, s26, $0xb8;
	[tilespmem:$0x17F00] =	vst v63  }
0xa6: {  	s18 =	simm.s32 $0x180;
	s31 =	simm.s32 $0x6000  }
0xa7: {  	[tilespmem:s31], [sflag:$0x2] =	stream.indirect.gather [spmem:s3], $0x10, s18, s26, $0xb8;
	[tilespmem:$0x17F00] =	vst v63  }
.LBB2_14:
0xa8: {  	s1 =	simm.s32 @p3 $0x1  }
0xa9: {  	_ =	swait.ge @p3 [sflag:s1], $0x200  }
0xaa: {  	[sflag:s1] =	ssyncset.done @p3 $0x0  }
0xab: {  	[sflag:s1] =	ssyncadd.s32 @p3 $0xFFFFFE00  }
0xac: {  	_ =	swait.ge @p3 [sflag:s1], $0x200  }
0xad: {  	[sflag:s1] =	ssyncset.done @p3 $0x0  }
0xae: {  	[sflag:s1] =	ssyncadd.s32 @p3 $0xFFFFFE00  }
0xaf: {  	_ =	swait.ge @p3 [sflag:s1], $0x2000  }
0xb0: {  	[sflag:s1] =	ssyncset.done @p3 $0x0  }
0xb1: {  	s4 =	simm.s32 @p3 $0x4800;
	[sflag:s1] =	ssyncadd.s32 @p3 $0xFFFFE000;
	s1 =	simm.s32 @p3 $0x80  }
0xb2: {  	[tilespmem:s4], [sflag:$0x2] =	stream.indirect.gather @p3 [spmem:s3], $0x10, s0, s1, $0xb8;
	[tilespmem:$0x17F00] =	vst v63  }
0xb3: {  	s0 =	simm.s32 @p3 $0x5000  }
0xb4: {  	[tilespmem:s0], [sflag:$0x2] =	stream.indirect.gather @p3 [spmem:s3], $0x10, s1, s1, $0xb8;
	[tilespmem:$0x17F00] =	vst v63  }
0xb5: {  	s4 =	simm.s32 @p3 $0x5800;
	s0 =	simm.s32 @p3 $0x100  }
0xb6: {  	[tilespmem:s4], [sflag:$0x2] =	stream.indirect.gather @p3 [spmem:s3], $0x10, s0, s1, $0xb8;
	[tilespmem:$0x17F00] =	vst v63  }
0xb7: {  	s0 =	simm.s32 @p3 $0x180;
	s4 =	simm.s32 @p3 $0x6000  }
0xb8: {  	[tilespmem:s4], [sflag:$0x2] =	stream.indirect.gather @p3 [spmem:s3], $0x10, s0, s1, $0xb8;
	[tilespmem:$0x17F00] =	vst v63  }
0xb9: {  	s0 =	simm.s32 @!p1 $0x600;
	s1 =	simm.s32 @!p1 $0xC800  }
0xba: {  	[spmem:s2] =	stream.indirect.scatter.add.f32 @!p1 [tilespmem:s1], [sflag:$0x3], $0x20, s0, s31, $0xb8;
	[tilespmem:$0x17F00] =	vst v63  }
0xbb: {  	s0 =	simm.s32 @!p1 $0x680;
	s1 =	simm.s32 @!p1 $0xD800  }
0xbc: {  	[spmem:s2] =	stream.indirect.scatter.add.f32 @!p1 [tilespmem:s1], [sflag:$0x3], $0x20, s0, s31, $0xb8;
	[tilespmem:$0x17F00] =	vst v63  }
0xbd: {  	s0 =	simm.s32 @!p1 $0x700;
	s1 =	simm.s32 @!p1 $0xE800  }
0xbe: {  	[spmem:s2] =	stream.indirect.scatter.add.f32 @!p1 [tilespmem:s1], [sflag:$0x3], $0x20, s0, s31, $0xb8;
	[tilespmem:$0x17F00] =	vst v63  }
0xbf: {  	s30 =	sadd.s32 $0x1, s30;
	s0 =	simm.s32 @!p1 $0x780;
	s1 =	simm.s32 @!p1 $0xF800  }
0xc0: {  	[spmem:s2] =	stream.indirect.scatter.add.f32 @!p1 [tilespmem:s1], [sflag:$0x3], $0x20, s0, s31, $0xb8;
	[tilespmem:$0x17F00] =	vst v63  }
0xc1: {  	p1 =	sne.s32 s30, $0xA  }
.Ltmp5:
0xc2: {  	_ = 	snop;
	(pc) =	sbr.rel @!p1 .LBB2_15-.Ltmp5, $1  }
0xc3: {  	_ =	sdelay $0x3  }
.LBB2_6:
0xc4: {  	s1 =	sshll.u32 s30, $0xA;
	p1 =	seq.s32 s30, $0x0  }
0xc5: {  	p2 =	sge.s32 @!p1 s1, s17  }
0xc6: {  	p2 =	por p2, p1  }
0xc7: {  	s0 =	simm.s32 @!p2 $0x3  }
0xc8: {  	_ =	swait.ge @!p2 [sflag:s0], $0x1000  }
0xc9: {  	[sflag:s0] =	ssyncset.done @!p2 $0x0  }
0xca: {  	[sflag:s0] =	ssyncadd.s32 @!p2 $0xFFFFF000  }
0xcb: {  	_ =	swait.ge @!p2 [sflag:s0], $0x1000  }
0xcc: {  	s4 =	sshllo.u32 s30, $0x1;
	[sflag:s0] =	ssyncset.done @!p2 $0x0  }
0xcd: {  	s9 =	sshll.u32 s4, $0x9;
	[sflag:s0] =	ssyncadd.s32 @!p2 $0xFFFFF000  }
0xce: {  	s9 =	sadd.s32 s5, s9;
	_ =	swait.ge @!p2 [sflag:s0], $0x1000  }
0xcf: {  	p1 =	sgt.u32 s9, $0x4E1FF;
	[sflag:s0] =	ssyncset.done @!p2 $0x0  }
0xd0: {  	s4 =	sshll.u32 @!p1 s4, $0x6;
	[sflag:s0] =	ssyncadd.s32 @!p2 $0xFFFFF000  }
0xd1: {  	s1 =	sadd.s32 s5, s1;
	s4 =	sadd.s32 @!p1 s7, s4;
	_ =	swait.ge @!p2 [sflag:s0], $0x1000  }
0xd2: {  	s31 =	simm.s32 @!p1 $0x0;
	s18 =	sadd.s32 @!p1 s4, s14;
	[sflag:s0] =	ssyncset.done @!p2 $0x0  }
0xd3: {  	[sflag:s0] =	ssyncadd.s32 @!p2 $0xFFFFF000;
	s0 =	simm.s32 @!p1 $0x200;
	p2 =	sgt.u32 s1, $0x4E1FF  }
0xd4: {  	[tilespmem:s0], [sflag:$0x1] =	stream.linear.gather @!p1 [hbm4b:s18+s31], $0x200, $0x38;
	[tilespmem:$0x17F00] =	vst v63  }
.Ltmp6:
0xd5: {  	s4 =	sadd.s32 @!p1 s6, s4;
	s18 =	simm.s32 @!p1 $0x600;
	(pc) =	sbr.rel @p2 .LBB2_10-.Ltmp6, $4  }
0xd6: {  	[tilespmem:s18], [sflag:$0x1] =	stream.linear.gather @!p1 [hbm4b:s4+s31], $0x200, $0x38;
	[tilespmem:$0x17F00] =	vst v63  }
0xd7: {  	s4 =	sshrl.u32 @!p1 s9, $0x3  }
0xd8: {  	s9 =	simm.s32 @!p1 $0x4E200;
	s18 =	simm.s32 @!p1 $0x2800;
	s4 =	sadd.s32 @!p1 s8, s4  }
0xd9: {  	[tilespmem:s18], [sflag:$0x1] =	stream.strided.gather @!p1 [hbm4b:s4+s0], $0x2000, s9, s0, $0x38;
	[tilespmem:$0x17F00] =	vst v63  }
0xda: {  	_ =	swait.ge [sflag:s19], $0x800  }
0xdb: {  	s1 =	simm.s32 $0x0;
	s4 =	simm.s32 $0x7;
	[sflag:s19] =	ssyncset.done $0x0  }
0xdc: {  	s18 =	simm.s32 $0x1;
	s9 =	simm.s32 $0x2;
	v11 =	vmov s1;
	[sflag:s19] =	ssyncadd.s32 $0xFFFFF800  }
0xdd: {  	s10 =	simm.s32 $0x4;
	v12 =	vor.u32 s4, v10;
	v13 =	vmov s18;
	v14 =	vmov s9;
	s9 =	simm.s32 $0x3;
	_ =	swait.ge [sflag:s19], $0x800  }
0xde: {  	v16 =	vmov s10;
	v11 =	vshrl.u32 v11, $0x3;
	v15 =	vmov s9;
	[sflag:s19] =	ssyncset.done $0x0  }
0xdf: {  	v13 =	vshrl.u32 v13, $0x3;
	v14 =	vshrl.u32 v14, $0x3;
	v11 =	vshll.u32 v11, v3;
	[sflag:s19] =	ssyncadd.s32 $0xFFFFF800  }
0xe0: {  	v16 =	vshrl.u32 v16, $0x3;
	v13 =	vshll.u32 v13, v3;
	v11 =	vbroadcast v11, $0x0;
	_ =	swait.ge [sflag:s19], $0x800  }
0xe1: {  	v15 =	vshrl.u32 v15, $0x3;
	v14 =	vshll.u32 v14, v3;
	v13 =	vbroadcast v13, $0x0;
	[sflag:s19] =	ssyncset.done $0x0  }
0xe2: {  	v15 =	vshll.u32 v15, v3;
	v14 =	vbroadcast v14, $0x0;
	v11 =	vor.u32 v0, v11;
	[sflag:s19] =	ssyncadd.s32 $0xFFFFF800  }
0xe3: {  	v16 =	vshll.u32 v16, v3;
	v15 =	vbroadcast v15, $0x0;
	v13 =	vor.u32 v4, v13;
	_ =	swait.ge [sflag:s19], $0x800  }
0xe4: {  	v16 =	vbroadcast v16, $0x0;
	v14 =	vor.u32 v5, v14;
	[sflag:s19] =	ssyncset.done $0x0  }
0xe5: {  	s11 =	simm.s32 $0x5;
	s18 =	simm.s32 $0x6;
	v15 =	vor.u32 v6, v15;
	[sflag:s19] =	ssyncadd.s32 $0xFFFFF800  }
0xe6: {  	v17 =	vmov s11;
	v18 =	vmov s18;
	v16 =	vor.u32 v7, v16;
	v19 =	vld.idx.msk [tilespmem:v12+s21+$0x0], $0xffff  }
0xe7: {  	v17 =	vshrl.u32 v17, $0x3;
	v18 =	vshrl.u32 v18, $0x3;
	v11 =	vld.idx.msk [tilespmem:v11+s21+$0x0], $0xffff  }
0xe8: {  	s10 =	simm.s32 $0x9;
	v17 =	vshll.u32 v17, v3;
	v18 =	vshll.u32 v18, v3;
	v13 =	vld.idx.msk [tilespmem:v13+s21+$0x0], $0xffff  }
0xe9: {  	s11 =	simm.s32 $0xA;
	s9 =	simm.s32 $0xF;
	s18 =	simm.s32 $0xB;
	v21 =	vmov s10;
	v17 =	vbroadcast v17, $0x0;
	v18 =	vbroadcast v18, $0x0;
	v14 =	vld.idx.msk [tilespmem:v14+s21+$0x0], $0xffff  }
0xea: {  	v22 =	vmov s11;
	s10 =	simm.s32 $0xD;
	v20 =	vor.u32 s9, v10;
	v23 =	vmov s18;
	v15 =	vld.idx.msk [tilespmem:v15+s21+$0x0], $0xffff  }
0xeb: {  	s11 =	simm.s32 $0x4840;
	s9 =	simm.s32 $0xC;
	v25 =	vmov s10;
	v12 =	vor.u32 v8, v17;
	v17 =	vor.u32 v9, v18;
	v16 =	vld.idx.msk [tilespmem:v16+s21+$0x0], $0xffff  }
0xec: {  	v21 =	vshrl.u32 v21, $0x3;
	v22 =	vshrl.u32 v22, $0x3;
	v24 =	vmov s9;
	v26 =	vld [tilespmem:s11+$0x20]  }
0xed: {  	s4 =	simm.s32 $0x8;
	v23 =	vshrl.u32 v23, $0x3;
	v25 =	vshrl.u32 v25, $0x3;
	v21 =	vshll.u32 v21, v3;
	v27 =	vld [tilespmem:s11+$0xFFFFFFC0]  }
0xee: {  	v22 =	vshll.u32 v22, v3;
	v24 =	vshrl.u32 v24, $0x3;
	v18 =	vmov s4;
	v28 =	vld [tilespmem:s11+$0xFFFFFFD0]  }
0xef: {  	v21 =	vbroadcast v21, $0x0;
	v23 =	vshll.u32 v23, v3;
	v29 =	vld [tilespmem:s11+$0xFFFFFFE0];
	v18 =	vshrl.u32 v18, $0x3  }
0xf0: {  	v22 =	vbroadcast v22, $0x0;
	v25 =	vshll.u32 v25, v3;
	v18 =	vshll.u32 v18, v3;
	v17 =	vld.idx.msk [tilespmem:v17+s21+$0x0], $0xffff  }
0xf1: {  	v24 =	vshll.u32 v24, v3;
	v23 =	vbroadcast v23, $0x0;
	v31 =	vld [tilespmem:s11+$0x0];
	v18 =	vbroadcast v18, $0x0  }
0xf2: {  	v25 =	vbroadcast v25, $0x0;
	v24 =	vbroadcast v24, $0x0;
	v30 =	vld [tilespmem:s11+$0xFFFFFFF0]  }
0xf3: {  	s18 =	simm.s32 $0xE;
	v21 =	vor.u32 v4, v21;
	v23 =	vor.u32 v6, v23;
	v18 =	vor.u32 v0, v18  }
0xf4: {  	v32 =	vld [tilespmem:s11+$0x30];
	v11 =	vadd.f32 v27, v11;
	v27 =	vmov s18;
	v13 =	vadd.f32 v28, v13;
	s18 =	simm.s32 $0x12  }
0xf5: {  	v12 =	vld.idx.msk [tilespmem:v12+s21+$0x0], $0xffff;
	v14 =	vadd.f32 v29, v14;
	v60 =	vmov s18;
	s18 =	simm.s32 $0x15;
	v17 =	vadd.f32 v26, v17  }
0xf6: {  	v16 =	vadd.f32 v31, v16;
	v29 =	vmax.f32 v13, $0.0e+00;
	v34 =	vmov s18;
	s18 =	simm.s32 $0x48C0;
	v26 =	vld [tilespmem:s11+$0x10]  }
0xf7: {  	v13 =	vadd.f32 v30, v15;
	v62 =	vld [tilespmem:s18+$0x20];
	v28 =	vmax.f32 v17, $0.0e+00;
	v17 =	vshrl.u32 v27, $0x3  }
0xf8: {  	v30 =	vld.idx.msk [tilespmem:v18+s21+$0x0], $0xffff;
	v18 =	vor.u32 v8, v25;
	v27 =	vmax.f32 v11, $0.0e+00;
	v11 =	vshll.u32 v17, v3  }
0xf9: {  	s9 =	simm.s32 $0x10;
	v22 =	vor.u32 v5, v22;
	v63 =	vld [tilespmem:s18+$0xFFFFFFC0];
	v15 =	vbroadcast v11, $0x0  }
0xfa: {  	s31 =	simm.s32 $0x8880;
	v24 =	vor.u32 v7, v24;
	v25 =	vmax.f32 v16, $0.0e+00;
	v16 =	vmov s9;
	v11 =	vld.idx.msk [tilespmem:v20+s21+$0x0], $0xffff  }
0xfb: {  	s11 =	simm.s32 $0x11;
	[tilespmem:s31+$0xFFFFFF80] =	vst v27;
	v27 =	vshrl.u32 v34, $0x3;
	v17 =	vadd.f32 v26, v12;
	v12 =	vld.idx.msk [tilespmem:v21+s21+$0x0], $0xffff;
	v21 =	vor.u32 v9, v15  }
0xfc: {  	v20 =	vmax.f32 v14, $0.0e+00;
	v14 =	vld.idx.msk [tilespmem:v23+s21+$0x0], $0xffff;
	v23 =	vshrl.u32 v16, $0x3;
	v26 =	vmov s11  }
0xfd: {  	s11 =	simm.s32 $0x14;
	v16 =	vld.idx.msk [tilespmem:v18+s21+$0x0], $0xffff;
	v18 =	vshll.u32 v23, v3;
	v15 =	vadd.f32 v32, v19;
	v19 =	vmax.f32 v13, $0.0e+00  }
0xfe: {  	s10 =	simm.s32 $0x17;
	v13 =	vld.idx.msk [tilespmem:v22+s21+$0x0], $0xffff;
	v33 =	vmov s11;
	v23 =	vshrl.u32 v26, $0x3;
	v26 =	vshrl.u32 v60, $0x3  }
0xff: {  	v22 =	vmax.f32 v17, $0.0e+00;
	v17 =	vor.u32 s10, v10;
	s10 =	simm.s32 $0x13;
	v31 =	vmax.f32 v15, $0.0e+00;
	v15 =	vld.idx.msk [tilespmem:v24+s21+$0x0], $0xffff  }
0x100: {  	[tilespmem:s31+$0xFFFFFFA0] =	vst v29;
	v18 =	vbroadcast v18, $0x0;
	v23 =	vshll.u32 v23, v3;
	v24 =	vmov s10;
	v61 =	vld.idx.msk [tilespmem:v21+s21+$0x0], $0xffff  }
0x101: {  	[tilespmem:s31+$0x40] =	vst v28;
	v26 =	vshll.u32 v26, v3;
	v21 =	vshrl.u32 v24, $0x3;
	v24 =	vshrl.u32 v33, $0x3  }
0x102: {  	[tilespmem:s31+$0xFFFFFFC0] =	vst v20;
	v20 =	vbroadcast v23, $0x0;
	v21 =	vshll.u32 v21, v3;
	v28 =	vshll.u32 v24, v3;
	v24 =	vld [tilespmem:s18+$0xFFFFFFD0]  }
0x103: {  	[tilespmem:s31+$0xFFFFFFE0] =	vst v19;
	v19 =	vbroadcast v26, $0x0;
	v23 =	vld [tilespmem:s18+$0xFFFFFFE0];
	v35 =	vbroadcast v21, $0x0;
	v21 =	vshll.u32 v27, v3  }
0x104: {  	[tilespmem:s31+$0x0] =	vst v25;
	v26 =	vor.u32 v0, v18;
	v18 =	vbroadcast v28, $0x0;
	v27 =	vbroadcast v21, $0x0;
	v21 =	vld [tilespmem:s18+$0xFFFFFFF0]  }
0x105: {  	v30 =	vadd.f32 v63, v30;
	[tilespmem:s31+$0x20] =	vst v22;
	v22 =	vor.u32 v5, v19;
	v19 =	vld [tilespmem:s18+$0x0];
	v29 =	vadd.f32 v62, v61  }
0x106: {  	s1 =	simm.s32 $0x18;
	s4 =	simm.s32 $0x16;
	v25 =	vld [tilespmem:s18+$0x10];
	[tilespmem:s31+$0x60] =	vst v31;
	v28 =	vor.u32 v4, v20;
	v20 =	vor.u32 v6, v35;
	v18 =	vor.u32 v7, v18  }
.LBB2_8:
0x107: {  	p3 =	slt.u32 s1, $0x1F8;
	v31 =	vmov s4;
	v12 =	vadd.f32 v24, v12;
	v24 =	vmax.f32 v29, $0.0e+00;
	v29 =	vld [tilespmem:s18+$0x30];
	s31 =	sadd.s32 $0x100, s31  }
0x108: {  	v31 =	vshrl.u32 v31, $0x3;
	v30 =	vmax.f32 v30, $0.0e+00;
	v13 =	vadd.f32 v23, v13;
	[tilespmem:s31+$0x40] =	vst v24  }
0x109: {  	v23 =	vshll.u32 v31, v3;
	[tilespmem:s31+$0xFFFFFF80] =	vst v30;
	v12 =	vmax.f32 v12, $0.0e+00;
	v14 =	vadd.f32 v21, v14  }
0x10a: {  	v21 =	vbroadcast v23, $0x0;
	v23 =	vld.idx.msk [tilespmem:v17+s21+$0x0], $0xffff;
	[tilespmem:s31+$0xFFFFFFA0] =	vst v12;
	v12 =	vmax.f32 v13, $0.0e+00;
	v13 =	vadd.f32 v19, v15  }
0x10b: {  	v19 =	vor.u32 v8, v27;
	v30 =	vld.idx.msk [tilespmem:v26+s21+$0x0], $0xffff;
	[tilespmem:s31+$0xFFFFFFC0] =	vst v12;
	v14 =	vmax.f32 v14, $0.0e+00;
	v15 =	vadd.f32 v25, v16  }
0x10c: {  	v12 =	vld.idx.msk [tilespmem:v28+s21+$0x0], $0xffff;
	v21 =	vor.u32 v9, v21;
	[tilespmem:s31+$0xFFFFFFE0] =	vst v14;
	v14 =	vmax.f32 v13, $0.0e+00;
	v11 =	vadd.f32 v29, v11  }
0x10d: {  	s4 =	sadd.s32 $0x7, s1;
	v13 =	vld.idx.msk [tilespmem:v22+s21+$0x0], $0xffff;
	[tilespmem:s31+$0x0] =	vst v14;
	v15 =	vmax.f32 v15, $0.0e+00  }
0x10e: {  	s9 =	sadd.s32 $0x1, s1;
	s10 =	sadd.s32 $0x2, s1;
	v17 =	vor.u32 s4, v10;
	v16 =	vmov s1;
	v14 =	vld.idx.msk [tilespmem:v20+s21+$0x0], $0xffff;
	[tilespmem:s31+$0x20] =	vst v15;
	v27 =	vmax.f32 v11, $0.0e+00  }
0x10f: {  	v24 =	vmov s10;
	s10 =	sadd.s32 $0x5, s1;
	s4 =	sadd.s32 $0x3, s1;
	v22 =	vmov s9;
	s9 =	sadd.s32 $0x4, s1;
	v20 =	vshrl.u32 v16, $0x3;
	v15 =	vld.idx.msk [tilespmem:v18+s21+$0x0], $0xffff;
	[tilespmem:s31+$0x60] =	vst v27  }
0x110: {  	v26 =	vmov s10;
	v25 =	vmov s9;
	v18 =	vmov s4;
	v16 =	vld.idx.msk [tilespmem:v19+s21+$0x0], $0xffff;
	v11 =	vmovc v23  }
0x111: {  	s18 =	sadd.s32 $0x80, s18;
	v19 =	vshll.u32 v20, v3;
	v20 =	vshrl.u32 v22, $0x3;
	v22 =	vshrl.u32 v24, $0x3;
	v29 =	vld.idx.msk [tilespmem:v21+s21+$0x0], $0xffff  }
0x112: {  	v18 =	vshrl.u32 v18, $0x3;
	v23 =	vshrl.u32 v26, $0x3;
	v21 =	vshrl.u32 v25, $0x3;
	v25 =	vld [tilespmem:s18+$0x20]  }
0x113: {  	v19 =	vbroadcast v19, $0x0;
	v20 =	vshll.u32 v20, v3;
	v22 =	vshll.u32 v22, v3;
	v31 =	vld [tilespmem:s18+$0xFFFFFFC0]  }
.Ltmp7:
0x114: {  	v18 =	vshll.u32 v18, v3;
	v20 =	vbroadcast v20, $0x0;
	v21 =	vshll.u32 v21, v3;
	v24 =	vld [tilespmem:s18+$0xFFFFFFD0];
	(pc) =	sbr.rel @p3 .LBB2_8-.Ltmp7, $4  }
0x115: {  	v27 =	vshll.u32 v23, v3;
	v22 =	vbroadcast v22, $0x0;
	v18 =	vbroadcast v18, $0x0;
	v23 =	vld [tilespmem:s18+$0xFFFFFFE0]  }
0x116: {  	v27 =	vbroadcast v27, $0x0;
	v26 =	vor.u32 v0, v19;
	v32 =	vbroadcast v21, $0x0;
	v21 =	vld [tilespmem:s18+$0xFFFFFFF0]  }
0x117: {  	v28 =	vor.u32 v4, v20;
	v22 =	vor.u32 v5, v22;
	v19 =	vld [tilespmem:s18+$0x0];
	v29 =	vadd.f32 v25, v29  }
0x118: {  	s4 =	sadd.s32 $0x6, s1;
	s1 =	sadd.s32 $0x8, s1;
	v20 =	vor.u32 v6, v18;
	v18 =	vor.u32 v7, v32;
	v30 =	vadd.f32 v31, v30;
	v25 =	vld [tilespmem:s18+$0x10]  }
0x119: {  	_ =	sdelay $0x2  }
0x11a: {  	v32 =	vld [tilespmem:s18+$0x30]  }
0x11b: {  	v17 =	vld.idx.msk [tilespmem:v17+s21+$0x0], $0xffff  }
0x11c: {  	v26 =	vld.idx.msk [tilespmem:v26+s21+$0x0], $0xffff  }
0x11d: {  	v28 =	vld.idx.msk [tilespmem:v28+s21+$0x0], $0xffff  }
0x11e: {  	v22 =	vld.idx.msk [tilespmem:v22+s21+$0x0], $0xffff  }
0x11f: {  	v20 =	vld.idx.msk [tilespmem:v20+s21+$0x0], $0xffff  }
0x120: {  	v31 =	vmov s4;
	v18 =	vld.idx.msk [tilespmem:v18+s21+$0x0], $0xffff;
	s1 =	sadd.s32 $0x100, s31;
	s31 =	sadd.s32 $0x80, s18  }
0x121: {  	v27 =	vor.u32 v8, v27;
	v31 =	vshrl.u32 v31, $0x3;
	v43 =	vld [tilespmem:s31+$0x20]  }
0x122: {  	v12 =	vadd.f32 v24, v12;
	v41 =	vmax.f32 v29, $0.0e+00;
	v44 =	vld [tilespmem:s31+$0xFFFFFFC0];
	v31 =	vshll.u32 v31, v3  }
0x123: {  	v30 =	vmax.f32 v30, $0.0e+00;
	v13 =	vadd.f32 v23, v13;
	[tilespmem:s1+$0x40] =	vst v41;
	v47 =	vld [tilespmem:s31+$0xFFFFFFD0];
	v31 =	vbroadcast v31, $0x0  }
0x124: {  	v50 =	vld [tilespmem:s31+$0xFFFFFFE0];
	[tilespmem:s1+$0xFFFFFF80] =	vst v30;
	v12 =	vmax.f32 v12, $0.0e+00;
	v14 =	vadd.f32 v21, v14  }
0x125: {  	v52 =	vld [tilespmem:s31+$0xFFFFFFF0];
	[tilespmem:s1+$0xFFFFFFA0] =	vst v12;
	v45 =	vmax.f32 v13, $0.0e+00;
	v46 =	vadd.f32 v19, v15;
	v31 =	vor.u32 v9, v31  }
0x126: {  	v54 =	vld [tilespmem:s31+$0x0];
	[tilespmem:s1+$0xFFFFFFC0] =	vst v45;
	v48 =	vmax.f32 v14, $0.0e+00;
	v11 =	vadd.f32 v32, v11  }
0x127: {  	v57 =	vld [tilespmem:s31+$0x10];
	v49 =	vadd.f32 v25, v16;
	[tilespmem:s1+$0xFFFFFFE0] =	vst v48;
	v51 =	vmax.f32 v46, $0.0e+00  }
0x128: {  	v27 =	vld.idx.msk [tilespmem:v27+s21+$0x0], $0xffff;
	[tilespmem:s1+$0x0] =	vst v51;
	v56 =	vadd.f32 v44, v26;
	v11 =	vmax.f32 v11, $0.0e+00  }
0x129: {  	v59 =	vld [tilespmem:s31+$0x30];
	v53 =	vmax.f32 v49, $0.0e+00;
	[tilespmem:s1+$0x60] =	vst v11;
	v11 =	vadd.f32 v47, v28  }
0x12a: {  	v16 =	vadd.f32 v50, v22;
	[tilespmem:s1+$0x20] =	vst v53;
	s1 =	sadd.s32 $0x100, s1;
	v12 =	vmax.f32 v56, $0.0e+00;
	v42 =	vld.idx.msk [tilespmem:v31+s21+$0x0], $0xffff  }
0x12b: {  	v60 =	vadd.f32 v52, v20;
	[tilespmem:s1+$0xFFFFFF80] =	vst v12;
	v11 =	vmax.f32 v11, $0.0e+00  }
0x12c: {  	v61 =	vadd.f32 v54, v18;
	[tilespmem:s1+$0xFFFFFFA0] =	vst v11;
	v11 =	vmax.f32 v16, $0.0e+00  }
0x12d: {  	v62 =	vadd.f32 v57, v27;
	[tilespmem:s1+$0xFFFFFFC0] =	vst v11;
	v11 =	vmax.f32 v60, $0.0e+00  }
0x12e: {  	v63 =	vadd.f32 v59, v17;
	[tilespmem:s1+$0xFFFFFFE0] =	vst v11;
	v11 =	vmax.f32 v61, $0.0e+00  }
0x12f: {  	[tilespmem:s1+$0x0] =	vst v11;
	v11 =	vmax.f32 v62, $0.0e+00;
	v55 =	vadd.f32 v43, v42  }
0x130: {  	[tilespmem:s1+$0x20] =	vst v11;
	v11 =	vmax.f32 v63, $0.0e+00  }
0x131: {  	[tilespmem:s1+$0x60] =	vst v11;
	v58 =	vmax.f32 v55, $0.0e+00  }
0x132: {  	[tilespmem:s1+$0x40] =	vst v58  }
.LBB2_10:
0x133: {  	s1 =	simm.s32 @!p1 $0x1  }
0x134: {  	_ =	swait.ge @!p1 [sflag:s1], $0x200  }
0x135: {  	[sflag:s1] =	ssyncset.done @!p1 $0x0  }
0x136: {  	[sflag:s1] =	ssyncadd.s32 @!p1 $0xFFFFFE00  }
0x137: {  	_ =	swait.ge @!p1 [sflag:s1], $0x200  }
0x138: {  	[sflag:s1] =	ssyncset.done @!p1 $0x0  }
0x139: {  	[sflag:s1] =	ssyncadd.s32 @!p1 $0xFFFFFE00  }
0x13a: {  	_ =	swait.ge @!p1 [sflag:s1], $0x2000  }
0x13b: {  	[sflag:s1] =	ssyncset.done @!p1 $0x0  }
0x13c: {  	s31 =	simm.s32 @!p1 $0x80;
	[sflag:s1] =	ssyncadd.s32 @!p1 $0xFFFFE000;
	s1 =	simm.s32 @!p1 $0x6800  }
0x13d: {  	[tilespmem:s1], [sflag:$0x2] =	stream.indirect.gather @!p1 [spmem:s3], $0x10, s0, s31, $0xb8;
	[tilespmem:$0x17F00] =	vst v63  }
0x13e: {  	s0 =	simm.s32 @!p1 $0x280;
	s1 =	simm.s32 @!p1 $0x7000  }
0x13f: {  	[tilespmem:s1], [sflag:$0x2] =	stream.indirect.gather @!p1 [spmem:s3], $0x10, s0, s31, $0xb8;
	[tilespmem:$0x17F00] =	vst v63  }
0x140: {  	s0 =	simm.s32 @!p1 $0x300;
	s1 =	simm.s32 @!p1 $0x7800  }
0x141: {  	[tilespmem:s1], [sflag:$0x2] =	stream.indirect.gather @!p1 [spmem:s3], $0x10, s0, s31, $0xb8;
	[tilespmem:$0x17F00] =	vst v63  }
0x142: {  	s0 =	simm.s32 @!p1 $0x380;
	s1 =	simm.s32 @!p1 $0x8000  }
0x143: {  	[tilespmem:s1], [sflag:$0x2] =	stream.indirect.gather @!p1 [spmem:s3], $0x10, s0, s31, $0xb8;
	[tilespmem:$0x17F00] =	vst v63  }
0x144: {  	s4 =	simm.s32 @!p2 $0x8800;
	s0 =	simm.s32 @!p2 $0x80;
	s1 =	simm.s32 @!p2 $0x400  }
0x145: {  	[spmem:s2] =	stream.indirect.scatter.add.f32 @!p2 [tilespmem:s4], [sflag:$0x3], $0x20, s1, s0, $0xb8;
	[tilespmem:$0x17F00] =	vst v63  }
0x146: {  	s1 =	simm.s32 @!p2 $0x480;
	s4 =	simm.s32 @!p2 $0x9800  }
0x147: {  	[spmem:s2] =	stream.indirect.scatter.add.f32 @!p2 [tilespmem:s4], [sflag:$0x3], $0x20, s1, s0, $0xb8;
	[tilespmem:$0x17F00] =	vst v63  }
0x148: {  	s1 =	simm.s32 @!p2 $0x500;
	s4 =	simm.s32 @!p2 $0xA800  }
0x149: {  	[spmem:s2] =	stream.indirect.scatter.add.f32 @!p2 [tilespmem:s4], [sflag:$0x3], $0x20, s1, s0, $0xb8;
	[tilespmem:$0x17F00] =	vst v63  }
0x14a: {  	s1 =	simm.s32 @!p2 $0x580;
	s4 =	simm.s32 @!p2 $0xB800  }
0x14b: {  	[spmem:s2] =	stream.indirect.scatter.add.f32 @!p2 [tilespmem:s4], [sflag:$0x3], $0x20, s1, s0, $0xb8;
	[tilespmem:$0x17F00] =	vst v63  }
0x14c: {  	s0 =	simm.s32 @!p2 $0x3  }
0x14d: {  	_ =	swait.ge @!p2 [sflag:s0], $0x1000  }
0x14e: {  	[sflag:s0] =	ssyncset.done @!p2 $0x0  }
0x14f: {  	s11 =	sshll.u32 s30, $0x1;
	[sflag:s0] =	ssyncadd.s32 @!p2 $0xFFFFF000  }
0x150: {  	s1 =	sadd.s32 $0x2, s11;
	_ =	swait.ge @!p2 [sflag:s0], $0x1000  }
0x151: {  	s18 =	sshll.u32 s1, $0x9;
	[sflag:s0] =	ssyncset.done @!p2 $0x0  }
0x152: {  	s4 =	sadd.s32 s5, s18;
	[sflag:s0] =	ssyncadd.s32 @!p2 $0xFFFFF000  }
0x153: {  	p4 =	sne.s32 s30, $0x9;
	p3 =	slt.u32 s4, $0x4E200;
	_ =	swait.ge @!p2 [sflag:s0], $0x1000  }
0x154: {  	p3 =	por !p4, !p3;
	[sflag:s0] =	ssyncset.done @!p2 $0x0  }
0x155: {  	p3 =	por !p3, !p3;
	[sflag:s0] =	ssyncadd.s32 @!p2 $0xFFFFF000  }
0x156: {  	s1 =	sshll.u32 @p3 s1, $0x6;
	_ =	swait.ge @!p2 [sflag:s0], $0x1000  }
0x157: {  	s1 =	sadd.s32 @p3 s7, s1;
	[sflag:s0] =	ssyncset.done @!p2 $0x0  }
0x158: {  	s9 =	sadd.s32 @p3 s1, s14;
	[sflag:s0] =	ssyncadd.s32 @!p2 $0xFFFFF000;
	s0 =	simm.s32 @p3 $0x0  }
0x159: {  	[tilespmem:s0], [sflag:$0x1] =	stream.linear.gather @p3 [hbm4b:s9+s0], $0x200, $0x38;
	[tilespmem:$0x17F00] =	vst v63  }
.Ltmp8:
0x15a: {  	s1 =	sadd.s32 @p3 s6, s1;
	s9 =	simm.s32 @p3 $0x400;
	(pc) =	sbr.rel @p1 .LBB2_14-.Ltmp8, $4  }
0x15b: {  	[tilespmem:s9], [sflag:$0x1] =	stream.linear.gather @p3 [hbm4b:s1+s0], $0x200, $0x38;
	[tilespmem:$0x17F00] =	vst v63  }
0x15c: {  	s10 =	simm.s32 @p3 $0x800;
	s1 =	sshrl.u32 @p3 s4, $0x3  }
0x15d: {  	s4 =	simm.s32 @p3 $0x200;
	s9 =	simm.s32 @p3 $0x4E200;
	s1 =	sadd.s32 @p3 s8, s1  }
0x15e: {  	[tilespmem:s10], [sflag:$0x1] =	stream.strided.gather @p3 [hbm4b:s1+s4], $0x2000, s9, s4, $0x38;
	[tilespmem:$0x17F00] =	vst v63  }
0x15f: {  	_ =	swait.ge [sflag:s19], $0x800  }
0x160: {  	[sflag:s19] =	ssyncset.done $0x0  }
0x161: {  	s1 =	simm.s32 $0x0;
	s4 =	simm.s32 $0x7;
	[sflag:s19] =	ssyncadd.s32 $0xFFFFF800  }
0x162: {  	s18 =	simm.s32 $0x1;
	s9 =	simm.s32 $0x2;
	v11 =	vmov s1;
	v12 =	vor.u32 s4, v10;
	_ =	swait.ge [sflag:s19], $0x800  }
0x163: {  	v13 =	vmov s18;
	v14 =	vmov s9;
	s9 =	simm.s32 $0x3;
	v11 =	vshrl.u32 v11, $0x3;
	[sflag:s19] =	ssyncset.done $0x0  }
0x164: {  	v15 =	vmov s9;
	v13 =	vshrl.u32 v13, $0x3;
	v11 =	vshll.u32 v11, v3;
	[sflag:s19] =	ssyncadd.s32 $0xFFFFF800  }
0x165: {  	v14 =	vshrl.u32 v14, $0x3;
	v13 =	vshll.u32 v13, v3;
	v11 =	vbroadcast v11, $0x0;
	_ =	swait.ge [sflag:s19], $0x800  }
0x166: {  	v15 =	vshrl.u32 v15, $0x3;
	v14 =	vshll.u32 v14, v3;
	v13 =	vbroadcast v13, $0x0;
	[sflag:s19] =	ssyncset.done $0x0  }
0x167: {  	v15 =	vshll.u32 v15, v3;
	v14 =	vbroadcast v14, $0x0;
	v11 =	vor.u32 v0, v11;
	[sflag:s19] =	ssyncadd.s32 $0xFFFFF800  }
0x168: {  	s10 =	simm.s32 $0x4;
	v15 =	vbroadcast v15, $0x0;
	v13 =	vor.u32 v4, v13;
	_ =	swait.ge [sflag:s19], $0x800  }
0x169: {  	s11 =	simm.s32 $0x5;
	v16 =	vmov s10;
	s18 =	simm.s32 $0x6;
	v14 =	vor.u32 v5, v14;
	[sflag:s19] =	ssyncset.done $0x0  }
0x16a: {  	v17 =	vmov s11;
	v18 =	vmov s18;
	v15 =	vor.u32 v6, v15;
	[sflag:s19] =	ssyncadd.s32 $0xFFFFF800  }
0x16b: {  	s10 =	simm.s32 $0x9;
	v16 =	vshrl.u32 v16, $0x3;
	v17 =	vshrl.u32 v17, $0x3;
	v18 =	vshrl.u32 v18, $0x3;
	v19 =	vld.idx.msk [tilespmem:v12+s20+$0x0], $0xffff  }
0x16c: {  	s11 =	simm.s32 $0xA;
	v21 =	vmov s10;
	v17 =	vshll.u32 v17, v3;
	v18 =	vshll.u32 v18, v3;
	v11 =	vld.idx.msk [tilespmem:v11+s20+$0x0], $0xffff  }
0x16d: {  	s9 =	simm.s32 $0xF;
	s18 =	simm.s32 $0xB;
	v22 =	vmov s11;
	v17 =	vbroadcast v17, $0x0;
	v18 =	vbroadcast v18, $0x0;
	v13 =	vld.idx.msk [tilespmem:v13+s20+$0x0], $0xffff  }
0x16e: {  	v16 =	vshll.u32 v16, v3;
	v20 =	vor.u32 s9, v10;
	v23 =	vmov s18;
	v14 =	vld.idx.msk [tilespmem:v14+s20+$0x0], $0xffff  }
0x16f: {  	s10 =	simm.s32 $0xD;
	s11 =	simm.s32 $0x6870;
	v16 =	vbroadcast v16, $0x0;
	v12 =	vor.u32 v8, v17;
	v17 =	vor.u32 v9, v18;
	v15 =	vld.idx.msk [tilespmem:v15+s20+$0x0], $0xffff  }
0x170: {  	s4 =	simm.s32 $0x8;
	s9 =	simm.s32 $0xC;
	v25 =	vmov s10;
	v21 =	vshrl.u32 v21, $0x3;
	v22 =	vshrl.u32 v22, $0x3;
	v26 =	vld [tilespmem:s11+$0xFFFFFFF0]  }
0x171: {  	v24 =	vmov s9;
	v16 =	vor.u32 v7, v16;
	v18 =	vmov s4;
	v27 =	vld [tilespmem:s11+$0xFFFFFF90]  }
0x172: {  	v23 =	vshrl.u32 v23, $0x3;
	v25 =	vshrl.u32 v25, $0x3;
	v28 =	vld [tilespmem:s11+$0xFFFFFFA0];
	v18 =	vshrl.u32 v18, $0x3  }
0x173: {  	v21 =	vshll.u32 v21, v3;
	v22 =	vshll.u32 v22, v3;
	v29 =	vld [tilespmem:s11+$0xFFFFFFB0];
	v18 =	vshll.u32 v18, v3  }
0x174: {  	v24 =	vshrl.u32 v24, $0x3;
	v21 =	vbroadcast v21, $0x0;
	v18 =	vbroadcast v18, $0x0;
	v17 =	vld.idx.msk [tilespmem:v17+s20+$0x0], $0xffff  }
0x175: {  	v23 =	vshll.u32 v23, v3;
	v22 =	vbroadcast v22, $0x0;
	v25 =	vshll.u32 v25, v3;
	v30 =	vld [tilespmem:s11+$0xFFFFFFC0]  }
0x176: {  	v24 =	vshll.u32 v24, v3;
	v23 =	vbroadcast v23, $0x0;
	v16 =	vld.idx.msk [tilespmem:v16+s20+$0x0], $0xffff;
	v18 =	vor.u32 v0, v18  }
0x177: {  	v25 =	vbroadcast v25, $0x0;
	v24 =	vbroadcast v24, $0x0;
	v21 =	vor.u32 v4, v21;
	v31 =	vld [tilespmem:s11+$0xFFFFFFD0]  }
0x178: {  	s18 =	simm.s32 $0xE;
	v22 =	vor.u32 v5, v22;
	v23 =	vor.u32 v6, v23;
	v32 =	vld [tilespmem:s11+$0x0];
	v13 =	vadd.f32 v28, v13  }
0x179: {  	v12 =	vld.idx.msk [tilespmem:v12+s20+$0x0], $0xffff;
	v11 =	vadd.f32 v27, v11;
	v27 =	vmov s18;
	v17 =	vadd.f32 v26, v17  }
0x17a: {  	v14 =	vadd.f32 v29, v14;
	v29 =	vmax.f32 v13, $0.0e+00;
	v13 =	vadd.f32 v30, v15;
	v26 =	vld [tilespmem:s11+$0xFFFFFFE0]  }
0x17b: {  	s1 =	simm.s32 $0x68F0;
	v30 =	vld.idx.msk [tilespmem:v18+s20+$0x0], $0xffff;
	v18 =	vor.u32 v8, v25;
	v28 =	vmax.f32 v17, $0.0e+00;
	v17 =	vshrl.u32 v27, $0x3  }
0x17c: {  	v62 =	vld [tilespmem:s1+$0xFFFFFFF0];
	v16 =	vadd.f32 v31, v16;
	s18 =	simm.s32 $0x12;
	v27 =	vmax.f32 v11, $0.0e+00;
	v11 =	vshll.u32 v17, v3  }
0x17d: {  	s9 =	simm.s32 $0x10;
	v24 =	vor.u32 v7, v24;
	v60 =	vmov s18;
	v15 =	vbroadcast v11, $0x0;
	v11 =	vld.idx.msk [tilespmem:v20+s20+$0x0], $0xffff  }
0x17e: {  	v25 =	vmax.f32 v16, $0.0e+00;
	v16 =	vmov s9;
	v20 =	vmax.f32 v14, $0.0e+00;
	v14 =	vld.idx.msk [tilespmem:v23+s20+$0x0], $0xffff  }
0x17f: {  	s11 =	simm.s32 $0x11;
	v23 =	vshrl.u32 v16, $0x3;
	v17 =	vadd.f32 v26, v12;
	v12 =	vld.idx.msk [tilespmem:v21+s20+$0x0], $0xffff;
	v21 =	vor.u32 v9, v15  }
0x180: {  	v26 =	vmov s11;
	s11 =	simm.s32 $0x15;
	v16 =	vld.idx.msk [tilespmem:v18+s20+$0x0], $0xffff;
	v18 =	vshll.u32 v23, v3;
	v15 =	vadd.f32 v32, v19  }
0x181: {  	v63 =	vld [tilespmem:s1+$0xFFFFFF90];
	v19 =	vmax.f32 v13, $0.0e+00;
	v34 =	vmov s11;
	v23 =	vshrl.u32 v26, $0x3  }
0x182: {  	s10 =	simm.s32 $0x17;
	s18 =	simm.s32 $0xC8E0;
	v13 =	vld.idx.msk [tilespmem:v22+s20+$0x0], $0xffff;
	v26 =	vshrl.u32 v60, $0x3;
	v18 =	vbroadcast v18, $0x0;
	v22 =	vmax.f32 v17, $0.0e+00  }
0x183: {  	s9 =	simm.s32 $0x13;
	[tilespmem:s18+$0xFFFFFF20] =	vst v27;
	v17 =	vor.u32 s10, v10;
	s10 =	simm.s32 $0x14;
	v27 =	vshrl.u32 v34, $0x3;
	v31 =	vmax.f32 v15, $0.0e+00;
	v15 =	vld.idx.msk [tilespmem:v24+s20+$0x0], $0xffff  }
0x184: {  	[tilespmem:s18+$0xFFFFFF40] =	vst v29;
	v23 =	vshll.u32 v23, v3;
	v24 =	vmov s9;
	v33 =	vmov s10;
	v61 =	vld.idx.msk [tilespmem:v21+s20+$0x0], $0xffff  }
0x185: {  	[tilespmem:s18+$0xFFFFFFE0] =	vst v28;
	v26 =	vshll.u32 v26, v3;
	v21 =	vshrl.u32 v24, $0x3;
	v24 =	vshrl.u32 v33, $0x3  }
0x186: {  	[tilespmem:s18+$0xFFFFFF60] =	vst v20;
	v20 =	vbroadcast v23, $0x0;
	v21 =	vshll.u32 v21, v3;
	v28 =	vshll.u32 v24, v3;
	v24 =	vld [tilespmem:s1+$0xFFFFFFA0]  }
0x187: {  	[tilespmem:s18+$0xFFFFFF80] =	vst v19;
	v19 =	vbroadcast v26, $0x0;
	v23 =	vld [tilespmem:s1+$0xFFFFFFB0];
	v35 =	vbroadcast v21, $0x0;
	v21 =	vshll.u32 v27, v3  }
0x188: {  	[tilespmem:s18+$0xFFFFFFA0] =	vst v25;
	v26 =	vor.u32 v0, v18;
	v18 =	vbroadcast v28, $0x0;
	v27 =	vbroadcast v21, $0x0;
	v21 =	vld [tilespmem:s1+$0xFFFFFFC0]  }
0x189: {  	v30 =	vadd.f32 v63, v30;
	[tilespmem:s18+$0xFFFFFFC0] =	vst v22;
	v22 =	vor.u32 v5, v19;
	v19 =	vld [tilespmem:s1+$0xFFFFFFD0];
	v29 =	vadd.f32 v62, v61  }
0x18a: {  	s4 =	simm.s32 $0x18;
	v25 =	vld [tilespmem:s1+$0xFFFFFFE0];
	s9 =	simm.s32 $0x16;
	[tilespmem:s18+$0x0] =	vst v31;
	v28 =	vor.u32 v4, v20;
	v20 =	vor.u32 v6, v35;
	v18 =	vor.u32 v7, v18  }
.LBB2_12:
0x18b: {  	p2 =	slt.u32 s4, $0x1F8;
	v31 =	vmov s9;
	v12 =	vadd.f32 v24, v12;
	v24 =	vmax.f32 v29, $0.0e+00;
	v29 =	vld [tilespmem:s1+$0x0];
	s18 =	sadd.s32 $0x100, s18  }
0x18c: {  	v31 =	vshrl.u32 v31, $0x3;
	v30 =	vmax.f32 v30, $0.0e+00;
	v13 =	vadd.f32 v23, v13;
	[tilespmem:s18+$0xFFFFFFE0] =	vst v24  }
0x18d: {  	v23 =	vshll.u32 v31, v3;
	[tilespmem:s18+$0xFFFFFF20] =	vst v30;
	v12 =	vmax.f32 v12, $0.0e+00;
	v14 =	vadd.f32 v21, v14  }
0x18e: {  	v21 =	vbroadcast v23, $0x0;
	v23 =	vld.idx.msk [tilespmem:v17+s20+$0x0], $0xffff;
	[tilespmem:s18+$0xFFFFFF40] =	vst v12;
	v12 =	vmax.f32 v13, $0.0e+00;
	v13 =	vadd.f32 v19, v15  }
0x18f: {  	v19 =	vor.u32 v8, v27;
	v30 =	vld.idx.msk [tilespmem:v26+s20+$0x0], $0xffff;
	[tilespmem:s18+$0xFFFFFF60] =	vst v12;
	v14 =	vmax.f32 v14, $0.0e+00;
	v15 =	vadd.f32 v25, v16  }
0x190: {  	v12 =	vld.idx.msk [tilespmem:v28+s20+$0x0], $0xffff;
	v21 =	vor.u32 v9, v21;
	[tilespmem:s18+$0xFFFFFF80] =	vst v14;
	v14 =	vmax.f32 v13, $0.0e+00;
	v11 =	vadd.f32 v29, v11  }
0x191: {  	s9 =	sadd.s32 $0x7, s4;
	v13 =	vld.idx.msk [tilespmem:v22+s20+$0x0], $0xffff;
	[tilespmem:s18+$0xFFFFFFA0] =	vst v14;
	v15 =	vmax.f32 v15, $0.0e+00  }
0x192: {  	s10 =	sadd.s32 $0x1, s4;
	s11 =	sadd.s32 $0x2, s4;
	v17 =	vor.u32 s9, v10;
	v16 =	vmov s4;
	v14 =	vld.idx.msk [tilespmem:v20+s20+$0x0], $0xffff;
	[tilespmem:s18+$0xFFFFFFC0] =	vst v15;
	v27 =	vmax.f32 v11, $0.0e+00  }
0x193: {  	v24 =	vmov s11;
	s11 =	sadd.s32 $0x5, s4;
	s9 =	sadd.s32 $0x3, s4;
	v22 =	vmov s10;
	s10 =	sadd.s32 $0x4, s4;
	v20 =	vshrl.u32 v16, $0x3;
	v15 =	vld.idx.msk [tilespmem:v18+s20+$0x0], $0xffff;
	[tilespmem:s18+$0x0] =	vst v27  }
0x194: {  	v26 =	vmov s11;
	v25 =	vmov s10;
	v18 =	vmov s9;
	v16 =	vld.idx.msk [tilespmem:v19+s20+$0x0], $0xffff;
	v11 =	vmovc v23  }
0x195: {  	s1 =	sadd.s32 $0x80, s1;
	v19 =	vshll.u32 v20, v3;
	v20 =	vshrl.u32 v22, $0x3;
	v22 =	vshrl.u32 v24, $0x3;
	v29 =	vld.idx.msk [tilespmem:v21+s20+$0x0], $0xffff  }
0x196: {  	v18 =	vshrl.u32 v18, $0x3;
	v23 =	vshrl.u32 v26, $0x3;
	v21 =	vshrl.u32 v25, $0x3;
	v25 =	vld [tilespmem:s1+$0xFFFFFFF0]  }
0x197: {  	v19 =	vbroadcast v19, $0x0;
	v20 =	vshll.u32 v20, v3;
	v22 =	vshll.u32 v22, v3;
	v31 =	vld [tilespmem:s1+$0xFFFFFF90]  }
.Ltmp9:
0x198: {  	v18 =	vshll.u32 v18, v3;
	v20 =	vbroadcast v20, $0x0;
	v21 =	vshll.u32 v21, v3;
	v24 =	vld [tilespmem:s1+$0xFFFFFFA0];
	(pc) =	sbr.rel @p2 .LBB2_12-.Ltmp9, $4  }
0x199: {  	v27 =	vshll.u32 v23, v3;
	v22 =	vbroadcast v22, $0x0;
	v18 =	vbroadcast v18, $0x0;
	v23 =	vld [tilespmem:s1+$0xFFFFFFB0]  }
0x19a: {  	v27 =	vbroadcast v27, $0x0;
	v26 =	vor.u32 v0, v19;
	v32 =	vbroadcast v21, $0x0;
	v21 =	vld [tilespmem:s1+$0xFFFFFFC0]  }
0x19b: {  	v28 =	vor.u32 v4, v20;
	v22 =	vor.u32 v5, v22;
	v19 =	vld [tilespmem:s1+$0xFFFFFFD0];
	v29 =	vadd.f32 v25, v29  }
0x19c: {  	s9 =	sadd.s32 $0x6, s4;
	s4 =	sadd.s32 $0x8, s4;
	v20 =	vor.u32 v6, v18;
	v18 =	vor.u32 v7, v32;
	v30 =	vadd.f32 v31, v30;
	v25 =	vld [tilespmem:s1+$0xFFFFFFE0]  }
0x19d: {  	_ =	sdelay $0x2  }
0x19e: {  	v32 =	vld [tilespmem:s1+$0x0]  }
0x19f: {  	v17 =	vld.idx.msk [tilespmem:v17+s20+$0x0], $0xffff  }
0x1a0: {  	v26 =	vld.idx.msk [tilespmem:v26+s20+$0x0], $0xffff  }
0x1a1: {  	v28 =	vld.idx.msk [tilespmem:v28+s20+$0x0], $0xffff  }
0x1a2: {  	v22 =	vld.idx.msk [tilespmem:v22+s20+$0x0], $0xffff  }
0x1a3: {  	v20 =	vld.idx.msk [tilespmem:v20+s20+$0x0], $0xffff  }
0x1a4: {  	v31 =	vmov s9;
	v18 =	vld.idx.msk [tilespmem:v18+s20+$0x0], $0xffff;
	s11 =	sadd.s32 $0x80, s1  }
0x1a5: {  	v27 =	vor.u32 v8, v27;
	v31 =	vshrl.u32 v31, $0x3;
	v43 =	vld [tilespmem:s11+$0xFFFFFFF0]  }
0x1a6: {  	v12 =	vadd.f32 v24, v12;
	v41 =	vmax.f32 v29, $0.0e+00;
	s4 =	sadd.s32 $0x100, s18;
	v44 =	vld [tilespmem:s11+$0xFFFFFF90];
	v31 =	vshll.u32 v31, v3  }
0x1a7: {  	v30 =	vmax.f32 v30, $0.0e+00;
	v13 =	vadd.f32 v23, v13;
	[tilespmem:s4+$0xFFFFFFE0] =	vst v41;
	v47 =	vld [tilespmem:s11+$0xFFFFFFA0];
	v31 =	vbroadcast v31, $0x0  }
0x1a8: {  	v50 =	vld [tilespmem:s11+$0xFFFFFFB0];
	[tilespmem:s4+$0xFFFFFF20] =	vst v30;
	v12 =	vmax.f32 v12, $0.0e+00;
	v14 =	vadd.f32 v21, v14  }
0x1a9: {  	v52 =	vld [tilespmem:s11+$0xFFFFFFC0];
	[tilespmem:s4+$0xFFFFFF40] =	vst v12;
	v45 =	vmax.f32 v13, $0.0e+00;
	v46 =	vadd.f32 v19, v15;
	v31 =	vor.u32 v9, v31  }
0x1aa: {  	v54 =	vld [tilespmem:s11+$0xFFFFFFD0];
	[tilespmem:s4+$0xFFFFFF60] =	vst v45;
	v48 =	vmax.f32 v14, $0.0e+00;
	v11 =	vadd.f32 v32, v11  }
0x1ab: {  	v57 =	vld [tilespmem:s11+$0xFFFFFFE0];
	v49 =	vadd.f32 v25, v16;
	[tilespmem:s4+$0xFFFFFF80] =	vst v48;
	v51 =	vmax.f32 v46, $0.0e+00  }
0x1ac: {  	v27 =	vld.idx.msk [tilespmem:v27+s20+$0x0], $0xffff;
	[tilespmem:s4+$0xFFFFFFA0] =	vst v51;
	v56 =	vadd.f32 v44, v26;
	v11 =	vmax.f32 v11, $0.0e+00  }
0x1ad: {  	v59 =	vld [tilespmem:s11+$0x0];
	v53 =	vmax.f32 v49, $0.0e+00;
	[tilespmem:s4+$0x0] =	vst v11;
	v11 =	vadd.f32 v47, v28  }
0x1ae: {  	s18 =	sadd.s32 $0x100, s4;
	v16 =	vadd.f32 v50, v22;
	[tilespmem:s4+$0xFFFFFFC0] =	vst v53;
	v12 =	vmax.f32 v56, $0.0e+00;
	v42 =	vld.idx.msk [tilespmem:v31+s20+$0x0], $0xffff  }
0x1af: {  	v60 =	vadd.f32 v52, v20;
	[tilespmem:s18+$0xFFFFFF20] =	vst v12;
	v11 =	vmax.f32 v11, $0.0e+00  }
0x1b0: {  	v61 =	vadd.f32 v54, v18;
	[tilespmem:s18+$0xFFFFFF40] =	vst v11;
	v11 =	vmax.f32 v16, $0.0e+00  }
0x1b1: {  	v62 =	vadd.f32 v57, v27;
	[tilespmem:s18+$0xFFFFFF60] =	vst v11;
	v11 =	vmax.f32 v60, $0.0e+00  }
.Ltmp10:
0x1b2: {  	v63 =	vadd.f32 v59, v17;
	[tilespmem:s18+$0xFFFFFF80] =	vst v11;
	v11 =	vmax.f32 v61, $0.0e+00;
	(pc) =	sbr.rel .LBB2_14-.Ltmp10, $4  }
0x1b3: {  	[tilespmem:s18+$0xFFFFFFA0] =	vst v11;
	v11 =	vmax.f32 v62, $0.0e+00;
	v55 =	vadd.f32 v43, v42  }
0x1b4: {  	[tilespmem:s18+$0xFFFFFFC0] =	vst v11;
	v11 =	vmax.f32 v63, $0.0e+00  }
0x1b5: {  	[tilespmem:s18+$0x0] =	vst v11;
	v58 =	vmax.f32 v55, $0.0e+00  }
0x1b6: {  	[tilespmem:s18+$0xFFFFFFE0] =	vst v58  }
.LBB2_16:
0x1b7: {  	_ =	sfence.sel $0x180000  }
0x1b8: {  	[bflag:$0x0] =	sbarrier.arrive $0xFFFF  }
0x1b9: {  	_ =	strace $0x90000047  }
0x1ba: {  	s0 =	stileid.u32;
	[bflag:$0x2] =	sbarrier.arrive $0xFFFF  }
0x1bb: {  	p0 =	sne.s32 s0, $0x0;
	s0 =	rddreg [dreg:$0x4]  }
0x1bc: {  	s0 =	sadd.s32 @!p0 $0x100000, s0  }
0x1bd: {  	[sflag:s0] =	ssyncadd.tile.s32 @!p0 $0x1;
	_ =	shalt  }
.Lfunc_end2:
_tile_overlayer_lowered:
.L_overlay_start_2:
0x1be: {  	(tag) =	ssettag $0x2  }
0x1bf: {  	s0 =	rddreg [dreg:$0x0];
	s2 =	stileid.u32  }
0x1c0: {  	s1 =	rddreg [dreg:$0x1];
	p0 =	sne.s32 s2, $0x0  }
0x1c1: {  	s3 =	rddreg [dreg:$0x2];
	[bflag:$0x3] =	sbarrier.arrive $0xFFFF;
	s2 =	simm.s32 @!p0 $0x1C04  }
0x1c2: {  	[timem:s3], [sflag:s2] =	dma.local @!p0 [hbm:s0], s1  }
0x1c3: {  	s0 =	simm.s32 @!p0 $0x4  }
0x1c4: {  	_ =	swait.ge @!p0 [sflag:s0], s1  }
0x1c5: {  	s1 =	ssub.s32 @!p0 $0x0, s1;
	[sflag:s0] =	ssyncset.done @!p0 $0x0  }
0x1c6: {  	[sflag:s0] =	ssyncadd.s32 @!p0 s1  }
0x1c7: {  	[bflag:$0x3] =	sbarrier.arrive $0xFFFF  }
0x1c8: {  	_ =	shalt  }

</sc_bundles>
